<compile_context>
chip_gen: v7x
topology: tpu7x:2x2x1
jax: 0.10.2.dev20260603
libtpu: 0.0.44.dev20260713+nightly
codegen_flags: <defaults>
</compile_context>

<pallas_src>
import jax
import jax.numpy as jnp
from jax import lax
from jax.experimental import pallas as pl
from jax.experimental.pallas import tpu as pltpu
from jax.experimental.pallas import tpu_sc as plsc

NP_ = 8
N_ = 500
NPAD = 512
BIG = 1e30
L = 16
NC = 2
NS = 16
NW = NC * NS
NSUB = 2
SUBN = NPAD // NSUB
IMASK = 0x1FF
KINIT = 0x7F7FFFFF


def _lrelu(t):
    return jnp.where(t >= 0, t, 0.01 * t)


def _dg(lhs, rhs, lc, rc):
    return lax.dot_general(lhs, rhs, (((lc,), (rc,)), ((), ())),
                           preferred_element_type=jnp.float32)


def _insert(ks, c):
    ks = list(ks)
    for t in range(NP_):
        nk = jnp.minimum(ks[t], c)
        c = jnp.maximum(ks[t], c)
        ks[t] = nk
    return tuple(ks)


def _sc_body(pt_h, tt_h, k2_h,
             px_v, py_v, pz_v, qtx, qty, qtz, k2b):
    wid = lax.axis_index("s") * NC + lax.axis_index("c")
    base = wid * L

    pltpu.sync_copy(pt_h.at[pl.ds(0, NPAD)], px_v.at[pl.ds(0, NPAD)])
    pltpu.sync_copy(pt_h.at[pl.ds(NPAD, NPAD)], py_v.at[pl.ds(0, NPAD)])
    pltpu.sync_copy(pt_h.at[pl.ds(2 * NPAD, NPAD)], pz_v.at[pl.ds(0, NPAD)])
    pltpu.sync_copy(tt_h.at[pl.ds(base, L)], qtx)
    pltpu.sync_copy(tt_h.at[pl.ds(NPAD + base, L)], qty)
    pltpu.sync_copy(tt_h.at[pl.ds(2 * NPAD + base, L)], qtz)

    atx, aty, atz = qtx[...], qty[...], qtz[...]

    JB = 8

    def body(ch, carry):
        chains = list(carry)
        off = ch * JB
        refs = []
        for q in range(NSUB):
            o = q * SUBN + off
            refs.append((px_v[pl.ds(o, L)], py_v[pl.ds(o, L)],
                         pz_v[pl.ds(o, L)]))
        for j in range(JB):
            for q in range(NSUB):
                sx, sy, sz = refs[q][0][j], refs[q][1][j], refs[q][2][j]
                ex, ey, ez = atx - sx, aty - sy, atz - sz
                d2 = ex * ex + ey * ey + ez * ez
                m = q * SUBN + off + j
                c2 = (lax.bitcast_convert_type(d2, jnp.int32) & ~IMASK) | m
                chains[q] = _insert(chains[q], c2)
        return tuple(chains)

    kinit = tuple(jnp.full((L,), KINIT, jnp.int32) for _ in range(NP_))
    chains = lax.fori_loop(0, SUBN // JB, body, (kinit,) * NSUB)

    k2 = chains[0]
    for q in range(1, NSUB):
        for t in range(NP_):
            k2 = _insert(k2, chains[q][t])

    for t in range(NP_):
        k2b[pl.ds(t * L, L)] = k2[t]
    for t in range(NP_):
        pltpu.sync_copy(k2b.at[pl.ds(t * L, L)],
                        k2_h.at[t, pl.ds(base, L)])


def _sc_knn(ptf, ttf):
    i32 = jnp.int32
    run = pl.kernel(
        _sc_body,
        out_type=jax.ShapeDtypeStruct((NP_, NPAD), i32),
        mesh=plsc.VectorSubcoreMesh(core_axis_name="c", subcore_axis_name="s"),
        scratch_types=(
            [pltpu.VMEM((NPAD + L,), jnp.float32) for _ in range(3)]
            + [pltpu.VMEM((L,), jnp.float32) for _ in range(3)]
            + [pltpu.VMEM((L * NP_,), i32)]
        ),
    )
    return run(ptf, ttf)


def _tc1_body(cloud_ref, tar_ref, C2_ref, img_ref,
              Wp1_r, bp1_r, Wp2_r, bp2_r, W1_r, b1_r, W2_r, b2_r,
              Wps1_r, bps1_r, Wps2_r, bps2_r,
              Wf1_r, bf1_r, Wf2_r, bf2_r,
              final1_ref, f2b_ref, spfull_ref):
    col_iota = jax.lax.broadcasted_iota(jnp.int32, (1, NPAD), 1)
    row_iota = jax.lax.broadcasted_iota(jnp.int32, (NPAD, 1), 0)
    ones8 = jnp.ones((1, 8), jnp.float32)

    P = jnp.pad(cloud_ref[...][0], ((0, NPAD - N_), (0, 5)))
    T = jnp.pad(tar_ref[...][0], ((0, NPAD - N_), (0, 5)))
    Ccm = jnp.pad(C2_ref[...], ((0, 5), (0, NPAD - N_)))
    Gcm = jnp.pad(img_ref[...][0], ((0, 0), (0, NPAD - N_)))

    pn = _dg(P * P, ones8, 1, 1)
    tn = _dg(ones8, T * T, 1, 1)
    cn = _dg(Ccm * Ccm, ones8, 0, 1)

    d1 = pn + tn - 2.0 * _dg(P, T, 1, 1)
    e1sq = cn + tn - 2.0 * _dg(Ccm, T, 0, 1)

    dd = jnp.where(col_iota >= N_, BIG, d1)
    idxs, vals = [], []
    for _ in range(NP_):
        rowmin = jnp.min(dd, axis=1, keepdims=True)
        cand = jnp.where(dd == rowmin, col_iota, NPAD)
        mstar = jnp.min(cand, axis=1, keepdims=True)
        mask = col_iota == mstar
        idxs.append(mstar)
        vals.append(jnp.sum(jnp.where(mask, e1sq, 0.0), axis=1, keepdims=True))
        dd = jnp.where(mask, BIG, dd)

    l1 = jnp.concatenate([-jnp.sqrt(jnp.maximum(v, 0.0)) for v in vals], axis=1)
    l1 = jnp.where(row_iota < N_, l1, -BIG)
    w1 = jnp.exp(l1 - jnp.max(l1))
    r1 = 1.0 / (NP_ * jnp.sum(w1))

    A1 = jnp.zeros((NPAD, NPAD), jnp.float32)
    for t in range(NP_):
        A1 = A1 + w1[:, t:t + 1] * (col_iota == idxs[t]).astype(jnp.float32)

    def mlp2(X, Wa, ba, Wb, bb, xc):
        h = _lrelu(_dg(X, Wa[...], xc, 1) + ba[...][None, :])
        return _dg(h, Wb[...], 1, 1) + bb[...][None, :]

    Wp1p = jnp.pad(Wp1_r[...], ((0, 0), (0, 5)))
    cf = mlp2(P, Wp1p, bp1_r, Wp2_r, bp2_r, 1)
    sfull = mlp2(Gcm, W1_r, b1_r, W2_r, b2_r, 0)
    spfull_ref[...] = mlp2(cf, Wps1_r, bps1_r, Wps2_r, bps2_r, 1)

    sf = _dg(A1, sfull, 1, 0) * r1
    Wf1 = Wf1_r[...]
    final1_ref[...] = (_dg(sf, Wf1[:, :128], 1, 1) + _dg(cf, Wf1[:, 128:], 1, 1)
                       + bf1_r[...][None, :])
    f2b_ref[...] = _dg(Gcm, Wf2_r[...][:, 128:], 0, 1) + bf2_r[...][None, :]


def _tc2_body(k2_ref, spfull_ref, final1_ref, f2b_ref,
              Wf2_r, Wf_r, bf_r, out_ref):
    col_iota = jax.lax.broadcasted_iota(jnp.int32, (1, NPAD), 1)
    row_iota = jax.lax.broadcasted_iota(jnp.int32, (NPAD, 1), 0)
    col_ok = (col_iota < N_).astype(jnp.float32)

    k2 = k2_ref[...]
    i2 = k2 & IMASK
    d2v = lax.bitcast_convert_type(k2 & ~IMASK, jnp.float32)
    w2 = jnp.exp(-jnp.sqrt(jnp.maximum(d2v, 0.0))) * col_ok
    r2 = 1.0 / (NP_ * jnp.sum(w2))

    B2 = jnp.zeros((NPAD, NPAD), jnp.float32)
    for t in range(NP_):
        B2 = B2 + w2[t:t + 1, :] * (row_iota == i2[t:t + 1, :]).astype(jnp.float32)

    sfp = _dg(B2, spfull_ref[...], 0, 0) * r2
    final2 = _dg(sfp, Wf2_r[...][:, :128], 1, 1) + f2b_ref[...]
    Wf = Wf_r[...]
    out = (_dg(Wf[:, :64], _lrelu(final2), 1, 1)
           + _dg(Wf[:, 64:], _lrelu(final1_ref[...]), 1, 1)
           + bf_r[...][:, None])
    out_ref[...] = out[:, :N_][None]


def kernel(img_feat, cloud, cloud_tar, W1, b1, W2, b2, Wps1, bps1, Wps2, bps2,
           Wp1, bp1, Wp2, bp2, Wf1, bf1, Wf2, bf2, Wf, bf):
    f32 = jnp.float32

    def planes(pts):
        return jnp.pad(pts.T, ((0, 0), (0, NPAD - N_)),
                       constant_values=1e17).astype(f32).reshape(-1)

    P3 = cloud[0]
    T3 = cloud_tar[0]
    k2x = _sc_knn(planes(P3), planes(T3))

    C2 = cloud.reshape(3, N_)

    tc1_args = (cloud, cloud_tar, C2, img_feat,
                Wp1, bp1, Wp2, bp2, W1, b1, W2, b2,
                Wps1, bps1, Wps2, bps2, Wf1, bf1, Wf2, bf2)
    final1, f2b, spfull = pl.pallas_call(
        _tc1_body,
        out_shape=(jax.ShapeDtypeStruct((NPAD, 64), f32),
                   jax.ShapeDtypeStruct((NPAD, 64), f32),
                   jax.ShapeDtypeStruct((NPAD, 128), f32)),
        in_specs=[pl.BlockSpec(memory_space=pltpu.VMEM) for _ in tc1_args],
        out_specs=(pl.BlockSpec(memory_space=pltpu.VMEM),) * 3,
    )(*tc1_args)

    tc2_args = (k2x, spfull, final1, f2b, Wf2, Wf, bf)
    out = pl.pallas_call(
        _tc2_body,
        out_shape=jax.ShapeDtypeStruct((1, 64, N_), f32),
        in_specs=[pl.BlockSpec(memory_space=pltpu.VMEM) for _ in tc2_args],
        out_specs=pl.BlockSpec(memory_space=pltpu.VMEM),
    )(*tc2_args)

    return out

# --- scband reference (transcript-rebuilt; emitter-appended) ---
"""Pipeline reference for scband-pseudo3-dconv-62311385530411 (READ-ONLY COPY).

The authoritative reference and input builder live on the scoring server;
editing this copy changes nothing except your own understanding.
"""

import jax, jax.numpy as jnp
import numpy as np

NP = 8
N_PTS = 500

def _conv1x1(x, W, b):
    return jnp.einsum('oc,bcn->bon', W, x) + b[None, :, None]

def _knn_inds(ref, query, k):
    # ref, query: [1, 3, N]; returns [1, Nq, k] indices into ref, ascending distance
    r = ref[0].T
    q = query[0].T
    d2 = jnp.sum(q * q, axis=1)[:, None] + jnp.sum(r * r, axis=1)[None, :] - 2.0 * (q @ r.T)
    _, idx = jax.lax.top_k(-d2, k)
    return idx[None]

def setup_inputs(seed: int = 0):
    key = jax.random.key(seed)
    ks = [jax.random.fold_in(key, i) for i in range(30)]
    inp = {}
    inp['img_feat'] = jax.random.normal(ks[0], (1, 32, N_PTS), dtype=jnp.float32)
    inp['cloud'] = jax.random.normal(ks[1], (1, N_PTS, 3), dtype=jnp.float32)
    inp['cloud_tar'] = jax.random.normal(ks[2], (1, N_PTS, 3), dtype=jnp.float32)
    def w(i, o, c):
        return jax.random.normal(ks[i], (o, c), dtype=jnp.float32) * 0.1
    def b(i, o):
        return jax.random.normal(ks[i], (o,), dtype=jnp.float32) * 0.01
    inp['W1'] = w(3, 64, 32); inp['b1'] = b(4, 64)
    inp['W2'] = w(5, 128, 64); inp['b2'] = b(6, 128)
    inp['Wps1'] = w(7, 256, 128); inp['bps1'] = b(8, 256)
    inp['Wps2'] = w(9, 128, 256); inp['bps2'] = b(10, 128)
    inp['Wp1'] = w(11, 64, 3); inp['bp1'] = b(12, 64)
    inp['Wp2'] = w(13, 128, 64); inp['bp2'] = b(14, 128)
    inp['Wf1'] = w(15, 64, 256); inp['bf1'] = b(16, 64)
    inp['Wf2'] = w(17, 64, 160); inp['bf2'] = b(18, 64)
    inp['Wf'] = w(19, 64, 128); inp['bf'] = b(20, 64)
    return inp

def reference(img_feat, cloud, cloud_tar, W1, b1, W2, b2, Wps1, bps1, Wps2, bps2, Wp1, bp1, Wp2, bp2, Wf1, bf1, Wf2, bf2, Wf, bf):
    lrelu = lambda t: jax.nn.leaky_relu(t, 0.01)
    cloud_t = jnp.transpose(cloud, (0, 2, 1))        # [1,3,500]
    tar_t = jnp.transpose(cloud_tar, (0, 2, 1))      # [1,3,500]
    inds = _knn_inds(tar_t, cloud_t, NP)             # [1,500,8] into cloud_tar
    inds_tc = _knn_inds(cloud_t, tar_t, NP)          # [1,500,8] into cloud
    cf = _conv1x1(cloud_t, Wp1, bp1)
    cf = _conv1x1(lrelu(cf), Wp2, bp2)               # [1,128,500]
    idx = inds.reshape(-1)
    idx_tc = inds_tc.reshape(-1)
    sel_feat = jnp.take(img_feat, idx, axis=2)       # [1,32,4000]
    sel_feat_pt = jnp.take(cf, idx_tc, axis=2)       # [1,128,4000]
    sel_pts = jnp.take(tar_t, idx, axis=2)           # [1,3,4000]
    sel_pts_tc = jnp.take(cloud_t, idx_tc, axis=2)   # [1,3,4000]
    # faithful to torch: raw .view reshape of [1,500,3] into [1,3,1,500]
    cp = jnp.reshape(cloud, (1, 3, 1, -1))
    cp = jnp.transpose(jnp.tile(cp, (1, 1, NP, 1)), (0, 1, 3, 2)).reshape(1, 3, -1)
    w_ = jax.nn.softmax(-1.0 * jnp.linalg.norm(cp - sel_pts, axis=1).reshape(1, -1), axis=1)
    cpt = jnp.reshape(tar_t, (1, 3, 1, -1))
    cpt = jnp.transpose(jnp.tile(cpt, (1, 1, NP, 1)), (0, 1, 3, 2)).reshape(1, 3, -1)
    w_tc = jax.nn.softmax(-1.0 * jnp.linalg.norm(cpt - sel_pts_tc, axis=1).reshape(1, -1), axis=1)
    sf = _conv1x1(sel_feat, W1, b1)
    sf = _conv1x1(lrelu(sf), W2, b2)                 # [1,128,4000]
    sfp = _conv1x1(sel_feat_pt, Wps1, bps1)
    sfp = _conv1x1(lrelu(sfp), Wps2, bps2)           # [1,128,4000]
    sf = sf * w_[:, None, :]
    sfp = sfp * w_tc[:, None, :]
    sf = sf.reshape(1, 128, N_PTS, NP).mean(axis=3)  # AvgPool1d(8)
    sfp = sfp.reshape(1, 128, N_PTS, NP).mean(axis=3)
    final1 = _conv1x1(jnp.concatenate([sf, cf], axis=1), Wf1, bf1)
    final2 = _conv1x1(jnp.concatenate([sfp, img_feat], axis=1), Wf2, bf2)
    final = jnp.concatenate([final2, final1], axis=1)
    return _conv1x1(lrelu(final), Wf, bf)            # [1,64,500]

if __name__ == "__main__":
    import jax
    _d = setup_inputs()
    print(jax.jit(kernel)(*tuple(_d.values())))

</pallas_src>

<mosaic_0001>
#map = affine_map<(d0, d1) -> (0)>
#map1 = affine_map<(d0, d1) -> (0, 0)>
module attributes {stable_mosaic.version = 14 : i64} {
  func.func @_sc_body(%arg0: i32, %arg1: i32, %arg2: memref<1536xf32, #tpu.memory_space<hbm>>, %arg3: memref<1536xf32, #tpu.memory_space<hbm>>, %arg4: memref<8x512xi32, #tpu.memory_space<hbm>>, %arg5: memref<528xf32, #tpu.memory_space<vmem>>, %arg6: memref<528xf32, #tpu.memory_space<vmem>>, %arg7: memref<528xf32, #tpu.memory_space<vmem>>, %arg8: memref<16xf32, #tpu.memory_space<vmem>>, %arg9: memref<16xf32, #tpu.memory_space<vmem>>, %arg10: memref<16xf32, #tpu.memory_space<vmem>>, %arg11: memref<128xi32, #tpu.memory_space<vmem>>) attributes {dimension_semantics = [#tpu.dimension_semantics<core_parallel>, #tpu.dimension_semantics<subcore_parallel>], iteration_bounds = array<i64: 2, 16>, scalar_prefetch = 0 : i64, scratch_operands = 7 : i64, tpu.core_type = #tpu.core_type<sc_vector_subcore>, window_params = [{transform_indices = #map}, {transform_indices = #map}, {transform_indices = #map1}]} {
    %mul3A = arith.constant 2 : i32
    %mul3A_0 = arith.muli %arg1, %mul3A : i32
    %add3A = arith.addi %mul3A_0, %arg0 : i32
    %mul3A_1 = arith.constant 16 : i32
    %mul3A_2 = arith.muli %add3A, %mul3A_1 : i32
    "tpu.region"() ({
      %run_scoped3A_199 = tpu.sem_alloc : memref<!tpu.dma_semaphore, #tpu.memory_space<semaphore_mem>>
      %dma_start3A = arith.constant 0 : i32
      %dma_start3A_200 = tpu.memref_slice %arg5[%dma_start3A] : memref<528xf32, #tpu.memory_space<vmem>> -> memref<512xf32, #tpu.memory_space<vmem>>
      %dma_start3A_201 = arith.constant 0 : i32
      %dma_start3A_202 = tpu.memref_slice %arg2[%dma_start3A_201] : memref<1536xf32, #tpu.memory_space<hbm>> -> memref<512xf32, #tpu.memory_space<hbm>>
      %dma_start3A_203 = arith.constant 0 : i32
      %dma_start3A_204 = tpu.memref_slice %arg5[%dma_start3A_203] : memref<528xf32, #tpu.memory_space<vmem>> -> memref<512xf32, #tpu.memory_space<vmem>>
      %dma_start3A_205 = arith.constant 0 : i32
      %dma_start3A_206 = tpu.memref_slice %arg2[%dma_start3A_205] : memref<1536xf32, #tpu.memory_space<hbm>> -> memref<512xf32, #tpu.memory_space<hbm>>
      tpu.enqueue_dma source(%dma_start3A_206 : memref<512xf32, #tpu.memory_space<hbm>>) target(%dma_start3A_204 : memref<512xf32, #tpu.memory_space<vmem>>) target_semaphore(%run_scoped3A_199 : memref<!tpu.dma_semaphore, #tpu.memory_space<semaphore_mem>>)
      %dma_wait3A = arith.constant 0 : i32
      %dma_wait3A_207 = tpu.memref_slice %arg5[%dma_wait3A] : memref<528xf32, #tpu.memory_space<vmem>> -> memref<512xf32, #tpu.memory_space<vmem>>
      %dma_wait3A_208 = arith.constant 0 : i32
      %dma_wait3A_209 = tpu.memref_slice %arg2[%dma_wait3A_208] : memref<1536xf32, #tpu.memory_space<hbm>> -> memref<512xf32, #tpu.memory_space<hbm>>
      %dma_wait3A_210 = arith.constant 0 : i32
      %dma_wait3A_211 = tpu.memref_slice %arg5[%dma_wait3A_210] : memref<528xf32, #tpu.memory_space<vmem>> -> memref<512xf32, #tpu.memory_space<vmem>>
      %dma_wait3A_212 = arith.constant 0 : i32
      %dma_wait3A_213 = tpu.memref_slice %arg2[%dma_wait3A_212] : memref<1536xf32, #tpu.memory_space<hbm>> -> memref<512xf32, #tpu.memory_space<hbm>>
      tpu.wait_dma2 semaphore(%run_scoped3A_199 : memref<!tpu.dma_semaphore, #tpu.memory_space<semaphore_mem>>) src(%dma_wait3A_213 : memref<512xf32, #tpu.memory_space<hbm>>) dst(%dma_wait3A_211 : memref<512xf32, #tpu.memory_space<vmem>>)
      tpu.yield
    }) : () -> ()
    "tpu.region"() ({
      %run_scoped3A_199 = tpu.sem_alloc : memref<!tpu.dma_semaphore, #tpu.memory_space<semaphore_mem>>
      %dma_start3A = arith.constant 0 : i32
      %dma_start3A_200 = tpu.memref_slice %arg6[%dma_start3A] : memref<528xf32, #tpu.memory_space<vmem>> -> memref<512xf32, #tpu.memory_space<vmem>>
      %dma_start3A_201 = arith.constant 512 : i32
      %dma_start3A_202 = tpu.memref_slice %arg2[%dma_start3A_201] : memref<1536xf32, #tpu.memory_space<hbm>> -> memref<512xf32, #tpu.memory_space<hbm>>
      %dma_start3A_203 = arith.constant 0 : i32
      %dma_start3A_204 = tpu.memref_slice %arg6[%dma_start3A_203] : memref<528xf32, #tpu.memory_space<vmem>> -> memref<512xf32, #tpu.memory_space<vmem>>
      %dma_start3A_205 = arith.constant 512 : i32
      %dma_start3A_206 = tpu.memref_slice %arg2[%dma_start3A_205] : memref<1536xf32, #tpu.memory_space<hbm>> -> memref<512xf32, #tpu.memory_space<hbm>>
      tpu.enqueue_dma source(%dma_start3A_206 : memref<512xf32, #tpu.memory_space<hbm>>) target(%dma_start3A_204 : memref<512xf32, #tpu.memory_space<vmem>>) target_semaphore(%run_scoped3A_199 : memref<!tpu.dma_semaphore, #tpu.memory_space<semaphore_mem>>)
      %dma_wait3A = arith.constant 0 : i32
      %dma_wait3A_207 = tpu.memref_slice %arg6[%dma_wait3A] : memref<528xf32, #tpu.memory_space<vmem>> -> memref<512xf32, #tpu.memory_space<vmem>>
      %dma_wait3A_208 = arith.constant 512 : i32
      %dma_wait3A_209 = tpu.memref_slice %arg2[%dma_wait3A_208] : memref<1536xf32, #tpu.memory_space<hbm>> -> memref<512xf32, #tpu.memory_space<hbm>>
      %dma_wait3A_210 = arith.constant 0 : i32
      %dma_wait3A_211 = tpu.memref_slice %arg6[%dma_wait3A_210] : memref<528xf32, #tpu.memory_space<vmem>> -> memref<512xf32, #tpu.memory_space<vmem>>
      %dma_wait3A_212 = arith.constant 512 : i32
      %dma_wait3A_213 = tpu.memref_slice %arg2[%dma_wait3A_212] : memref<1536xf32, #tpu.memory_space<hbm>> -> memref<512xf32, #tpu.memory_space<hbm>>
      tpu.wait_dma2 semaphore(%run_scoped3A_199 : memref<!tpu.dma_semaphore, #tpu.memory_space<semaphore_mem>>) src(%dma_wait3A_213 : memref<512xf32, #tpu.memory_space<hbm>>) dst(%dma_wait3A_211 : memref<512xf32, #tpu.memory_space<vmem>>)
      tpu.yield
    }) : () -> ()
    "tpu.region"() ({
      %run_scoped3A_199 = tpu.sem_alloc : memref<!tpu.dma_semaphore, #tpu.memory_space<semaphore_mem>>
      %dma_start3A = arith.constant 0 : i32
      %dma_start3A_200 = tpu.memref_slice %arg7[%dma_start3A] : memref<528xf32, #tpu.memory_space<vmem>> -> memref<512xf32, #tpu.memory_space<vmem>>
      %dma_start3A_201 = arith.constant 1024 : i32
      %dma_start3A_202 = tpu.memref_slice %arg2[%dma_start3A_201] : memref<1536xf32, #tpu.memory_space<hbm>> -> memref<512xf32, #tpu.memory_space<hbm>>
      %dma_start3A_203 = arith.constant 0 : i32
      %dma_start3A_204 = tpu.memref_slice %arg7[%dma_start3A_203] : memref<528xf32, #tpu.memory_space<vmem>> -> memref<512xf32, #tpu.memory_space<vmem>>
      %dma_start3A_205 = arith.constant 1024 : i32
      %dma_start3A_206 = tpu.memref_slice %arg2[%dma_start3A_205] : memref<1536xf32, #tpu.memory_space<hbm>> -> memref<512xf32, #tpu.memory_space<hbm>>
      tpu.enqueue_dma source(%dma_start3A_206 : memref<512xf32, #tpu.memory_space<hbm>>) target(%dma_start3A_204 : memref<512xf32, #tpu.memory_space<vmem>>) target_semaphore(%run_scoped3A_199 : memref<!tpu.dma_semaphore, #tpu.memory_space<semaphore_mem>>)
      %dma_wait3A = arith.constant 0 : i32
      %dma_wait3A_207 = tpu.memref_slice %arg7[%dma_wait3A] : memref<528xf32, #tpu.memory_space<vmem>> -> memref<512xf32, #tpu.memory_space<vmem>>
      %dma_wait3A_208 = arith.constant 1024 : i32
      %dma_wait3A_209 = tpu.memref_slice %arg2[%dma_wait3A_208] : memref<1536xf32, #tpu.memory_space<hbm>> -> memref<512xf32, #tpu.memory_space<hbm>>
      %dma_wait3A_210 = arith.constant 0 : i32
      %dma_wait3A_211 = tpu.memref_slice %arg7[%dma_wait3A_210] : memref<528xf32, #tpu.memory_space<vmem>> -> memref<512xf32, #tpu.memory_space<vmem>>
      %dma_wait3A_212 = arith.constant 1024 : i32
      %dma_wait3A_213 = tpu.memref_slice %arg2[%dma_wait3A_212] : memref<1536xf32, #tpu.memory_space<hbm>> -> memref<512xf32, #tpu.memory_space<hbm>>
      tpu.wait_dma2 semaphore(%run_scoped3A_199 : memref<!tpu.dma_semaphore, #tpu.memory_space<semaphore_mem>>) src(%dma_wait3A_213 : memref<512xf32, #tpu.memory_space<hbm>>) dst(%dma_wait3A_211 : memref<512xf32, #tpu.memory_space<vmem>>)
      tpu.yield
    }) : () -> ()
    "tpu.region"() ({
      %run_scoped3A_199 = tpu.sem_alloc : memref<!tpu.dma_semaphore, #tpu.memory_space<semaphore_mem>>
      %dma_start3A = tpu.memref_slice %arg3[%mul3A_2] : memref<1536xf32, #tpu.memory_space<hbm>> -> memref<16xf32, #tpu.memory_space<hbm>>
      %dma_start3A_200 = tpu.memref_slice %arg3[%mul3A_2] : memref<1536xf32, #tpu.memory_space<hbm>> -> memref<16xf32, #tpu.memory_space<hbm>>
      tpu.enqueue_dma source(%dma_start3A_200 : memref<16xf32, #tpu.memory_space<hbm>>) target(%arg8 : memref<16xf32, #tpu.memory_space<vmem>>) target_semaphore(%run_scoped3A_199 : memref<!tpu.dma_semaphore, #tpu.memory_space<semaphore_mem>>)
      %dma_wait3A = tpu.memref_slice %arg3[%mul3A_2] : memref<1536xf32, #tpu.memory_space<hbm>> -> memref<16xf32, #tpu.memory_space<hbm>>
      %dma_wait3A_201 = tpu.memref_slice %arg3[%mul3A_2] : memref<1536xf32, #tpu.memory_space<hbm>> -> memref<16xf32, #tpu.memory_space<hbm>>
      tpu.wait_dma2 semaphore(%run_scoped3A_199 : memref<!tpu.dma_semaphore, #tpu.memory_space<semaphore_mem>>) src(%dma_wait3A_201 : memref<16xf32, #tpu.memory_space<hbm>>) dst(%arg8 : memref<16xf32, #tpu.memory_space<vmem>>)
      tpu.yield
    }) : () -> ()
    %add3A_3 = arith.constant 512 : i32
    %add3A_4 = arith.addi %add3A_3, %mul3A_2 : i32
    "tpu.region"() ({
      %run_scoped3A_199 = tpu.sem_alloc : memref<!tpu.dma_semaphore, #tpu.memory_space<semaphore_mem>>
      %dma_start3A = tpu.memref_slice %arg3[%add3A_4] : memref<1536xf32, #tpu.memory_space<hbm>> -> memref<16xf32, #tpu.memory_space<hbm>>
      %dma_start3A_200 = tpu.memref_slice %arg3[%add3A_4] : memref<1536xf32, #tpu.memory_space<hbm>> -> memref<16xf32, #tpu.memory_space<hbm>>
      tpu.enqueue_dma source(%dma_start3A_200 : memref<16xf32, #tpu.memory_space<hbm>>) target(%arg9 : memref<16xf32, #tpu.memory_space<vmem>>) target_semaphore(%run_scoped3A_199 : memref<!tpu.dma_semaphore, #tpu.memory_space<semaphore_mem>>)
      %dma_wait3A = tpu.memref_slice %arg3[%add3A_4] : memref<1536xf32, #tpu.memory_space<hbm>> -> memref<16xf32, #tpu.memory_space<hbm>>
      %dma_wait3A_201 = tpu.memref_slice %arg3[%add3A_4] : memref<1536xf32, #tpu.memory_space<hbm>> -> memref<16xf32, #tpu.memory_space<hbm>>
      tpu.wait_dma2 semaphore(%run_scoped3A_199 : memref<!tpu.dma_semaphore, #tpu.memory_space<semaphore_mem>>) src(%dma_wait3A_201 : memref<16xf32, #tpu.memory_space<hbm>>) dst(%arg9 : memref<16xf32, #tpu.memory_space<vmem>>)
      tpu.yield
    }) : () -> ()
    %add3A_5 = arith.constant 1024 : i32
    %add3A_6 = arith.addi %add3A_5, %mul3A_2 : i32
    "tpu.region"() ({
      %run_scoped3A_199 = tpu.sem_alloc : memref<!tpu.dma_semaphore, #tpu.memory_space<semaphore_mem>>
      %dma_start3A = tpu.memref_slice %arg3[%add3A_6] : memref<1536xf32, #tpu.memory_space<hbm>> -> memref<16xf32, #tpu.memory_space<hbm>>
      %dma_start3A_200 = tpu.memref_slice %arg3[%add3A_6] : memref<1536xf32, #tpu.memory_space<hbm>> -> memref<16xf32, #tpu.memory_space<hbm>>
      tpu.enqueue_dma source(%dma_start3A_200 : memref<16xf32, #tpu.memory_space<hbm>>) target(%arg10 : memref<16xf32, #tpu.memory_space<vmem>>) target_semaphore(%run_scoped3A_199 : memref<!tpu.dma_semaphore, #tpu.memory_space<semaphore_mem>>)
      %dma_wait3A = tpu.memref_slice %arg3[%add3A_6] : memref<1536xf32, #tpu.memory_space<hbm>> -> memref<16xf32, #tpu.memory_space<hbm>>
      %dma_wait3A_201 = tpu.memref_slice %arg3[%add3A_6] : memref<1536xf32, #tpu.memory_space<hbm>> -> memref<16xf32, #tpu.memory_space<hbm>>
      tpu.wait_dma2 semaphore(%run_scoped3A_199 : memref<!tpu.dma_semaphore, #tpu.memory_space<semaphore_mem>>) src(%dma_wait3A_201 : memref<16xf32, #tpu.memory_space<hbm>>) dst(%arg10 : memref<16xf32, #tpu.memory_space<vmem>>)
      tpu.yield
    }) : () -> ()
    %get3A = arith.constant 0 : index
    %get3A_7 = tpu.vector_load %arg8[%get3A] {strides = array<i32>} : memref<16xf32, #tpu.memory_space<vmem>>, vector<16xf32>,
    %get3A_8 = vector.shape_cast %get3A_7 : vector<16xf32> to vector<16xf32>
    %get3A_9 = arith.constant 0 : index
    %get3A_10 = tpu.vector_load %arg9[%get3A_9] {strides = array<i32>} : memref<16xf32, #tpu.memory_space<vmem>>, vector<16xf32>,
    %get3A_11 = vector.shape_cast %get3A_10 : vector<16xf32> to vector<16xf32>
    %get3A_12 = arith.constant 0 : index
    %get3A_13 = tpu.vector_load %arg10[%get3A_12] {strides = array<i32>} : memref<16xf32, #tpu.memory_space<vmem>>, vector<16xf32>,
    %get3A_14 = vector.shape_cast %get3A_13 : vector<16xf32> to vector<16xf32>
    %broadcast_in_dim3A = arith.constant 2139095039 : i32
    %broadcast_in_dim3A_15 = vector.broadcast %broadcast_in_dim3A : i32 to vector<16xi32>
    %broadcast_in_dim3A_16 = arith.constant 2139095039 : i32
    %broadcast_in_dim3A_17 = vector.broadcast %broadcast_in_dim3A_16 : i32 to vector<16xi32>
    %broadcast_in_dim3A_18 = arith.constant 2139095039 : i32
    %broadcast_in_dim3A_19 = vector.broadcast %broadcast_in_dim3A_18 : i32 to vector<16xi32>
    %broadcast_in_dim3A_20 = arith.constant 2139095039 : i32
    %broadcast_in_dim3A_21 = vector.broadcast %broadcast_in_dim3A_20 : i32 to vector<16xi32>
    %broadcast_in_dim3A_22 = arith.constant 2139095039 : i32
    %broadcast_in_dim3A_23 = vector.broadcast %broadcast_in_dim3A_22 : i32 to vector<16xi32>
    %broadcast_in_dim3A_24 = arith.constant 2139095039 : i32
    %broadcast_in_dim3A_25 = vector.broadcast %broadcast_in_dim3A_24 : i32 to vector<16xi32>
    %broadcast_in_dim3A_26 = arith.constant 2139095039 : i32
    %broadcast_in_dim3A_27 = vector.broadcast %broadcast_in_dim3A_26 : i32 to vector<16xi32>
    %broadcast_in_dim3A_28 = arith.constant 2139095039 : i32
    %broadcast_in_dim3A_29 = vector.broadcast %broadcast_in_dim3A_28 : i32 to vector<16xi32>
    %scan3A = arith.constant 0 : i32
    %scan3A_30 = arith.constant 32 : i32
    %scan3A_31 = arith.addi %scan3A, %scan3A_30 : i32
    %scan3A_32 = arith.constant 1 : i32
    %scan3A_33:16 = scf.for %scan3A_199 = %scan3A to %scan3A_31 step %scan3A_32 iter_args(%scan3A_200 = %broadcast_in_dim3A_15, %scan3A_201 = %broadcast_in_dim3A_17, %scan3A_202 = %broadcast_in_dim3A_19, %scan3A_203 = %broadcast_in_dim3A_21, %scan3A_204 = %broadcast_in_dim3A_23, %scan3A_205 = %broadcast_in_dim3A_25, %scan3A_206 = %broadcast_in_dim3A_27, %scan3A_207 = %broadcast_in_dim3A_29, %scan3A_208 = %broadcast_in_dim3A_15, %scan3A_209 = %broadcast_in_dim3A_17, %scan3A_210 = %broadcast_in_dim3A_19, %scan3A_211 = %broadcast_in_dim3A_21, %scan3A_212 = %broadcast_in_dim3A_23, %scan3A_213 = %broadcast_in_dim3A_25, %scan3A_214 = %broadcast_in_dim3A_27, %scan3A_215 = %broadcast_in_dim3A_29) -> (vector<16xi32>, vector<16xi32>, vector<16xi32>, vector<16xi32>, vector<16xi32>, vector<16xi32>, vector<16xi32>, vector<16xi32>, vector<16xi32>, vector<16xi32>, vector<16xi32>, vector<16xi32>, vector<16xi32>, vector<16xi32>, vector<16xi32>, vector<16xi32>)  : i32 {
      %mul3A_216 = arith.constant 8 : i32
      %mul3A_217 = arith.muli %scan3A_199, %mul3A_216 : i32
      %add3A_218 = arith.constant 0 : i32
      %add3A_219 = arith.addi %add3A_218, %mul3A_217 : i32
      %get3A_220 = arith.index_cast %add3A_219 : i32 to index
      %get3A_221 = tpu.vector_load %arg5[%get3A_220] {strides = array<i32>} : memref<528xf32, #tpu.memory_space<vmem>>, vector<16xf32>,
      %get3A_222 = vector.shape_cast %get3A_221 : vector<16xf32> to vector<16xf32>
      %get3A_223 = arith.index_cast %add3A_219 : i32 to index
      %get3A_224 = tpu.vector_load %arg6[%get3A_223] {strides = array<i32>} : memref<528xf32, #tpu.memory_space<vmem>>, vector<16xf32>,
      %get3A_225 = vector.shape_cast %get3A_224 : vector<16xf32> to vector<16xf32>
      %get3A_226 = arith.index_cast %add3A_219 : i32 to index
      %get3A_227 = tpu.vector_load %arg7[%get3A_226] {strides = array<i32>} : memref<528xf32, #tpu.memory_space<vmem>>, vector<16xf32>,
      %get3A_228 = vector.shape_cast %get3A_227 : vector<16xf32> to vector<16xf32>
      %add3A_229 = arith.constant 256 : i32
      %add3A_230 = arith.addi %add3A_229, %mul3A_217 : i32
      %get3A_231 = arith.index_cast %add3A_230 : i32 to index
      %get3A_232 = tpu.vector_load %arg5[%get3A_231] {strides = array<i32>} : memref<528xf32, #tpu.memory_space<vmem>>, vector<16xf32>,
      %get3A_233 = vector.shape_cast %get3A_232 : vector<16xf32> to vector<16xf32>
      %get3A_234 = arith.index_cast %add3A_230 : i32 to index
      %get3A_235 = tpu.vector_load %arg6[%get3A_234] {strides = array<i32>} : memref<528xf32, #tpu.memory_space<vmem>>, vector<16xf32>,
      %get3A_236 = vector.shape_cast %get3A_235 : vector<16xf32> to vector<16xf32>
      %get3A_237 = arith.index_cast %add3A_230 : i32 to index
      %get3A_238 = tpu.vector_load %arg7[%get3A_237] {strides = array<i32>} : memref<528xf32, #tpu.memory_space<vmem>>, vector<16xf32>,
      %get3A_239 = vector.shape_cast %get3A_238 : vector<16xf32> to vector<16xf32>
      %slice3A = vector.extract_strided_slice %get3A_222 {offsets = [0], sizes = [1], strides = [1]} : vector<16xf32> to vector<1xf32>
      %squeeze3A = vector.extract %slice3A[0] : f32 from vector<1xf32>
      %slice3A_240 = vector.extract_strided_slice %get3A_225 {offsets = [0], sizes = [1], strides = [1]} : vector<16xf32> to vector<1xf32>
      %squeeze3A_241 = vector.extract %slice3A_240[0] : f32 from vector<1xf32>
      %slice3A_242 = vector.extract_strided_slice %get3A_228 {offsets = [0], sizes = [1], strides = [1]} : vector<16xf32> to vector<1xf32>
      %squeeze3A_243 = vector.extract %slice3A_242[0] : f32 from vector<1xf32>
      %sub3A = vector.broadcast %squeeze3A : f32 to vector<16xf32>
      %sub3A_244 = arith.subf %get3A_8, %sub3A : vector<16xf32>
      %sub3A_245 = vector.broadcast %squeeze3A_241 : f32 to vector<16xf32>
      %sub3A_246 = arith.subf %get3A_11, %sub3A_245 : vector<16xf32>
      %sub3A_247 = vector.broadcast %squeeze3A_243 : f32 to vector<16xf32>
      %sub3A_248 = arith.subf %get3A_14, %sub3A_247 : vector<16xf32>
      %mul3A_249 = arith.mulf %sub3A_244, %sub3A_244 : vector<16xf32>
      %mul3A_250 = arith.mulf %sub3A_246, %sub3A_246 : vector<16xf32>
      %add3A_251 = arith.addf %mul3A_249, %mul3A_250 : vector<16xf32>
      %mul3A_252 = arith.mulf %sub3A_248, %sub3A_248 : vector<16xf32>
      %add3A_253 = arith.addf %add3A_251, %mul3A_252 : vector<16xf32>
      %add3A_254 = arith.constant 0 : i32
      %add3A_255 = arith.addi %add3A_254, %mul3A_217 : i32
      %add3A_256 = arith.constant 0 : i32
      %add3A_257 = arith.addi %add3A_255, %add3A_256 : i32
      %bitcast_convert_type3A = tpu.bitcast %add3A_253 : vector<16xf32> -> vector<16xi32>
      %and3A = arith.constant -512 : i32
      %and3A_258 = vector.broadcast %and3A : i32 to vector<16xi32>
      %and3A_259 = arith.andi %bitcast_convert_type3A, %and3A_258 : vector<16xi32>
      %or3A = vector.broadcast %add3A_257 : i32 to vector<16xi32>
      %or3A_260 = arith.ori %and3A_259, %or3A : vector<16xi32>
      %min3A_261 = arith.minsi %scan3A_200, %or3A_260 : vector<16xi32>
      %max3A_262 = arith.maxsi %scan3A_200, %or3A_260 : vector<16xi32>
      %min3A_263 = arith.minsi %scan3A_201, %max3A_262 : vector<16xi32>
      %max3A_264 = arith.maxsi %scan3A_201, %max3A_262 : vector<16xi32>
      %min3A_265 = arith.minsi %scan3A_202, %max3A_264 : vector<16xi32>
      %max3A_266 = arith.maxsi %scan3A_202, %max3A_264 : vector<16xi32>
      %min3A_267 = arith.minsi %scan3A_203, %max3A_266 : vector<16xi32>
      %max3A_268 = arith.maxsi %scan3A_203, %max3A_266 : vector<16xi32>
      %min3A_269 = arith.minsi %scan3A_204, %max3A_268 : vector<16xi32>
      %max3A_270 = arith.maxsi %scan3A_204, %max3A_268 : vector<16xi32>
      %min3A_271 = arith.minsi %scan3A_205, %max3A_270 : vector<16xi32>
      %max3A_272 = arith.maxsi %scan3A_205, %max3A_270 : vector<16xi32>
      %min3A_273 = arith.minsi %scan3A_206, %max3A_272 : vector<16xi32>
      %max3A_274 = arith.maxsi %scan3A_206, %max3A_272 : vector<16xi32>
      %min3A_275 = arith.minsi %scan3A_207, %max3A_274 : vector<16xi32>
      %max3A_276 = arith.maxsi %scan3A_207, %max3A_274 : vector<16xi32>
      %slice3A_277 = vector.extract_strided_slice %get3A_233 {offsets = [0], sizes = [1], strides = [1]} : vector<16xf32> to vector<1xf32>
      %squeeze3A_278 = vector.extract %slice3A_277[0] : f32 from vector<1xf32>
      %slice3A_279 = vector.extract_strided_slice %get3A_236 {offsets = [0], sizes = [1], strides = [1]} : vector<16xf32> to vector<1xf32>
      %squeeze3A_280 = vector.extract %slice3A_279[0] : f32 from vector<1xf32>
      %slice3A_281 = vector.extract_strided_slice %get3A_239 {offsets = [0], sizes = [1], strides = [1]} : vector<16xf32> to vector<1xf32>
      %squeeze3A_282 = vector.extract %slice3A_281[0] : f32 from vector<1xf32>
      %sub3A_283 = vector.broadcast %squeeze3A_278 : f32 to vector<16xf32>
      %sub3A_284 = arith.subf %get3A_8, %sub3A_283 : vector<16xf32>
      %sub3A_285 = vector.broadcast %squeeze3A_280 : f32 to vector<16xf32>
      %sub3A_286 = arith.subf %get3A_11, %sub3A_285 : vector<16xf32>
      %sub3A_287 = vector.broadcast %squeeze3A_282 : f32 to vector<16xf32>
      %sub3A_288 = arith.subf %get3A_14, %sub3A_287 : vector<16xf32>
      %mul3A_289 = arith.mulf %sub3A_284, %sub3A_284 : vector<16xf32>
      %mul3A_290 = arith.mulf %sub3A_286, %sub3A_286 : vector<16xf32>
      %add3A_291 = arith.addf %mul3A_289, %mul3A_290 : vector<16xf32>
      %mul3A_292 = arith.mulf %sub3A_288, %sub3A_288 : vector<16xf32>
      %add3A_293 = arith.addf %add3A_291, %mul3A_292 : vector<16xf32>
      %add3A_294 = arith.constant 256 : i32
      %add3A_295 = arith.addi %add3A_294, %mul3A_217 : i32
      %add3A_296 = arith.constant 0 : i32
      %add3A_297 = arith.addi %add3A_295, %add3A_296 : i32
      %bitcast_convert_type3A_298 = tpu.bitcast %add3A_293 : vector<16xf32> -> vector<16xi32>
      %and3A_299 = arith.constant -512 : i32
      %and3A_300 = vector.broadcast %and3A_299 : i32 to vector<16xi32>
      %and3A_301 = arith.andi %bitcast_convert_type3A_298, %and3A_300 : vector<16xi32>
      %or3A_302 = vector.broadcast %add3A_297 : i32 to vector<16xi32>
      %or3A_303 = arith.ori %and3A_301, %or3A_302 : vector<16xi32>
      %min3A_304 = arith.minsi %scan3A_208, %or3A_303 : vector<16xi32>
      %max3A_305 = arith.maxsi %scan3A_208, %or3A_303 : vector<16xi32>
      %min3A_306 = arith.minsi %scan3A_209, %max3A_305 : vector<16xi32>
      %max3A_307 = arith.maxsi %scan3A_209, %max3A_305 : vector<16xi32>
      %min3A_308 = arith.minsi %scan3A_210, %max3A_307 : vector<16xi32>
      %max3A_309 = arith.maxsi %scan3A_210, %max3A_307 : vector<16xi32>
      %min3A_310 = arith.minsi %scan3A_211, %max3A_309 : vector<16xi32>
      %max3A_311 = arith.maxsi %scan3A_211, %max3A_309 : vector<16xi32>
      %min3A_312 = arith.minsi %scan3A_212, %max3A_311 : vector<16xi32>
      %max3A_313 = arith.maxsi %scan3A_212, %max3A_311 : vector<16xi32>
      %min3A_314 = arith.minsi %scan3A_213, %max3A_313 : vector<16xi32>
      %max3A_315 = arith.maxsi %scan3A_213, %max3A_313 : vector<16xi32>
      %min3A_316 = arith.minsi %scan3A_214, %max3A_315 : vector<16xi32>
      %max3A_317 = arith.maxsi %scan3A_214, %max3A_315 : vector<16xi32>
      %min3A_318 = arith.minsi %scan3A_215, %max3A_317 : vector<16xi32>
      %max3A_319 = arith.maxsi %scan3A_215, %max3A_317 : vector<16xi32>
      %slice3A_320 = vector.extract_strided_slice %get3A_222 {offsets = [1], sizes = [1], strides = [1]} : vector<16xf32> to vector<1xf32>
      %squeeze3A_321 = vector.extract %slice3A_320[0] : f32 from vector<1xf32>
      %slice3A_322 = vector.extract_strided_slice %get3A_225 {offsets = [1], sizes = [1], strides = [1]} : vector<16xf32> to vector<1xf32>
      %squeeze3A_323 = vector.extract %slice3A_322[0] : f32 from vector<1xf32>
      %slice3A_324 = vector.extract_strided_slice %get3A_228 {offsets = [1], sizes = [1], strides = [1]} : vector<16xf32> to vector<1xf32>
      %squeeze3A_325 = vector.extract %slice3A_324[0] : f32 from vector<1xf32>
      %sub3A_326 = vector.broadcast %squeeze3A_321 : f32 to vector<16xf32>
      %sub3A_327 = arith.subf %get3A_8, %sub3A_326 : vector<16xf32>
      %sub3A_328 = vector.broadcast %squeeze3A_323 : f32 to vector<16xf32>
      %sub3A_329 = arith.subf %get3A_11, %sub3A_328 : vector<16xf32>
      %sub3A_330 = vector.broadcast %squeeze3A_325 : f32 to vector<16xf32>
      %sub3A_331 = arith.subf %get3A_14, %sub3A_330 : vector<16xf32>
      %mul3A_332 = arith.mulf %sub3A_327, %sub3A_327 : vector<16xf32>
      %mul3A_333 = arith.mulf %sub3A_329, %sub3A_329 : vector<16xf32>
      %add3A_334 = arith.addf %mul3A_332, %mul3A_333 : vector<16xf32>
      %mul3A_335 = arith.mulf %sub3A_331, %sub3A_331 : vector<16xf32>
      %add3A_336 = arith.addf %add3A_334, %mul3A_335 : vector<16xf32>
      %add3A_337 = arith.constant 0 : i32
      %add3A_338 = arith.addi %add3A_337, %mul3A_217 : i32
      %add3A_339 = arith.constant 1 : i32
      %add3A_340 = arith.addi %add3A_338, %add3A_339 : i32
      %bitcast_convert_type3A_341 = tpu.bitcast %add3A_336 : vector<16xf32> -> vector<16xi32>
      %and3A_342 = arith.constant -512 : i32
      %and3A_343 = vector.broadcast %and3A_342 : i32 to vector<16xi32>
      %and3A_344 = arith.andi %bitcast_convert_type3A_341, %and3A_343 : vector<16xi32>
      %or3A_345 = vector.broadcast %add3A_340 : i32 to vector<16xi32>
      %or3A_346 = arith.ori %and3A_344, %or3A_345 : vector<16xi32>
      %min3A_347 = arith.minsi %min3A_261, %or3A_346 : vector<16xi32>
      %max3A_348 = arith.maxsi %min3A_261, %or3A_346 : vector<16xi32>
      %min3A_349 = arith.minsi %min3A_263, %max3A_348 : vector<16xi32>
      %max3A_350 = arith.maxsi %min3A_263, %max3A_348 : vector<16xi32>
      %min3A_351 = arith.minsi %min3A_265, %max3A_350 : vector<16xi32>
      %max3A_352 = arith.maxsi %min3A_265, %max3A_350 : vector<16xi32>
      %min3A_353 = arith.minsi %min3A_267, %max3A_352 : vector<16xi32>
      %max3A_354 = arith.maxsi %min3A_267, %max3A_352 : vector<16xi32>
      %min3A_355 = arith.minsi %min3A_269, %max3A_354 : vector<16xi32>
      %max3A_356 = arith.maxsi %min3A_269, %max3A_354 : vector<16xi32>
      %min3A_357 = arith.minsi %min3A_271, %max3A_356 : vector<16xi32>
      %max3A_358 = arith.maxsi %min3A_271, %max3A_356 : vector<16xi32>
      %min3A_359 = arith.minsi %min3A_273, %max3A_358 : vector<16xi32>
      %max3A_360 = arith.maxsi %min3A_273, %max3A_358 : vector<16xi32>
      %min3A_361 = arith.minsi %min3A_275, %max3A_360 : vector<16xi32>
      %max3A_362 = arith.maxsi %min3A_275, %max3A_360 : vector<16xi32>
      %slice3A_363 = vector.extract_strided_slice %get3A_233 {offsets = [1], sizes = [1], strides = [1]} : vector<16xf32> to vector<1xf32>
      %squeeze3A_364 = vector.extract %slice3A_363[0] : f32 from vector<1xf32>
      %slice3A_365 = vector.extract_strided_slice %get3A_236 {offsets = [1], sizes = [1], strides = [1]} : vector<16xf32> to vector<1xf32>
      %squeeze3A_366 = vector.extract %slice3A_365[0] : f32 from vector<1xf32>
      %slice3A_367 = vector.extract_strided_slice %get3A_239 {offsets = [1], sizes = [1], strides = [1]} : vector<16xf32> to vector<1xf32>
      %squeeze3A_368 = vector.extract %slice3A_367[0] : f32 from vector<1xf32>
      %sub3A_369 = vector.broadcast %squeeze3A_364 : f32 to vector<16xf32>
      %sub3A_370 = arith.subf %get3A_8, %sub3A_369 : vector<16xf32>
      %sub3A_371 = vector.broadcast %squeeze3A_366 : f32 to vector<16xf32>
      %sub3A_372 = arith.subf %get3A_11, %sub3A_371 : vector<16xf32>
      %sub3A_373 = vector.broadcast %squeeze3A_368 : f32 to vector<16xf32>
      %sub3A_374 = arith.subf %get3A_14, %sub3A_373 : vector<16xf32>
      %mul3A_375 = arith.mulf %sub3A_370, %sub3A_370 : vector<16xf32>
      %mul3A_376 = arith.mulf %sub3A_372, %sub3A_372 : vector<16xf32>
      %add3A_377 = arith.addf %mul3A_375, %mul3A_376 : vector<16xf32>
      %mul3A_378 = arith.mulf %sub3A_374, %sub3A_374 : vector<16xf32>
      %add3A_379 = arith.addf %add3A_377, %mul3A_378 : vector<16xf32>
      %add3A_380 = arith.constant 256 : i32
      %add3A_381 = arith.addi %add3A_380, %mul3A_217 : i32
      %add3A_382 = arith.constant 1 : i32
      %add3A_383 = arith.addi %add3A_381, %add3A_382 : i32
      %bitcast_convert_type3A_384 = tpu.bitcast %add3A_379 : vector<16xf32> -> vector<16xi32>
      %and3A_385 = arith.constant -512 : i32
      %and3A_386 = vector.broadcast %and3A_385 : i32 to vector<16xi32>
      %and3A_387 = arith.andi %bitcast_convert_type3A_384, %and3A_386 : vector<16xi32>
      %or3A_388 = vector.broadcast %add3A_383 : i32 to vector<16xi32>
      %or3A_389 = arith.ori %and3A_387, %or3A_388 : vector<16xi32>
      %min3A_390 = arith.minsi %min3A_304, %or3A_389 : vector<16xi32>
      %max3A_391 = arith.maxsi %min3A_304, %or3A_389 : vector<16xi32>
      %min3A_392 = arith.minsi %min3A_306, %max3A_391 : vector<16xi32>
      %max3A_393 = arith.maxsi %min3A_306, %max3A_391 : vector<16xi32>
      %min3A_394 = arith.minsi %min3A_308, %max3A_393 : vector<16xi32>
      %max3A_395 = arith.maxsi %min3A_308, %max3A_393 : vector<16xi32>
      %min3A_396 = arith.minsi %min3A_310, %max3A_395 : vector<16xi32>
      %max3A_397 = arith.maxsi %min3A_310, %max3A_395 : vector<16xi32>
      %min3A_398 = arith.minsi %min3A_312, %max3A_397 : vector<16xi32>
      %max3A_399 = arith.maxsi %min3A_312, %max3A_397 : vector<16xi32>
      %min3A_400 = arith.minsi %min3A_314, %max3A_399 : vector<16xi32>
      %max3A_401 = arith.maxsi %min3A_314, %max3A_399 : vector<16xi32>
      %min3A_402 = arith.minsi %min3A_316, %max3A_401 : vector<16xi32>
      %max3A_403 = arith.maxsi %min3A_316, %max3A_401 : vector<16xi32>
      %min3A_404 = arith.minsi %min3A_318, %max3A_403 : vector<16xi32>
      %max3A_405 = arith.maxsi %min3A_318, %max3A_403 : vector<16xi32>
      %slice3A_406 = vector.extract_strided_slice %get3A_222 {offsets = [2], sizes = [1], strides = [1]} : vector<16xf32> to vector<1xf32>
      %squeeze3A_407 = vector.extract %slice3A_406[0] : f32 from vector<1xf32>
      %slice3A_408 = vector.extract_strided_slice %get3A_225 {offsets = [2], sizes = [1], strides = [1]} : vector<16xf32> to vector<1xf32>
      %squeeze3A_409 = vector.extract %slice3A_408[0] : f32 from vector<1xf32>
      %slice3A_410 = vector.extract_strided_slice %get3A_228 {offsets = [2], sizes = [1], strides = [1]} : vector<16xf32> to vector<1xf32>
      %squeeze3A_411 = vector.extract %slice3A_410[0] : f32 from vector<1xf32>
      %sub3A_412 = vector.broadcast %squeeze3A_407 : f32 to vector<16xf32>
      %sub3A_413 = arith.subf %get3A_8, %sub3A_412 : vector<16xf32>
      %sub3A_414 = vector.broadcast %squeeze3A_409 : f32 to vector<16xf32>
      %sub3A_415 = arith.subf %get3A_11, %sub3A_414 : vector<16xf32>
      %sub3A_416 = vector.broadcast %squeeze3A_411 : f32 to vector<16xf32>
      %sub3A_417 = arith.subf %get3A_14, %sub3A_416 : vector<16xf32>
      %mul3A_418 = arith.mulf %sub3A_413, %sub3A_413 : vector<16xf32>
      %mul3A_419 = arith.mulf %sub3A_415, %sub3A_415 : vector<16xf32>
      %add3A_420 = arith.addf %mul3A_418, %mul3A_419 : vector<16xf32>
      %mul3A_421 = arith.mulf %sub3A_417, %sub3A_417 : vector<16xf32>
      %add3A_422 = arith.addf %add3A_420, %mul3A_421 : vector<16xf32>
      %add3A_423 = arith.constant 0 : i32
      %add3A_424 = arith.addi %add3A_423, %mul3A_217 : i32
      %add3A_425 = arith.constant 2 : i32
      %add3A_426 = arith.addi %add3A_424, %add3A_425 : i32
      %bitcast_convert_type3A_427 = tpu.bitcast %add3A_422 : vector<16xf32> -> vector<16xi32>
      %and3A_428 = arith.constant -512 : i32
      %and3A_429 = vector.broadcast %and3A_428 : i32 to vector<16xi32>
      %and3A_430 = arith.andi %bitcast_convert_type3A_427, %and3A_429 : vector<16xi32>
      %or3A_431 = vector.broadcast %add3A_426 : i32 to vector<16xi32>
      %or3A_432 = arith.ori %and3A_430, %or3A_431 : vector<16xi32>
      %min3A_433 = arith.minsi %min3A_347, %or3A_432 : vector<16xi32>
      %max3A_434 = arith.maxsi %min3A_347, %or3A_432 : vector<16xi32>
      %min3A_435 = arith.minsi %min3A_349, %max3A_434 : vector<16xi32>
      %max3A_436 = arith.maxsi %min3A_349, %max3A_434 : vector<16xi32>
      %min3A_437 = arith.minsi %min3A_351, %max3A_436 : vector<16xi32>
      %max3A_438 = arith.maxsi %min3A_351, %max3A_436 : vector<16xi32>
      %min3A_439 = arith.minsi %min3A_353, %max3A_438 : vector<16xi32>
      %max3A_440 = arith.maxsi %min3A_353, %max3A_438 : vector<16xi32>
      %min3A_441 = arith.minsi %min3A_355, %max3A_440 : vector<16xi32>
      %max3A_442 = arith.maxsi %min3A_355, %max3A_440 : vector<16xi32>
      %min3A_443 = arith.minsi %min3A_357, %max3A_442 : vector<16xi32>
      %max3A_444 = arith.maxsi %min3A_357, %max3A_442 : vector<16xi32>
      %min3A_445 = arith.minsi %min3A_359, %max3A_444 : vector<16xi32>
      %max3A_446 = arith.maxsi %min3A_359, %max3A_444 : vector<16xi32>
      %min3A_447 = arith.minsi %min3A_361, %max3A_446 : vector<16xi32>
      %max3A_448 = arith.maxsi %min3A_361, %max3A_446 : vector<16xi32>
      %slice3A_449 = vector.extract_strided_slice %get3A_233 {offsets = [2], sizes = [1], strides = [1]} : vector<16xf32> to vector<1xf32>
      %squeeze3A_450 = vector.extract %slice3A_449[0] : f32 from vector<1xf32>
      %slice3A_451 = vector.extract_strided_slice %get3A_236 {offsets = [2], sizes = [1], strides = [1]} : vector<16xf32> to vector<1xf32>
      %squeeze3A_452 = vector.extract %slice3A_451[0] : f32 from vector<1xf32>
      %slice3A_453 = vector.extract_strided_slice %get3A_239 {offsets = [2], sizes = [1], strides = [1]} : vector<16xf32> to vector<1xf32>
      %squeeze3A_454 = vector.extract %slice3A_453[0] : f32 from vector<1xf32>
      %sub3A_455 = vector.broadcast %squeeze3A_450 : f32 to vector<16xf32>
      %sub3A_456 = arith.subf %get3A_8, %sub3A_455 : vector<16xf32>
      %sub3A_457 = vector.broadcast %squeeze3A_452 : f32 to vector<16xf32>
      %sub3A_458 = arith.subf %get3A_11, %sub3A_457 : vector<16xf32>
      %sub3A_459 = vector.broadcast %squeeze3A_454 : f32 to vector<16xf32>
      %sub3A_460 = arith.subf %get3A_14, %sub3A_459 : vector<16xf32>
      %mul3A_461 = arith.mulf %sub3A_456, %sub3A_456 : vector<16xf32>
      %mul3A_462 = arith.mulf %sub3A_458, %sub3A_458 : vector<16xf32>
      %add3A_463 = arith.addf %mul3A_461, %mul3A_462 : vector<16xf32>
      %mul3A_464 = arith.mulf %sub3A_460, %sub3A_460 : vector<16xf32>
      %add3A_465 = arith.addf %add3A_463, %mul3A_464 : vector<16xf32>
      %add3A_466 = arith.constant 256 : i32
      %add3A_467 = arith.addi %add3A_466, %mul3A_217 : i32
      %add3A_468 = arith.constant 2 : i32
      %add3A_469 = arith.addi %add3A_467, %add3A_468 : i32
      %bitcast_convert_type3A_470 = tpu.bitcast %add3A_465 : vector<16xf32> -> vector<16xi32>
      %and3A_471 = arith.constant -512 : i32
      %and3A_472 = vector.broadcast %and3A_471 : i32 to vector<16xi32>
      %and3A_473 = arith.andi %bitcast_convert_type3A_470, %and3A_472 : vector<16xi32>
      %or3A_474 = vector.broadcast %add3A_469 : i32 to vector<16xi32>
      %or3A_475 = arith.ori %and3A_473, %or3A_474 : vector<16xi32>
      %min3A_476 = arith.minsi %min3A_390, %or3A_475 : vector<16xi32>
      %max3A_477 = arith.maxsi %min3A_390, %or3A_475 : vector<16xi32>
      %min3A_478 = arith.minsi %min3A_392, %max3A_477 : vector<16xi32>
      %max3A_479 = arith.maxsi %min3A_392, %max3A_477 : vector<16xi32>
      %min3A_480 = arith.minsi %min3A_394, %max3A_479 : vector<16xi32>
      %max3A_481 = arith.maxsi %min3A_394, %max3A_479 : vector<16xi32>
      %min3A_482 = arith.minsi %min3A_396, %max3A_481 : vector<16xi32>
      %max3A_483 = arith.maxsi %min3A_396, %max3A_481 : vector<16xi32>
      %min3A_484 = arith.minsi %min3A_398, %max3A_483 : vector<16xi32>
      %max3A_485 = arith.maxsi %min3A_398, %max3A_483 : vector<16xi32>
      %min3A_486 = arith.minsi %min3A_400, %max3A_485 : vector<16xi32>
      %max3A_487 = arith.maxsi %min3A_400, %max3A_485 : vector<16xi32>
      %min3A_488 = arith.minsi %min3A_402, %max3A_487 : vector<16xi32>
      %max3A_489 = arith.maxsi %min3A_402, %max3A_487 : vector<16xi32>
      %min3A_490 = arith.minsi %min3A_404, %max3A_489 : vector<16xi32>
      %max3A_491 = arith.maxsi %min3A_404, %max3A_489 : vector<16xi32>
      %slice3A_492 = vector.extract_strided_slice %get3A_222 {offsets = [3], sizes = [1], strides = [1]} : vector<16xf32> to vector<1xf32>
      %squeeze3A_493 = vector.extract %slice3A_492[0] : f32 from vector<1xf32>
      %slice3A_494 = vector.extract_strided_slice %get3A_225 {offsets = [3], sizes = [1], strides = [1]} : vector<16xf32> to vector<1xf32>
      %squeeze3A_495 = vector.extract %slice3A_494[0] : f32 from vector<1xf32>
      %slice3A_496 = vector.extract_strided_slice %get3A_228 {offsets = [3], sizes = [1], strides = [1]} : vector<16xf32> to vector<1xf32>
      %squeeze3A_497 = vector.extract %slice3A_496[0] : f32 from vector<1xf32>
      %sub3A_498 = vector.broadcast %squeeze3A_493 : f32 to vector<16xf32>
      %sub3A_499 = arith.subf %get3A_8, %sub3A_498 : vector<16xf32>
      %sub3A_500 = vector.broadcast %squeeze3A_495 : f32 to vector<16xf32>
      %sub3A_501 = arith.subf %get3A_11, %sub3A_500 : vector<16xf32>
      %sub3A_502 = vector.broadcast %squeeze3A_497 : f32 to vector<16xf32>
      %sub3A_503 = arith.subf %get3A_14, %sub3A_502 : vector<16xf32>
      %mul3A_504 = arith.mulf %sub3A_499, %sub3A_499 : vector<16xf32>
      %mul3A_505 = arith.mulf %sub3A_501, %sub3A_501 : vector<16xf32>
      %add3A_506 = arith.addf %mul3A_504, %mul3A_505 : vector<16xf32>
      %mul3A_507 = arith.mulf %sub3A_503, %sub3A_503 : vector<16xf32>
      %add3A_508 = arith.addf %add3A_506, %mul3A_507 : vector<16xf32>
      %add3A_509 = arith.constant 0 : i32
      %add3A_510 = arith.addi %add3A_509, %mul3A_217 : i32
      %add3A_511 = arith.constant 3 : i32
      %add3A_512 = arith.addi %add3A_510, %add3A_511 : i32
      %bitcast_convert_type3A_513 = tpu.bitcast %add3A_508 : vector<16xf32> -> vector<16xi32>
      %and3A_514 = arith.constant -512 : i32
      %and3A_515 = vector.broadcast %and3A_514 : i32 to vector<16xi32>
      %and3A_516 = arith.andi %bitcast_convert_type3A_513, %and3A_515 : vector<16xi32>
      %or3A_517 = vector.broadcast %add3A_512 : i32 to vector<16xi32>
      %or3A_518 = arith.ori %and3A_516, %or3A_517 : vector<16xi32>
      %min3A_519 = arith.minsi %min3A_433, %or3A_518 : vector<16xi32>
      %max3A_520 = arith.maxsi %min3A_433, %or3A_518 : vector<16xi32>
      %min3A_521 = arith.minsi %min3A_435, %max3A_520 : vector<16xi32>
      %max3A_522 = arith.maxsi %min3A_435, %max3A_520 : vector<16xi32>
      %min3A_523 = arith.minsi %min3A_437, %max3A_522 : vector<16xi32>
      %max3A_524 = arith.maxsi %min3A_437, %max3A_522 : vector<16xi32>
      %min3A_525 = arith.minsi %min3A_439, %max3A_524 : vector<16xi32>
      %max3A_526 = arith.maxsi %min3A_439, %max3A_524 : vector<16xi32>
      %min3A_527 = arith.minsi %min3A_441, %max3A_526 : vector<16xi32>
      %max3A_528 = arith.maxsi %min3A_441, %max3A_526 : vector<16xi32>
      %min3A_529 = arith.minsi %min3A_443, %max3A_528 : vector<16xi32>
      %max3A_530 = arith.maxsi %min3A_443, %max3A_528 : vector<16xi32>
      %min3A_531 = arith.minsi %min3A_445, %max3A_530 : vector<16xi32>
      %max3A_532 = arith.maxsi %min3A_445, %max3A_530 : vector<16xi32>
      %min3A_533 = arith.minsi %min3A_447, %max3A_532 : vector<16xi32>
      %max3A_534 = arith.maxsi %min3A_447, %max3A_532 : vector<16xi32>
      %slice3A_535 = vector.extract_strided_slice %get3A_233 {offsets = [3], sizes = [1], strides = [1]} : vector<16xf32> to vector<1xf32>
      %squeeze3A_536 = vector.extract %slice3A_535[0] : f32 from vector<1xf32>
      %slice3A_537 = vector.extract_strided_slice %get3A_236 {offsets = [3], sizes = [1], strides = [1]} : vector<16xf32> to vector<1xf32>
      %squeeze3A_538 = vector.extract %slice3A_537[0] : f32 from vector<1xf32>
      %slice3A_539 = vector.extract_strided_slice %get3A_239 {offsets = [3], sizes = [1], strides = [1]} : vector<16xf32> to vector<1xf32>
      %squeeze3A_540 = vector.extract %slice3A_539[0] : f32 from vector<1xf32>
      %sub3A_541 = vector.broadcast %squeeze3A_536 : f32 to vector<16xf32>
      %sub3A_542 = arith.subf %get3A_8, %sub3A_541 : vector<16xf32>
      %sub3A_543 = vector.broadcast %squeeze3A_538 : f32 to vector<16xf32>
      %sub3A_544 = arith.subf %get3A_11, %sub3A_543 : vector<16xf32>
      %sub3A_545 = vector.broadcast %squeeze3A_540 : f32 to vector<16xf32>
      %sub3A_546 = arith.subf %get3A_14, %sub3A_545 : vector<16xf32>
      %mul3A_547 = arith.mulf %sub3A_542, %sub3A_542 : vector<16xf32>
      %mul3A_548 = arith.mulf %sub3A_544, %sub3A_544 : vector<16xf32>
      %add3A_549 = arith.addf %mul3A_547, %mul3A_548 : vector<16xf32>
      %mul3A_550 = arith.mulf %sub3A_546, %sub3A_546 : vector<16xf32>
      %add3A_551 = arith.addf %add3A_549, %mul3A_550 : vector<16xf32>
      %add3A_552 = arith.constant 256 : i32
      %add3A_553 = arith.addi %add3A_552, %mul3A_217 : i32
      %add3A_554 = arith.constant 3 : i32
      %add3A_555 = arith.addi %add3A_553, %add3A_554 : i32
      %bitcast_convert_type3A_556 = tpu.bitcast %add3A_551 : vector<16xf32> -> vector<16xi32>
      %and3A_557 = arith.constant -512 : i32
      %and3A_558 = vector.broadcast %and3A_557 : i32 to vector<16xi32>
      %and3A_559 = arith.andi %bitcast_convert_type3A_556, %and3A_558 : vector<16xi32>
      %or3A_560 = vector.broadcast %add3A_555 : i32 to vector<16xi32>
      %or3A_561 = arith.ori %and3A_559, %or3A_560 : vector<16xi32>
      %min3A_562 = arith.minsi %min3A_476, %or3A_561 : vector<16xi32>
      %max3A_563 = arith.maxsi %min3A_476, %or3A_561 : vector<16xi32>
      %min3A_564 = arith.minsi %min3A_478, %max3A_563 : vector<16xi32>
      %max3A_565 = arith.maxsi %min3A_478, %max3A_563 : vector<16xi32>
      %min3A_566 = arith.minsi %min3A_480, %max3A_565 : vector<16xi32>
      %max3A_567 = arith.maxsi %min3A_480, %max3A_565 : vector<16xi32>
      %min3A_568 = arith.minsi %min3A_482, %max3A_567 : vector<16xi32>
      %max3A_569 = arith.maxsi %min3A_482, %max3A_567 : vector<16xi32>
      %min3A_570 = arith.minsi %min3A_484, %max3A_569 : vector<16xi32>
      %max3A_571 = arith.maxsi %min3A_484, %max3A_569 : vector<16xi32>
      %min3A_572 = arith.minsi %min3A_486, %max3A_571 : vector<16xi32>
      %max3A_573 = arith.maxsi %min3A_486, %max3A_571 : vector<16xi32>
      %min3A_574 = arith.minsi %min3A_488, %max3A_573 : vector<16xi32>
      %max3A_575 = arith.maxsi %min3A_488, %max3A_573 : vector<16xi32>
      %min3A_576 = arith.minsi %min3A_490, %max3A_575 : vector<16xi32>
      %max3A_577 = arith.maxsi %min3A_490, %max3A_575 : vector<16xi32>
      %slice3A_578 = vector.extract_strided_slice %get3A_222 {offsets = [4], sizes = [1], strides = [1]} : vector<16xf32> to vector<1xf32>
      %squeeze3A_579 = vector.extract %slice3A_578[0] : f32 from vector<1xf32>
      %slice3A_580 = vector.extract_strided_slice %get3A_225 {offsets = [4], sizes = [1], strides = [1]} : vector<16xf32> to vector<1xf32>
      %squeeze3A_581 = vector.extract %slice3A_580[0] : f32 from vector<1xf32>
      %slice3A_582 = vector.extract_strided_slice %get3A_228 {offsets = [4], sizes = [1], strides = [1]} : vector<16xf32> to vector<1xf32>
      %squeeze3A_583 = vector.extract %slice3A_582[0] : f32 from vector<1xf32>
      %sub3A_584 = vector.broadcast %squeeze3A_579 : f32 to vector<16xf32>
      %sub3A_585 = arith.subf %get3A_8, %sub3A_584 : vector<16xf32>
      %sub3A_586 = vector.broadcast %squeeze3A_581 : f32 to vector<16xf32>
      %sub3A_587 = arith.subf %get3A_11, %sub3A_586 : vector<16xf32>
      %sub3A_588 = vector.broadcast %squeeze3A_583 : f32 to vector<16xf32>
      %sub3A_589 = arith.subf %get3A_14, %sub3A_588 : vector<16xf32>
      %mul3A_590 = arith.mulf %sub3A_585, %sub3A_585 : vector<16xf32>
      %mul3A_591 = arith.mulf %sub3A_587, %sub3A_587 : vector<16xf32>
      %add3A_592 = arith.addf %mul3A_590, %mul3A_591 : vector<16xf32>
      %mul3A_593 = arith.mulf %sub3A_589, %sub3A_589 : vector<16xf32>
      %add3A_594 = arith.addf %add3A_592, %mul3A_593 : vector<16xf32>
      %add3A_595 = arith.constant 0 : i32
      %add3A_596 = arith.addi %add3A_595, %mul3A_217 : i32
      %add3A_597 = arith.constant 4 : i32
      %add3A_598 = arith.addi %add3A_596, %add3A_597 : i32
      %bitcast_convert_type3A_599 = tpu.bitcast %add3A_594 : vector<16xf32> -> vector<16xi32>
      %and3A_600 = arith.constant -512 : i32
      %and3A_601 = vector.broadcast %and3A_600 : i32 to vector<16xi32>
      %and3A_602 = arith.andi %bitcast_convert_type3A_599, %and3A_601 : vector<16xi32>
      %or3A_603 = vector.broadcast %add3A_598 : i32 to vector<16xi32>
      %or3A_604 = arith.ori %and3A_602, %or3A_603 : vector<16xi32>
      %min3A_605 = arith.minsi %min3A_519, %or3A_604 : vector<16xi32>
      %max3A_606 = arith.maxsi %min3A_519, %or3A_604 : vector<16xi32>
      %min3A_607 = arith.minsi %min3A_521, %max3A_606 : vector<16xi32>
      %max3A_608 = arith.maxsi %min3A_521, %max3A_606 : vector<16xi32>
      %min3A_609 = arith.minsi %min3A_523, %max3A_608 : vector<16xi32>
      %max3A_610 = arith.maxsi %min3A_523, %max3A_608 : vector<16xi32>
      %min3A_611 = arith.minsi %min3A_525, %max3A_610 : vector<16xi32>
      %max3A_612 = arith.maxsi %min3A_525, %max3A_610 : vector<16xi32>
      %min3A_613 = arith.minsi %min3A_527, %max3A_612 : vector<16xi32>
      %max3A_614 = arith.maxsi %min3A_527, %max3A_612 : vector<16xi32>
      %min3A_615 = arith.minsi %min3A_529, %max3A_614 : vector<16xi32>
      %max3A_616 = arith.maxsi %min3A_529, %max3A_614 : vector<16xi32>
      %min3A_617 = arith.minsi %min3A_531, %max3A_616 : vector<16xi32>
      %max3A_618 = arith.maxsi %min3A_531, %max3A_616 : vector<16xi32>
      %min3A_619 = arith.minsi %min3A_533, %max3A_618 : vector<16xi32>
      %max3A_620 = arith.maxsi %min3A_533, %max3A_618 : vector<16xi32>
      %slice3A_621 = vector.extract_strided_slice %get3A_233 {offsets = [4], sizes = [1], strides = [1]} : vector<16xf32> to vector<1xf32>
      %squeeze3A_622 = vector.extract %slice3A_621[0] : f32 from vector<1xf32>
      %slice3A_623 = vector.extract_strided_slice %get3A_236 {offsets = [4], sizes = [1], strides = [1]} : vector<16xf32> to vector<1xf32>
      %squeeze3A_624 = vector.extract %slice3A_623[0] : f32 from vector<1xf32>
      %slice3A_625 = vector.extract_strided_slice %get3A_239 {offsets = [4], sizes = [1], strides = [1]} : vector<16xf32> to vector<1xf32>
      %squeeze3A_626 = vector.extract %slice3A_625[0] : f32 from vector<1xf32>
      %sub3A_627 = vector.broadcast %squeeze3A_622 : f32 to vector<16xf32>
      %sub3A_628 = arith.subf %get3A_8, %sub3A_627 : vector<16xf32>
      %sub3A_629 = vector.broadcast %squeeze3A_624 : f32 to vector<16xf32>
      %sub3A_630 = arith.subf %get3A_11, %sub3A_629 : vector<16xf32>
      %sub3A_631 = vector.broadcast %squeeze3A_626 : f32 to vector<16xf32>
      %sub3A_632 = arith.subf %get3A_14, %sub3A_631 : vector<16xf32>
      %mul3A_633 = arith.mulf %sub3A_628, %sub3A_628 : vector<16xf32>
      %mul3A_634 = arith.mulf %sub3A_630, %sub3A_630 : vector<16xf32>
      %add3A_635 = arith.addf %mul3A_633, %mul3A_634 : vector<16xf32>
      %mul3A_636 = arith.mulf %sub3A_632, %sub3A_632 : vector<16xf32>
      %add3A_637 = arith.addf %add3A_635, %mul3A_636 : vector<16xf32>
      %add3A_638 = arith.constant 256 : i32
      %add3A_639 = arith.addi %add3A_638, %mul3A_217 : i32
      %add3A_640 = arith.constant 4 : i32
      %add3A_641 = arith.addi %add3A_639, %add3A_640 : i32
      %bitcast_convert_type3A_642 = tpu.bitcast %add3A_637 : vector<16xf32> -> vector<16xi32>
      %and3A_643 = arith.constant -512 : i32
      %and3A_644 = vector.broadcast %and3A_643 : i32 to vector<16xi32>
      %and3A_645 = arith.andi %bitcast_convert_type3A_642, %and3A_644 : vector<16xi32>
      %or3A_646 = vector.broadcast %add3A_641 : i32 to vector<16xi32>
      %or3A_647 = arith.ori %and3A_645, %or3A_646 : vector<16xi32>
      %min3A_648 = arith.minsi %min3A_562, %or3A_647 : vector<16xi32>
      %max3A_649 = arith.maxsi %min3A_562, %or3A_647 : vector<16xi32>
      %min3A_650 = arith.minsi %min3A_564, %max3A_649 : vector<16xi32>
      %max3A_651 = arith.maxsi %min3A_564, %max3A_649 : vector<16xi32>
      %min3A_652 = arith.minsi %min3A_566, %max3A_651 : vector<16xi32>
      %max3A_653 = arith.maxsi %min3A_566, %max3A_651 : vector<16xi32>
      %min3A_654 = arith.minsi %min3A_568, %max3A_653 : vector<16xi32>
      %max3A_655 = arith.maxsi %min3A_568, %max3A_653 : vector<16xi32>
      %min3A_656 = arith.minsi %min3A_570, %max3A_655 : vector<16xi32>
      %max3A_657 = arith.maxsi %min3A_570, %max3A_655 : vector<16xi32>
      %min3A_658 = arith.minsi %min3A_572, %max3A_657 : vector<16xi32>
      %max3A_659 = arith.maxsi %min3A_572, %max3A_657 : vector<16xi32>
      %min3A_660 = arith.minsi %min3A_574, %max3A_659 : vector<16xi32>
      %max3A_661 = arith.maxsi %min3A_574, %max3A_659 : vector<16xi32>
      %min3A_662 = arith.minsi %min3A_576, %max3A_661 : vector<16xi32>
      %max3A_663 = arith.maxsi %min3A_576, %max3A_661 : vector<16xi32>
      %slice3A_664 = vector.extract_strided_slice %get3A_222 {offsets = [5], sizes = [1], strides = [1]} : vector<16xf32> to vector<1xf32>
      %squeeze3A_665 = vector.extract %slice3A_664[0] : f32 from vector<1xf32>
      %slice3A_666 = vector.extract_strided_slice %get3A_225 {offsets = [5], sizes = [1], strides = [1]} : vector<16xf32> to vector<1xf32>
      %squeeze3A_667 = vector.extract %slice3A_666[0] : f32 from vector<1xf32>
      %slice3A_668 = vector.extract_strided_slice %get3A_228 {offsets = [5], sizes = [1], strides = [1]} : vector<16xf32> to vector<1xf32>
      %squeeze3A_669 = vector.extract %slice3A_668[0] : f32 from vector<1xf32>
      %sub3A_670 = vector.broadcast %squeeze3A_665 : f32 to vector<16xf32>
      %sub3A_671 = arith.subf %get3A_8, %sub3A_670 : vector<16xf32>
      %sub3A_672 = vector.broadcast %squeeze3A_667 : f32 to vector<16xf32>
      %sub3A_673 = arith.subf %get3A_11, %sub3A_672 : vector<16xf32>
      %sub3A_674 = vector.broadcast %squeeze3A_669 : f32 to vector<16xf32>
      %sub3A_675 = arith.subf %get3A_14, %sub3A_674 : vector<16xf32>
      %mul3A_676 = arith.mulf %sub3A_671, %sub3A_671 : vector<16xf32>
      %mul3A_677 = arith.mulf %sub3A_673, %sub3A_673 : vector<16xf32>
      %add3A_678 = arith.addf %mul3A_676, %mul3A_677 : vector<16xf32>
      %mul3A_679 = arith.mulf %sub3A_675, %sub3A_675 : vector<16xf32>
      %add3A_680 = arith.addf %add3A_678, %mul3A_679 : vector<16xf32>
      %add3A_681 = arith.constant 0 : i32
      %add3A_682 = arith.addi %add3A_681, %mul3A_217 : i32
      %add3A_683 = arith.constant 5 : i32
      %add3A_684 = arith.addi %add3A_682, %add3A_683 : i32
      %bitcast_convert_type3A_685 = tpu.bitcast %add3A_680 : vector<16xf32> -> vector<16xi32>
      %and3A_686 = arith.constant -512 : i32
      %and3A_687 = vector.broadcast %and3A_686 : i32 to vector<16xi32>
      %and3A_688 = arith.andi %bitcast_convert_type3A_685, %and3A_687 : vector<16xi32>
      %or3A_689 = vector.broadcast %add3A_684 : i32 to vector<16xi32>
      %or3A_690 = arith.ori %and3A_688, %or3A_689 : vector<16xi32>
      %min3A_691 = arith.minsi %min3A_605, %or3A_690 : vector<16xi32>
      %max3A_692 = arith.maxsi %min3A_605, %or3A_690 : vector<16xi32>
      %min3A_693 = arith.minsi %min3A_607, %max3A_692 : vector<16xi32>
      %max3A_694 = arith.maxsi %min3A_607, %max3A_692 : vector<16xi32>
      %min3A_695 = arith.minsi %min3A_609, %max3A_694 : vector<16xi32>
      %max3A_696 = arith.maxsi %min3A_609, %max3A_694 : vector<16xi32>
      %min3A_697 = arith.minsi %min3A_611, %max3A_696 : vector<16xi32>
      %max3A_698 = arith.maxsi %min3A_611, %max3A_696 : vector<16xi32>
      %min3A_699 = arith.minsi %min3A_613, %max3A_698 : vector<16xi32>
      %max3A_700 = arith.maxsi %min3A_613, %max3A_698 : vector<16xi32>
      %min3A_701 = arith.minsi %min3A_615, %max3A_700 : vector<16xi32>
      %max3A_702 = arith.maxsi %min3A_615, %max3A_700 : vector<16xi32>
      %min3A_703 = arith.minsi %min3A_617, %max3A_702 : vector<16xi32>
      %max3A_704 = arith.maxsi %min3A_617, %max3A_702 : vector<16xi32>
      %min3A_705 = arith.minsi %min3A_619, %max3A_704 : vector<16xi32>
      %max3A_706 = arith.maxsi %min3A_619, %max3A_704 : vector<16xi32>
      %slice3A_707 = vector.extract_strided_slice %get3A_233 {offsets = [5], sizes = [1], strides = [1]} : vector<16xf32> to vector<1xf32>
      %squeeze3A_708 = vector.extract %slice3A_707[0] : f32 from vector<1xf32>
      %slice3A_709 = vector.extract_strided_slice %get3A_236 {offsets = [5], sizes = [1], strides = [1]} : vector<16xf32> to vector<1xf32>
      %squeeze3A_710 = vector.extract %slice3A_709[0] : f32 from vector<1xf32>
      %slice3A_711 = vector.extract_strided_slice %get3A_239 {offsets = [5], sizes = [1], strides = [1]} : vector<16xf32> to vector<1xf32>
      %squeeze3A_712 = vector.extract %slice3A_711[0] : f32 from vector<1xf32>
      %sub3A_713 = vector.broadcast %squeeze3A_708 : f32 to vector<16xf32>
      %sub3A_714 = arith.subf %get3A_8, %sub3A_713 : vector<16xf32>
      %sub3A_715 = vector.broadcast %squeeze3A_710 : f32 to vector<16xf32>
      %sub3A_716 = arith.subf %get3A_11, %sub3A_715 : vector<16xf32>
      %sub3A_717 = vector.broadcast %squeeze3A_712 : f32 to vector<16xf32>
      %sub3A_718 = arith.subf %get3A_14, %sub3A_717 : vector<16xf32>
      %mul3A_719 = arith.mulf %sub3A_714, %sub3A_714 : vector<16xf32>
      %mul3A_720 = arith.mulf %sub3A_716, %sub3A_716 : vector<16xf32>
      %add3A_721 = arith.addf %mul3A_719, %mul3A_720 : vector<16xf32>
      %mul3A_722 = arith.mulf %sub3A_718, %sub3A_718 : vector<16xf32>
      %add3A_723 = arith.addf %add3A_721, %mul3A_722 : vector<16xf32>
      %add3A_724 = arith.constant 256 : i32
      %add3A_725 = arith.addi %add3A_724, %mul3A_217 : i32
      %add3A_726 = arith.constant 5 : i32
      %add3A_727 = arith.addi %add3A_725, %add3A_726 : i32
      %bitcast_convert_type3A_728 = tpu.bitcast %add3A_723 : vector<16xf32> -> vector<16xi32>
      %and3A_729 = arith.constant -512 : i32
      %and3A_730 = vector.broadcast %and3A_729 : i32 to vector<16xi32>
      %and3A_731 = arith.andi %bitcast_convert_type3A_728, %and3A_730 : vector<16xi32>
      %or3A_732 = vector.broadcast %add3A_727 : i32 to vector<16xi32>
      %or3A_733 = arith.ori %and3A_731, %or3A_732 : vector<16xi32>
      %min3A_734 = arith.minsi %min3A_648, %or3A_733 : vector<16xi32>
      %max3A_735 = arith.maxsi %min3A_648, %or3A_733 : vector<16xi32>
      %min3A_736 = arith.minsi %min3A_650, %max3A_735 : vector<16xi32>
      %max3A_737 = arith.maxsi %min3A_650, %max3A_735 : vector<16xi32>
      %min3A_738 = arith.minsi %min3A_652, %max3A_737 : vector<16xi32>
      %max3A_739 = arith.maxsi %min3A_652, %max3A_737 : vector<16xi32>
      %min3A_740 = arith.minsi %min3A_654, %max3A_739 : vector<16xi32>
      %max3A_741 = arith.maxsi %min3A_654, %max3A_739 : vector<16xi32>
      %min3A_742 = arith.minsi %min3A_656, %max3A_741 : vector<16xi32>
      %max3A_743 = arith.maxsi %min3A_656, %max3A_741 : vector<16xi32>
      %min3A_744 = arith.minsi %min3A_658, %max3A_743 : vector<16xi32>
      %max3A_745 = arith.maxsi %min3A_658, %max3A_743 : vector<16xi32>
      %min3A_746 = arith.minsi %min3A_660, %max3A_745 : vector<16xi32>
      %max3A_747 = arith.maxsi %min3A_660, %max3A_745 : vector<16xi32>
      %min3A_748 = arith.minsi %min3A_662, %max3A_747 : vector<16xi32>
      %max3A_749 = arith.maxsi %min3A_662, %max3A_747 : vector<16xi32>
      %slice3A_750 = vector.extract_strided_slice %get3A_222 {offsets = [6], sizes = [1], strides = [1]} : vector<16xf32> to vector<1xf32>
      %squeeze3A_751 = vector.extract %slice3A_750[0] : f32 from vector<1xf32>
      %slice3A_752 = vector.extract_strided_slice %get3A_225 {offsets = [6], sizes = [1], strides = [1]} : vector<16xf32> to vector<1xf32>
      %squeeze3A_753 = vector.extract %slice3A_752[0] : f32 from vector<1xf32>
      %slice3A_754 = vector.extract_strided_slice %get3A_228 {offsets = [6], sizes = [1], strides = [1]} : vector<16xf32> to vector<1xf32>
      %squeeze3A_755 = vector.extract %slice3A_754[0] : f32 from vector<1xf32>
      %sub3A_756 = vector.broadcast %squeeze3A_751 : f32 to vector<16xf32>
      %sub3A_757 = arith.subf %get3A_8, %sub3A_756 : vector<16xf32>
      %sub3A_758 = vector.broadcast %squeeze3A_753 : f32 to vector<16xf32>
      %sub3A_759 = arith.subf %get3A_11, %sub3A_758 : vector<16xf32>
      %sub3A_760 = vector.broadcast %squeeze3A_755 : f32 to vector<16xf32>
      %sub3A_761 = arith.subf %get3A_14, %sub3A_760 : vector<16xf32>
      %mul3A_762 = arith.mulf %sub3A_757, %sub3A_757 : vector<16xf32>
      %mul3A_763 = arith.mulf %sub3A_759, %sub3A_759 : vector<16xf32>
      %add3A_764 = arith.addf %mul3A_762, %mul3A_763 : vector<16xf32>
      %mul3A_765 = arith.mulf %sub3A_761, %sub3A_761 : vector<16xf32>
      %add3A_766 = arith.addf %add3A_764, %mul3A_765 : vector<16xf32>
      %add3A_767 = arith.constant 0 : i32
      %add3A_768 = arith.addi %add3A_767, %mul3A_217 : i32
      %add3A_769 = arith.constant 6 : i32
      %add3A_770 = arith.addi %add3A_768, %add3A_769 : i32
      %bitcast_convert_type3A_771 = tpu.bitcast %add3A_766 : vector<16xf32> -> vector<16xi32>
      %and3A_772 = arith.constant -512 : i32
      %and3A_773 = vector.broadcast %and3A_772 : i32 to vector<16xi32>
      %and3A_774 = arith.andi %bitcast_convert_type3A_771, %and3A_773 : vector<16xi32>
      %or3A_775 = vector.broadcast %add3A_770 : i32 to vector<16xi32>
      %or3A_776 = arith.ori %and3A_774, %or3A_775 : vector<16xi32>
      %min3A_777 = arith.minsi %min3A_691, %or3A_776 : vector<16xi32>
      %max3A_778 = arith.maxsi %min3A_691, %or3A_776 : vector<16xi32>
      %min3A_779 = arith.minsi %min3A_693, %max3A_778 : vector<16xi32>
      %max3A_780 = arith.maxsi %min3A_693, %max3A_778 : vector<16xi32>
      %min3A_781 = arith.minsi %min3A_695, %max3A_780 : vector<16xi32>
      %max3A_782 = arith.maxsi %min3A_695, %max3A_780 : vector<16xi32>
      %min3A_783 = arith.minsi %min3A_697, %max3A_782 : vector<16xi32>
      %max3A_784 = arith.maxsi %min3A_697, %max3A_782 : vector<16xi32>
      %min3A_785 = arith.minsi %min3A_699, %max3A_784 : vector<16xi32>
      %max3A_786 = arith.maxsi %min3A_699, %max3A_784 : vector<16xi32>
      %min3A_787 = arith.minsi %min3A_701, %max3A_786 : vector<16xi32>
      %max3A_788 = arith.maxsi %min3A_701, %max3A_786 : vector<16xi32>
      %min3A_789 = arith.minsi %min3A_703, %max3A_788 : vector<16xi32>
      %max3A_790 = arith.maxsi %min3A_703, %max3A_788 : vector<16xi32>
      %min3A_791 = arith.minsi %min3A_705, %max3A_790 : vector<16xi32>
      %max3A_792 = arith.maxsi %min3A_705, %max3A_790 : vector<16xi32>
      %slice3A_793 = vector.extract_strided_slice %get3A_233 {offsets = [6], sizes = [1], strides = [1]} : vector<16xf32> to vector<1xf32>
      %squeeze3A_794 = vector.extract %slice3A_793[0] : f32 from vector<1xf32>
      %slice3A_795 = vector.extract_strided_slice %get3A_236 {offsets = [6], sizes = [1], strides = [1]} : vector<16xf32> to vector<1xf32>
      %squeeze3A_796 = vector.extract %slice3A_795[0] : f32 from vector<1xf32>
      %slice3A_797 = vector.extract_strided_slice %get3A_239 {offsets = [6], sizes = [1], strides = [1]} : vector<16xf32> to vector<1xf32>
      %squeeze3A_798 = vector.extract %slice3A_797[0] : f32 from vector<1xf32>
      %sub3A_799 = vector.broadcast %squeeze3A_794 : f32 to vector<16xf32>
      %sub3A_800 = arith.subf %get3A_8, %sub3A_799 : vector<16xf32>
      %sub3A_801 = vector.broadcast %squeeze3A_796 : f32 to vector<16xf32>
      %sub3A_802 = arith.subf %get3A_11, %sub3A_801 : vector<16xf32>
      %sub3A_803 = vector.broadcast %squeeze3A_798 : f32 to vector<16xf32>
      %sub3A_804 = arith.subf %get3A_14, %sub3A_803 : vector<16xf32>
      %mul3A_805 = arith.mulf %sub3A_800, %sub3A_800 : vector<16xf32>
      %mul3A_806 = arith.mulf %sub3A_802, %sub3A_802 : vector<16xf32>
      %add3A_807 = arith.addf %mul3A_805, %mul3A_806 : vector<16xf32>
      %mul3A_808 = arith.mulf %sub3A_804, %sub3A_804 : vector<16xf32>
      %add3A_809 = arith.addf %add3A_807, %mul3A_808 : vector<16xf32>
      %add3A_810 = arith.constant 256 : i32
      %add3A_811 = arith.addi %add3A_810, %mul3A_217 : i32
      %add3A_812 = arith.constant 6 : i32
      %add3A_813 = arith.addi %add3A_811, %add3A_812 : i32
      %bitcast_convert_type3A_814 = tpu.bitcast %add3A_809 : vector<16xf32> -> vector<16xi32>
      %and3A_815 = arith.constant -512 : i32
      %and3A_816 = vector.broadcast %and3A_815 : i32 to vector<16xi32>
      %and3A_817 = arith.andi %bitcast_convert_type3A_814, %and3A_816 : vector<16xi32>
      %or3A_818 = vector.broadcast %add3A_813 : i32 to vector<16xi32>
      %or3A_819 = arith.ori %and3A_817, %or3A_818 : vector<16xi32>
      %min3A_820 = arith.minsi %min3A_734, %or3A_819 : vector<16xi32>
      %max3A_821 = arith.maxsi %min3A_734, %or3A_819 : vector<16xi32>
      %min3A_822 = arith.minsi %min3A_736, %max3A_821 : vector<16xi32>
      %max3A_823 = arith.maxsi %min3A_736, %max3A_821 : vector<16xi32>
      %min3A_824 = arith.minsi %min3A_738, %max3A_823 : vector<16xi32>
      %max3A_825 = arith.maxsi %min3A_738, %max3A_823 : vector<16xi32>
      %min3A_826 = arith.minsi %min3A_740, %max3A_825 : vector<16xi32>
      %max3A_827 = arith.maxsi %min3A_740, %max3A_825 : vector<16xi32>
      %min3A_828 = arith.minsi %min3A_742, %max3A_827 : vector<16xi32>
      %max3A_829 = arith.maxsi %min3A_742, %max3A_827 : vector<16xi32>
      %min3A_830 = arith.minsi %min3A_744, %max3A_829 : vector<16xi32>
      %max3A_831 = arith.maxsi %min3A_744, %max3A_829 : vector<16xi32>
      %min3A_832 = arith.minsi %min3A_746, %max3A_831 : vector<16xi32>
      %max3A_833 = arith.maxsi %min3A_746, %max3A_831 : vector<16xi32>
      %min3A_834 = arith.minsi %min3A_748, %max3A_833 : vector<16xi32>
      %max3A_835 = arith.maxsi %min3A_748, %max3A_833 : vector<16xi32>
      %slice3A_836 = vector.extract_strided_slice %get3A_222 {offsets = [7], sizes = [1], strides = [1]} : vector<16xf32> to vector<1xf32>
      %squeeze3A_837 = vector.extract %slice3A_836[0] : f32 from vector<1xf32>
      %slice3A_838 = vector.extract_strided_slice %get3A_225 {offsets = [7], sizes = [1], strides = [1]} : vector<16xf32> to vector<1xf32>
      %squeeze3A_839 = vector.extract %slice3A_838[0] : f32 from vector<1xf32>
      %slice3A_840 = vector.extract_strided_slice %get3A_228 {offsets = [7], sizes = [1], strides = [1]} : vector<16xf32> to vector<1xf32>
      %squeeze3A_841 = vector.extract %slice3A_840[0] : f32 from vector<1xf32>
      %sub3A_842 = vector.broadcast %squeeze3A_837 : f32 to vector<16xf32>
      %sub3A_843 = arith.subf %get3A_8, %sub3A_842 : vector<16xf32>
      %sub3A_844 = vector.broadcast %squeeze3A_839 : f32 to vector<16xf32>
      %sub3A_845 = arith.subf %get3A_11, %sub3A_844 : vector<16xf32>
      %sub3A_846 = vector.broadcast %squeeze3A_841 : f32 to vector<16xf32>
      %sub3A_847 = arith.subf %get3A_14, %sub3A_846 : vector<16xf32>
      %mul3A_848 = arith.mulf %sub3A_843, %sub3A_843 : vector<16xf32>
      %mul3A_849 = arith.mulf %sub3A_845, %sub3A_845 : vector<16xf32>
      %add3A_850 = arith.addf %mul3A_848, %mul3A_849 : vector<16xf32>
      %mul3A_851 = arith.mulf %sub3A_847, %sub3A_847 : vector<16xf32>
      %add3A_852 = arith.addf %add3A_850, %mul3A_851 : vector<16xf32>
      %add3A_853 = arith.constant 0 : i32
      %add3A_854 = arith.addi %add3A_853, %mul3A_217 : i32
      %add3A_855 = arith.constant 7 : i32
      %add3A_856 = arith.addi %add3A_854, %add3A_855 : i32
      %bitcast_convert_type3A_857 = tpu.bitcast %add3A_852 : vector<16xf32> -> vector<16xi32>
      %and3A_858 = arith.constant -512 : i32
      %and3A_859 = vector.broadcast %and3A_858 : i32 to vector<16xi32>
      %and3A_860 = arith.andi %bitcast_convert_type3A_857, %and3A_859 : vector<16xi32>
      %or3A_861 = vector.broadcast %add3A_856 : i32 to vector<16xi32>
      %or3A_862 = arith.ori %and3A_860, %or3A_861 : vector<16xi32>
      %min3A_863 = arith.minsi %min3A_777, %or3A_862 : vector<16xi32>
      %max3A_864 = arith.maxsi %min3A_777, %or3A_862 : vector<16xi32>
      %min3A_865 = arith.minsi %min3A_779, %max3A_864 : vector<16xi32>
      %max3A_866 = arith.maxsi %min3A_779, %max3A_864 : vector<16xi32>
      %min3A_867 = arith.minsi %min3A_781, %max3A_866 : vector<16xi32>
      %max3A_868 = arith.maxsi %min3A_781, %max3A_866 : vector<16xi32>
      %min3A_869 = arith.minsi %min3A_783, %max3A_868 : vector<16xi32>
      %max3A_870 = arith.maxsi %min3A_783, %max3A_868 : vector<16xi32>
      %min3A_871 = arith.minsi %min3A_785, %max3A_870 : vector<16xi32>
      %max3A_872 = arith.maxsi %min3A_785, %max3A_870 : vector<16xi32>
      %min3A_873 = arith.minsi %min3A_787, %max3A_872 : vector<16xi32>
      %max3A_874 = arith.maxsi %min3A_787, %max3A_872 : vector<16xi32>
      %min3A_875 = arith.minsi %min3A_789, %max3A_874 : vector<16xi32>
      %max3A_876 = arith.maxsi %min3A_789, %max3A_874 : vector<16xi32>
      %min3A_877 = arith.minsi %min3A_791, %max3A_876 : vector<16xi32>
      %max3A_878 = arith.maxsi %min3A_791, %max3A_876 : vector<16xi32>
      %slice3A_879 = vector.extract_strided_slice %get3A_233 {offsets = [7], sizes = [1], strides = [1]} : vector<16xf32> to vector<1xf32>
      %squeeze3A_880 = vector.extract %slice3A_879[0] : f32 from vector<1xf32>
      %slice3A_881 = vector.extract_strided_slice %get3A_236 {offsets = [7], sizes = [1], strides = [1]} : vector<16xf32> to vector<1xf32>
      %squeeze3A_882 = vector.extract %slice3A_881[0] : f32 from vector<1xf32>
      %slice3A_883 = vector.extract_strided_slice %get3A_239 {offsets = [7], sizes = [1], strides = [1]} : vector<16xf32> to vector<1xf32>
      %squeeze3A_884 = vector.extract %slice3A_883[0] : f32 from vector<1xf32>
      %sub3A_885 = vector.broadcast %squeeze3A_880 : f32 to vector<16xf32>
      %sub3A_886 = arith.subf %get3A_8, %sub3A_885 : vector<16xf32>
      %sub3A_887 = vector.broadcast %squeeze3A_882 : f32 to vector<16xf32>
      %sub3A_888 = arith.subf %get3A_11, %sub3A_887 : vector<16xf32>
      %sub3A_889 = vector.broadcast %squeeze3A_884 : f32 to vector<16xf32>
      %sub3A_890 = arith.subf %get3A_14, %sub3A_889 : vector<16xf32>
      %mul3A_891 = arith.mulf %sub3A_886, %sub3A_886 : vector<16xf32>
      %mul3A_892 = arith.mulf %sub3A_888, %sub3A_888 : vector<16xf32>
      %add3A_893 = arith.addf %mul3A_891, %mul3A_892 : vector<16xf32>
      %mul3A_894 = arith.mulf %sub3A_890, %sub3A_890 : vector<16xf32>
      %add3A_895 = arith.addf %add3A_893, %mul3A_894 : vector<16xf32>
      %add3A_896 = arith.constant 256 : i32
      %add3A_897 = arith.addi %add3A_896, %mul3A_217 : i32
      %add3A_898 = arith.constant 7 : i32
      %add3A_899 = arith.addi %add3A_897, %add3A_898 : i32
      %bitcast_convert_type3A_900 = tpu.bitcast %add3A_895 : vector<16xf32> -> vector<16xi32>
      %and3A_901 = arith.constant -512 : i32
      %and3A_902 = vector.broadcast %and3A_901 : i32 to vector<16xi32>
      %and3A_903 = arith.andi %bitcast_convert_type3A_900, %and3A_902 : vector<16xi32>
      %or3A_904 = vector.broadcast %add3A_899 : i32 to vector<16xi32>
      %or3A_905 = arith.ori %and3A_903, %or3A_904 : vector<16xi32>
      %min3A_906 = arith.minsi %min3A_820, %or3A_905 : vector<16xi32>
      %max3A_907 = arith.maxsi %min3A_820, %or3A_905 : vector<16xi32>
      %min3A_908 = arith.minsi %min3A_822, %max3A_907 : vector<16xi32>
      %max3A_909 = arith.maxsi %min3A_822, %max3A_907 : vector<16xi32>
      %min3A_910 = arith.minsi %min3A_824, %max3A_909 : vector<16xi32>
      %max3A_911 = arith.maxsi %min3A_824, %max3A_909 : vector<16xi32>
      %min3A_912 = arith.minsi %min3A_826, %max3A_911 : vector<16xi32>
      %max3A_913 = arith.maxsi %min3A_826, %max3A_911 : vector<16xi32>
      %min3A_914 = arith.minsi %min3A_828, %max3A_913 : vector<16xi32>
      %max3A_915 = arith.maxsi %min3A_828, %max3A_913 : vector<16xi32>
      %min3A_916 = arith.minsi %min3A_830, %max3A_915 : vector<16xi32>
      %max3A_917 = arith.maxsi %min3A_830, %max3A_915 : vector<16xi32>
      %min3A_918 = arith.minsi %min3A_832, %max3A_917 : vector<16xi32>
      %max3A_919 = arith.maxsi %min3A_832, %max3A_917 : vector<16xi32>
      %min3A_920 = arith.minsi %min3A_834, %max3A_919 : vector<16xi32>
      %max3A_921 = arith.maxsi %min3A_834, %max3A_919 : vector<16xi32>
      scf.yield %min3A_863, %min3A_865, %min3A_867, %min3A_869, %min3A_871, %min3A_873, %min3A_875, %min3A_877, %min3A_906, %min3A_908, %min3A_910, %min3A_912, %min3A_914, %min3A_916, %min3A_918, %min3A_920 : vector<16xi32>, vector<16xi32>, vector<16xi32>, vector<16xi32>, vector<16xi32>, vector<16xi32>, vector<16xi32>, vector<16xi32>, vector<16xi32>, vector<16xi32>, vector<16xi32>, vector<16xi32>, vector<16xi32>, vector<16xi32>, vector<16xi32>, vector<16xi32>
    }
    %scan3A_34 = arith.constant 32 : i32
    %min3A = arith.minsi %scan3A_33#0, %scan3A_33#8 : vector<16xi32>
    %max3A = arith.maxsi %scan3A_33#0, %scan3A_33#8 : vector<16xi32>
    %min3A_35 = arith.minsi %scan3A_33#1, %max3A : vector<16xi32>
    %max3A_36 = arith.maxsi %scan3A_33#1, %max3A : vector<16xi32>
    %min3A_37 = arith.minsi %scan3A_33#2, %max3A_36 : vector<16xi32>
    %max3A_38 = arith.maxsi %scan3A_33#2, %max3A_36 : vector<16xi32>
    %min3A_39 = arith.minsi %scan3A_33#3, %max3A_38 : vector<16xi32>
    %max3A_40 = arith.maxsi %scan3A_33#3, %max3A_38 : vector<16xi32>
    %min3A_41 = arith.minsi %scan3A_33#4, %max3A_40 : vector<16xi32>
    %max3A_42 = arith.maxsi %scan3A_33#4, %max3A_40 : vector<16xi32>
    %min3A_43 = arith.minsi %scan3A_33#5, %max3A_42 : vector<16xi32>
    %max3A_44 = arith.maxsi %scan3A_33#5, %max3A_42 : vector<16xi32>
    %min3A_45 = arith.minsi %scan3A_33#6, %max3A_44 : vector<16xi32>
    %max3A_46 = arith.maxsi %scan3A_33#6, %max3A_44 : vector<16xi32>
    %min3A_47 = arith.minsi %scan3A_33#7, %max3A_46 : vector<16xi32>
    %max3A_48 = arith.maxsi %scan3A_33#7, %max3A_46 : vector<16xi32>
    %min3A_49 = arith.minsi %min3A, %scan3A_33#9 : vector<16xi32>
    %max3A_50 = arith.maxsi %min3A, %scan3A_33#9 : vector<16xi32>
    %min3A_51 = arith.minsi %min3A_35, %max3A_50 : vector<16xi32>
    %max3A_52 = arith.maxsi %min3A_35, %max3A_50 : vector<16xi32>
    %min3A_53 = arith.minsi %min3A_37, %max3A_52 : vector<16xi32>
    %max3A_54 = arith.maxsi %min3A_37, %max3A_52 : vector<16xi32>
    %min3A_55 = arith.minsi %min3A_39, %max3A_54 : vector<16xi32>
    %max3A_56 = arith.maxsi %min3A_39, %max3A_54 : vector<16xi32>
    %min3A_57 = arith.minsi %min3A_41, %max3A_56 : vector<16xi32>
    %max3A_58 = arith.maxsi %min3A_41, %max3A_56 : vector<16xi32>
    %min3A_59 = arith.minsi %min3A_43, %max3A_58 : vector<16xi32>
    %max3A_60 = arith.maxsi %min3A_43, %max3A_58 : vector<16xi32>
    %min3A_61 = arith.minsi %min3A_45, %max3A_60 : vector<16xi32>
    %max3A_62 = arith.maxsi %min3A_45, %max3A_60 : vector<16xi32>
    %min3A_63 = arith.minsi %min3A_47, %max3A_62 : vector<16xi32>
    %max3A_64 = arith.maxsi %min3A_47, %max3A_62 : vector<16xi32>
    %min3A_65 = arith.minsi %min3A_49, %scan3A_33#10 : vector<16xi32>
    %max3A_66 = arith.maxsi %min3A_49, %scan3A_33#10 : vector<16xi32>
    %min3A_67 = arith.minsi %min3A_51, %max3A_66 : vector<16xi32>
    %max3A_68 = arith.maxsi %min3A_51, %max3A_66 : vector<16xi32>
    %min3A_69 = arith.minsi %min3A_53, %max3A_68 : vector<16xi32>
    %max3A_70 = arith.maxsi %min3A_53, %max3A_68 : vector<16xi32>
    %min3A_71 = arith.minsi %min3A_55, %max3A_70 : vector<16xi32>
    %max3A_72 = arith.maxsi %min3A_55, %max3A_70 : vector<16xi32>
    %min3A_73 = arith.minsi %min3A_57, %max3A_72 : vector<16xi32>
    %max3A_74 = arith.maxsi %min3A_57, %max3A_72 : vector<16xi32>
    %min3A_75 = arith.minsi %min3A_59, %max3A_74 : vector<16xi32>
    %max3A_76 = arith.maxsi %min3A_59, %max3A_74 : vector<16xi32>
    %min3A_77 = arith.minsi %min3A_61, %max3A_76 : vector<16xi32>
    %max3A_78 = arith.maxsi %min3A_61, %max3A_76 : vector<16xi32>
    %min3A_79 = arith.minsi %min3A_63, %max3A_78 : vector<16xi32>
    %max3A_80 = arith.maxsi %min3A_63, %max3A_78 : vector<16xi32>
    %min3A_81 = arith.minsi %min3A_65, %scan3A_33#11 : vector<16xi32>
    %max3A_82 = arith.maxsi %min3A_65, %scan3A_33#11 : vector<16xi32>
    %min3A_83 = arith.minsi %min3A_67, %max3A_82 : vector<16xi32>
    %max3A_84 = arith.maxsi %min3A_67, %max3A_82 : vector<16xi32>
    %min3A_85 = arith.minsi %min3A_69, %max3A_84 : vector<16xi32>
    %max3A_86 = arith.maxsi %min3A_69, %max3A_84 : vector<16xi32>
    %min3A_87 = arith.minsi %min3A_71, %max3A_86 : vector<16xi32>
    %max3A_88 = arith.maxsi %min3A_71, %max3A_86 : vector<16xi32>
    %min3A_89 = arith.minsi %min3A_73, %max3A_88 : vector<16xi32>
    %max3A_90 = arith.maxsi %min3A_73, %max3A_88 : vector<16xi32>
    %min3A_91 = arith.minsi %min3A_75, %max3A_90 : vector<16xi32>
    %max3A_92 = arith.maxsi %min3A_75, %max3A_90 : vector<16xi32>
    %min3A_93 = arith.minsi %min3A_77, %max3A_92 : vector<16xi32>
    %max3A_94 = arith.maxsi %min3A_77, %max3A_92 : vector<16xi32>
    %min3A_95 = arith.minsi %min3A_79, %max3A_94 : vector<16xi32>
    %max3A_96 = arith.maxsi %min3A_79, %max3A_94 : vector<16xi32>
    %min3A_97 = arith.minsi %min3A_81, %scan3A_33#12 : vector<16xi32>
    %max3A_98 = arith.maxsi %min3A_81, %scan3A_33#12 : vector<16xi32>
    %min3A_99 = arith.minsi %min3A_83, %max3A_98 : vector<16xi32>
    %max3A_100 = arith.maxsi %min3A_83, %max3A_98 : vector<16xi32>
    %min3A_101 = arith.minsi %min3A_85, %max3A_100 : vector<16xi32>
    %max3A_102 = arith.maxsi %min3A_85, %max3A_100 : vector<16xi32>
    %min3A_103 = arith.minsi %min3A_87, %max3A_102 : vector<16xi32>
    %max3A_104 = arith.maxsi %min3A_87, %max3A_102 : vector<16xi32>
    %min3A_105 = arith.minsi %min3A_89, %max3A_104 : vector<16xi32>
    %max3A_106 = arith.maxsi %min3A_89, %max3A_104 : vector<16xi32>
    %min3A_107 = arith.minsi %min3A_91, %max3A_106 : vector<16xi32>
    %max3A_108 = arith.maxsi %min3A_91, %max3A_106 : vector<16xi32>
    %min3A_109 = arith.minsi %min3A_93, %max3A_108 : vector<16xi32>
    %max3A_110 = arith.maxsi %min3A_93, %max3A_108 : vector<16xi32>
    %min3A_111 = arith.minsi %min3A_95, %max3A_110 : vector<16xi32>
    %max3A_112 = arith.maxsi %min3A_95, %max3A_110 : vector<16xi32>
    %min3A_113 = arith.minsi %min3A_97, %scan3A_33#13 : vector<16xi32>
    %max3A_114 = arith.maxsi %min3A_97, %scan3A_33#13 : vector<16xi32>
    %min3A_115 = arith.minsi %min3A_99, %max3A_114 : vector<16xi32>
    %max3A_116 = arith.maxsi %min3A_99, %max3A_114 : vector<16xi32>
    %min3A_117 = arith.minsi %min3A_101, %max3A_116 : vector<16xi32>
    %max3A_118 = arith.maxsi %min3A_101, %max3A_116 : vector<16xi32>
    %min3A_119 = arith.minsi %min3A_103, %max3A_118 : vector<16xi32>
    %max3A_120 = arith.maxsi %min3A_103, %max3A_118 : vector<16xi32>
    %min3A_121 = arith.minsi %min3A_105, %max3A_120 : vector<16xi32>
    %max3A_122 = arith.maxsi %min3A_105, %max3A_120 : vector<16xi32>
    %min3A_123 = arith.minsi %min3A_107, %max3A_122 : vector<16xi32>
    %max3A_124 = arith.maxsi %min3A_107, %max3A_122 : vector<16xi32>
    %min3A_125 = arith.minsi %min3A_109, %max3A_124 : vector<16xi32>
    %max3A_126 = arith.maxsi %min3A_109, %max3A_124 : vector<16xi32>
    %min3A_127 = arith.minsi %min3A_111, %max3A_126 : vector<16xi32>
    %max3A_128 = arith.maxsi %min3A_111, %max3A_126 : vector<16xi32>
    %min3A_129 = arith.minsi %min3A_113, %scan3A_33#14 : vector<16xi32>
    %max3A_130 = arith.maxsi %min3A_113, %scan3A_33#14 : vector<16xi32>
    %min3A_131 = arith.minsi %min3A_115, %max3A_130 : vector<16xi32>
    %max3A_132 = arith.maxsi %min3A_115, %max3A_130 : vector<16xi32>
    %min3A_133 = arith.minsi %min3A_117, %max3A_132 : vector<16xi32>
    %max3A_134 = arith.maxsi %min3A_117, %max3A_132 : vector<16xi32>
    %min3A_135 = arith.minsi %min3A_119, %max3A_134 : vector<16xi32>
    %max3A_136 = arith.maxsi %min3A_119, %max3A_134 : vector<16xi32>
    %min3A_137 = arith.minsi %min3A_121, %max3A_136 : vector<16xi32>
    %max3A_138 = arith.maxsi %min3A_121, %max3A_136 : vector<16xi32>
    %min3A_139 = arith.minsi %min3A_123, %max3A_138 : vector<16xi32>
    %max3A_140 = arith.maxsi %min3A_123, %max3A_138 : vector<16xi32>
    %min3A_141 = arith.minsi %min3A_125, %max3A_140 : vector<16xi32>
    %max3A_142 = arith.maxsi %min3A_125, %max3A_140 : vector<16xi32>
    %min3A_143 = arith.minsi %min3A_127, %max3A_142 : vector<16xi32>
    %max3A_144 = arith.maxsi %min3A_127, %max3A_142 : vector<16xi32>
    %min3A_145 = arith.minsi %min3A_129, %scan3A_33#15 : vector<16xi32>
    %max3A_146 = arith.maxsi %min3A_129, %scan3A_33#15 : vector<16xi32>
    %min3A_147 = arith.minsi %min3A_131, %max3A_146 : vector<16xi32>
    %max3A_148 = arith.maxsi %min3A_131, %max3A_146 : vector<16xi32>
    %min3A_149 = arith.minsi %min3A_133, %max3A_148 : vector<16xi32>
    %max3A_150 = arith.maxsi %min3A_133, %max3A_148 : vector<16xi32>
    %min3A_151 = arith.minsi %min3A_135, %max3A_150 : vector<16xi32>
    %max3A_152 = arith.maxsi %min3A_135, %max3A_150 : vector<16xi32>
    %min3A_153 = arith.minsi %min3A_137, %max3A_152 : vector<16xi32>
    %max3A_154 = arith.maxsi %min3A_137, %max3A_152 : vector<16xi32>
    %min3A_155 = arith.minsi %min3A_139, %max3A_154 : vector<16xi32>
    %max3A_156 = arith.maxsi %min3A_139, %max3A_154 : vector<16xi32>
    %min3A_157 = arith.minsi %min3A_141, %max3A_156 : vector<16xi32>
    %max3A_158 = arith.maxsi %min3A_141, %max3A_156 : vector<16xi32>
    %min3A_159 = arith.minsi %min3A_143, %max3A_158 : vector<16xi32>
    %max3A_160 = arith.maxsi %min3A_143, %max3A_158 : vector<16xi32>
    %swap3A = arith.constant 0 : index
    %swap3A_161 = tpu.vector_load %arg11[%swap3A] {strides = array<i32>} : memref<128xi32, #tpu.memory_space<vmem>>, vector<16xi32>,
    %swap3A_162 = vector.shape_cast %swap3A_161 : vector<16xi32> to vector<16xi32>
    %swap3A_163 = vector.shape_cast %min3A_145 : vector<16xi32> to vector<16xi32>
    tpu.vector_store %arg11[%swap3A], %swap3A_163 {strides = array<i32>} : memref<128xi32, #tpu.memory_space<vmem>>, vector<16xi32>,
    %swap3A_164 = arith.constant 16 : index
    %swap3A_165 = tpu.vector_load %arg11[%swap3A_164] {strides = array<i32>} : memref<128xi32, #tpu.memory_space<vmem>>, vector<16xi32>,
    %swap3A_166 = vector.shape_cast %swap3A_165 : vector<16xi32> to vector<16xi32>
    %swap3A_167 = vector.shape_cast %min3A_147 : vector<16xi32> to vector<16xi32>
    tpu.vector_store %arg11[%swap3A_164], %swap3A_167 {strides = array<i32>} : memref<128xi32, #tpu.memory_space<vmem>>, vector<16xi32>,
    %swap3A_168 = arith.constant 32 : index
    %swap3A_169 = tpu.vector_load %arg11[%swap3A_168] {strides = array<i32>} : memref<128xi32, #tpu.memory_space<vmem>>, vector<16xi32>,
    %swap3A_170 = vector.shape_cast %swap3A_169 : vector<16xi32> to vector<16xi32>
    %swap3A_171 = vector.shape_cast %min3A_149 : vector<16xi32> to vector<16xi32>
    tpu.vector_store %arg11[%swap3A_168], %swap3A_171 {strides = array<i32>} : memref<128xi32, #tpu.memory_space<vmem>>, vector<16xi32>,
    %swap3A_172 = arith.constant 48 : index
    %swap3A_173 = tpu.vector_load %arg11[%swap3A_172] {strides = array<i32>} : memref<128xi32, #tpu.memory_space<vmem>>, vector<16xi32>,
    %swap3A_174 = vector.shape_cast %swap3A_173 : vector<16xi32> to vector<16xi32>
    %swap3A_175 = vector.shape_cast %min3A_151 : vector<16xi32> to vector<16xi32>
    tpu.vector_store %arg11[%swap3A_172], %swap3A_175 {strides = array<i32>} : memref<128xi32, #tpu.memory_space<vmem>>, vector<16xi32>,
    %swap3A_176 = arith.constant 64 : index
    %swap3A_177 = tpu.vector_load %arg11[%swap3A_176] {strides = array<i32>} : memref<128xi32, #tpu.memory_space<vmem>>, vector<16xi32>,
    %swap3A_178 = vector.shape_cast %swap3A_177 : vector<16xi32> to vector<16xi32>
    %swap3A_179 = vector.shape_cast %min3A_153 : vector<16xi32> to vector<16xi32>
    tpu.vector_store %arg11[%swap3A_176], %swap3A_179 {strides = array<i32>} : memref<128xi32, #tpu.memory_space<vmem>>, vector<16xi32>,
    %swap3A_180 = arith.constant 80 : index
    %swap3A_181 = tpu.vector_load %arg11[%swap3A_180] {strides = array<i32>} : memref<128xi32, #tpu.memory_space<vmem>>, vector<16xi32>,
    %swap3A_182 = vector.shape_cast %swap3A_181 : vector<16xi32> to vector<16xi32>
    %swap3A_183 = vector.shape_cast %min3A_155 : vector<16xi32> to vector<16xi32>
    tpu.vector_store %arg11[%swap3A_180], %swap3A_183 {strides = array<i32>} : memref<128xi32, #tpu.memory_space<vmem>>, vector<16xi32>,
    %swap3A_184 = arith.constant 96 : index
    %swap3A_185 = tpu.vector_load %arg11[%swap3A_184] {strides = array<i32>} : memref<128xi32, #tpu.memory_space<vmem>>, vector<16xi32>,
    %swap3A_186 = vector.shape_cast %swap3A_185 : vector<16xi32> to vector<16xi32>
    %swap3A_187 = vector.shape_cast %min3A_157 : vector<16xi32> to vector<16xi32>
    tpu.vector_store %arg11[%swap3A_184], %swap3A_187 {strides = array<i32>} : memref<128xi32, #tpu.memory_space<vmem>>, vector<16xi32>,
    %swap3A_188 = arith.constant 112 : index
    %swap3A_189 = tpu.vector_load %arg11[%swap3A_188] {strides = array<i32>} : memref<128xi32, #tpu.memory_space<vmem>>, vector<16xi32>,
    %swap3A_190 = vector.shape_cast %swap3A_189 : vector<16xi32> to vector<16xi32>
    %swap3A_191 = vector.shape_cast %min3A_159 : vector<16xi32> to vector<16xi32>
    tpu.vector_store %arg11[%swap3A_188], %swap3A_191 {strides = array<i32>} : memref<128xi32, #tpu.memory_space<vmem>>, vector<16xi32>,
    %run_scoped3A = arith.constant 0 : i32
    "tpu.region"() ({
      %run_scoped3A_199 = tpu.sem_alloc : memref<!tpu.dma_semaphore, #tpu.memory_space<semaphore_mem>>
      %dma_start3A = arith.constant 0 : i32
      %dma_start3A_200 = tpu.memref_slice %arg11[%dma_start3A] : memref<128xi32, #tpu.memory_space<vmem>> -> memref<16xi32, #tpu.memory_space<vmem>>
      %dma_start3A_201 = tpu.memref_slice %arg4[%run_scoped3A, %mul3A_2] : memref<8x512xi32, #tpu.memory_space<hbm>> -> memref<1x16xi32, #tpu.memory_space<hbm>>
      %dma_start3A_202 = tpu.memref_squeeze %dma_start3A_201 : memref<1x16xi32, #tpu.memory_space<hbm>> -> memref<16xi32, #tpu.memory_space<hbm>>
      %dma_start3A_203 = tpu.memref_slice %arg4[%run_scoped3A, %mul3A_2] : memref<8x512xi32, #tpu.memory_space<hbm>> -> memref<1x16xi32, #tpu.memory_space<hbm>>
      %dma_start3A_204 = tpu.memref_squeeze %dma_start3A_203 : memref<1x16xi32, #tpu.memory_space<hbm>> -> memref<16xi32, #tpu.memory_space<hbm>>
      %dma_start3A_205 = arith.constant 0 : i32
      %dma_start3A_206 = tpu.memref_slice %arg11[%dma_start3A_205] : memref<128xi32, #tpu.memory_space<vmem>> -> memref<16xi32, #tpu.memory_space<vmem>>
      tpu.enqueue_dma source(%dma_start3A_206 : memref<16xi32, #tpu.memory_space<vmem>>) target(%dma_start3A_204 : memref<16xi32, #tpu.memory_space<hbm>>) target_semaphore(%run_scoped3A_199 : memref<!tpu.dma_semaphore, #tpu.memory_space<semaphore_mem>>)
      %dma_wait3A = arith.constant 0 : i32
      %dma_wait3A_207 = tpu.memref_slice %arg11[%dma_wait3A] : memref<128xi32, #tpu.memory_space<vmem>> -> memref<16xi32, #tpu.memory_space<vmem>>
      %dma_wait3A_208 = tpu.memref_slice %arg4[%run_scoped3A, %mul3A_2] : memref<8x512xi32, #tpu.memory_space<hbm>> -> memref<1x16xi32, #tpu.memory_space<hbm>>
      %dma_wait3A_209 = tpu.memref_squeeze %dma_wait3A_208 : memref<1x16xi32, #tpu.memory_space<hbm>> -> memref<16xi32, #tpu.memory_space<hbm>>
      %dma_wait3A_210 = tpu.memref_slice %arg4[%run_scoped3A, %mul3A_2] : memref<8x512xi32, #tpu.memory_space<hbm>> -> memref<1x16xi32, #tpu.memory_space<hbm>>
      %dma_wait3A_211 = tpu.memref_squeeze %dma_wait3A_210 : memref<1x16xi32, #tpu.memory_space<hbm>> -> memref<16xi32, #tpu.memory_space<hbm>>
      %dma_wait3A_212 = arith.constant 0 : i32
      %dma_wait3A_213 = tpu.memref_slice %arg11[%dma_wait3A_212] : memref<128xi32, #tpu.memory_space<vmem>> -> memref<16xi32, #tpu.memory_space<vmem>>
      tpu.wait_dma2 semaphore(%run_scoped3A_199 : memref<!tpu.dma_semaphore, #tpu.memory_space<semaphore_mem>>) src(%dma_wait3A_213 : memref<16xi32, #tpu.memory_space<vmem>>) dst(%dma_wait3A_211 : memref<16xi32, #tpu.memory_space<hbm>>)
      tpu.yield
    }) : () -> ()
    %run_scoped3A_192 = arith.constant 1 : i32
    "tpu.region"() ({
      %run_scoped3A_199 = tpu.sem_alloc : memref<!tpu.dma_semaphore, #tpu.memory_space<semaphore_mem>>
      %dma_start3A = arith.constant 16 : i32
      %dma_start3A_200 = tpu.memref_slice %arg11[%dma_start3A] : memref<128xi32, #tpu.memory_space<vmem>> -> memref<16xi32, #tpu.memory_space<vmem>>
      %dma_start3A_201 = tpu.memref_slice %arg4[%run_scoped3A_192, %mul3A_2] : memref<8x512xi32, #tpu.memory_space<hbm>> -> memref<1x16xi32, #tpu.memory_space<hbm>>
      %dma_start3A_202 = tpu.memref_squeeze %dma_start3A_201 : memref<1x16xi32, #tpu.memory_space<hbm>> -> memref<16xi32, #tpu.memory_space<hbm>>
      %dma_start3A_203 = tpu.memref_slice %arg4[%run_scoped3A_192, %mul3A_2] : memref<8x512xi32, #tpu.memory_space<hbm>> -> memref<1x16xi32, #tpu.memory_space<hbm>>
      %dma_start3A_204 = tpu.memref_squeeze %dma_start3A_203 : memref<1x16xi32, #tpu.memory_space<hbm>> -> memref<16xi32, #tpu.memory_space<hbm>>
      %dma_start3A_205 = arith.constant 16 : i32
      %dma_start3A_206 = tpu.memref_slice %arg11[%dma_start3A_205] : memref<128xi32, #tpu.memory_space<vmem>> -> memref<16xi32, #tpu.memory_space<vmem>>
      tpu.enqueue_dma source(%dma_start3A_206 : memref<16xi32, #tpu.memory_space<vmem>>) target(%dma_start3A_204 : memref<16xi32, #tpu.memory_space<hbm>>) target_semaphore(%run_scoped3A_199 : memref<!tpu.dma_semaphore, #tpu.memory_space<semaphore_mem>>)
      %dma_wait3A = arith.constant 16 : i32
      %dma_wait3A_207 = tpu.memref_slice %arg11[%dma_wait3A] : memref<128xi32, #tpu.memory_space<vmem>> -> memref<16xi32, #tpu.memory_space<vmem>>
      %dma_wait3A_208 = tpu.memref_slice %arg4[%run_scoped3A_192, %mul3A_2] : memref<8x512xi32, #tpu.memory_space<hbm>> -> memref<1x16xi32, #tpu.memory_space<hbm>>
      %dma_wait3A_209 = tpu.memref_squeeze %dma_wait3A_208 : memref<1x16xi32, #tpu.memory_space<hbm>> -> memref<16xi32, #tpu.memory_space<hbm>>
      %dma_wait3A_210 = tpu.memref_slice %arg4[%run_scoped3A_192, %mul3A_2] : memref<8x512xi32, #tpu.memory_space<hbm>> -> memref<1x16xi32, #tpu.memory_space<hbm>>
      %dma_wait3A_211 = tpu.memref_squeeze %dma_wait3A_210 : memref<1x16xi32, #tpu.memory_space<hbm>> -> memref<16xi32, #tpu.memory_space<hbm>>
      %dma_wait3A_212 = arith.constant 16 : i32
      %dma_wait3A_213 = tpu.memref_slice %arg11[%dma_wait3A_212] : memref<128xi32, #tpu.memory_space<vmem>> -> memref<16xi32, #tpu.memory_space<vmem>>
      tpu.wait_dma2 semaphore(%run_scoped3A_199 : memref<!tpu.dma_semaphore, #tpu.memory_space<semaphore_mem>>) src(%dma_wait3A_213 : memref<16xi32, #tpu.memory_space<vmem>>) dst(%dma_wait3A_211 : memref<16xi32, #tpu.memory_space<hbm>>)
      tpu.yield
    }) : () -> ()
    %run_scoped3A_193 = arith.constant 2 : i32
    "tpu.region"() ({
      %run_scoped3A_199 = tpu.sem_alloc : memref<!tpu.dma_semaphore, #tpu.memory_space<semaphore_mem>>
      %dma_start3A = arith.constant 32 : i32
      %dma_start3A_200 = tpu.memref_slice %arg11[%dma_start3A] : memref<128xi32, #tpu.memory_space<vmem>> -> memref<16xi32, #tpu.memory_space<vmem>>
      %dma_start3A_201 = tpu.memref_slice %arg4[%run_scoped3A_193, %mul3A_2] : memref<8x512xi32, #tpu.memory_space<hbm>> -> memref<1x16xi32, #tpu.memory_space<hbm>>
      %dma_start3A_202 = tpu.memref_squeeze %dma_start3A_201 : memref<1x16xi32, #tpu.memory_space<hbm>> -> memref<16xi32, #tpu.memory_space<hbm>>
      %dma_start3A_203 = tpu.memref_slice %arg4[%run_scoped3A_193, %mul3A_2] : memref<8x512xi32, #tpu.memory_space<hbm>> -> memref<1x16xi32, #tpu.memory_space<hbm>>
      %dma_start3A_204 = tpu.memref_squeeze %dma_start3A_203 : memref<1x16xi32, #tpu.memory_space<hbm>> -> memref<16xi32, #tpu.memory_space<hbm>>
      %dma_start3A_205 = arith.constant 32 : i32
      %dma_start3A_206 = tpu.memref_slice %arg11[%dma_start3A_205] : memref<128xi32, #tpu.memory_space<vmem>> -> memref<16xi32, #tpu.memory_space<vmem>>
      tpu.enqueue_dma source(%dma_start3A_206 : memref<16xi32, #tpu.memory_space<vmem>>) target(%dma_start3A_204 : memref<16xi32, #tpu.memory_space<hbm>>) target_semaphore(%run_scoped3A_199 : memref<!tpu.dma_semaphore, #tpu.memory_space<semaphore_mem>>)
      %dma_wait3A = arith.constant 32 : i32
      %dma_wait3A_207 = tpu.memref_slice %arg11[%dma_wait3A] : memref<128xi32, #tpu.memory_space<vmem>> -> memref<16xi32, #tpu.memory_space<vmem>>
      %dma_wait3A_208 = tpu.memref_slice %arg4[%run_scoped3A_193, %mul3A_2] : memref<8x512xi32, #tpu.memory_space<hbm>> -> memref<1x16xi32, #tpu.memory_space<hbm>>
      %dma_wait3A_209 = tpu.memref_squeeze %dma_wait3A_208 : memref<1x16xi32, #tpu.memory_space<hbm>> -> memref<16xi32, #tpu.memory_space<hbm>>
      %dma_wait3A_210 = tpu.memref_slice %arg4[%run_scoped3A_193, %mul3A_2] : memref<8x512xi32, #tpu.memory_space<hbm>> -> memref<1x16xi32, #tpu.memory_space<hbm>>
      %dma_wait3A_211 = tpu.memref_squeeze %dma_wait3A_210 : memref<1x16xi32, #tpu.memory_space<hbm>> -> memref<16xi32, #tpu.memory_space<hbm>>
      %dma_wait3A_212 = arith.constant 32 : i32
      %dma_wait3A_213 = tpu.memref_slice %arg11[%dma_wait3A_212] : memref<128xi32, #tpu.memory_space<vmem>> -> memref<16xi32, #tpu.memory_space<vmem>>
      tpu.wait_dma2 semaphore(%run_scoped3A_199 : memref<!tpu.dma_semaphore, #tpu.memory_space<semaphore_mem>>) src(%dma_wait3A_213 : memref<16xi32, #tpu.memory_space<vmem>>) dst(%dma_wait3A_211 : memref<16xi32, #tpu.memory_space<hbm>>)
      tpu.yield
    }) : () -> ()
    %run_scoped3A_194 = arith.constant 3 : i32
    "tpu.region"() ({
      %run_scoped3A_199 = tpu.sem_alloc : memref<!tpu.dma_semaphore, #tpu.memory_space<semaphore_mem>>
      %dma_start3A = arith.constant 48 : i32
      %dma_start3A_200 = tpu.memref_slice %arg11[%dma_start3A] : memref<128xi32, #tpu.memory_space<vmem>> -> memref<16xi32, #tpu.memory_space<vmem>>
      %dma_start3A_201 = tpu.memref_slice %arg4[%run_scoped3A_194, %mul3A_2] : memref<8x512xi32, #tpu.memory_space<hbm>> -> memref<1x16xi32, #tpu.memory_space<hbm>>
      %dma_start3A_202 = tpu.memref_squeeze %dma_start3A_201 : memref<1x16xi32, #tpu.memory_space<hbm>> -> memref<16xi32, #tpu.memory_space<hbm>>
      %dma_start3A_203 = tpu.memref_slice %arg4[%run_scoped3A_194, %mul3A_2] : memref<8x512xi32, #tpu.memory_space<hbm>> -> memref<1x16xi32, #tpu.memory_space<hbm>>
      %dma_start3A_204 = tpu.memref_squeeze %dma_start3A_203 : memref<1x16xi32, #tpu.memory_space<hbm>> -> memref<16xi32, #tpu.memory_space<hbm>>
      %dma_start3A_205 = arith.constant 48 : i32
      %dma_start3A_206 = tpu.memref_slice %arg11[%dma_start3A_205] : memref<128xi32, #tpu.memory_space<vmem>> -> memref<16xi32, #tpu.memory_space<vmem>>
      tpu.enqueue_dma source(%dma_start3A_206 : memref<16xi32, #tpu.memory_space<vmem>>) target(%dma_start3A_204 : memref<16xi32, #tpu.memory_space<hbm>>) target_semaphore(%run_scoped3A_199 : memref<!tpu.dma_semaphore, #tpu.memory_space<semaphore_mem>>)
      %dma_wait3A = arith.constant 48 : i32
      %dma_wait3A_207 = tpu.memref_slice %arg11[%dma_wait3A] : memref<128xi32, #tpu.memory_space<vmem>> -> memref<16xi32, #tpu.memory_space<vmem>>
      %dma_wait3A_208 = tpu.memref_slice %arg4[%run_scoped3A_194, %mul3A_2] : memref<8x512xi32, #tpu.memory_space<hbm>> -> memref<1x16xi32, #tpu.memory_space<hbm>>
      %dma_wait3A_209 = tpu.memref_squeeze %dma_wait3A_208 : memref<1x16xi32, #tpu.memory_space<hbm>> -> memref<16xi32, #tpu.memory_space<hbm>>
      %dma_wait3A_210 = tpu.memref_slice %arg4[%run_scoped3A_194, %mul3A_2] : memref<8x512xi32, #tpu.memory_space<hbm>> -> memref<1x16xi32, #tpu.memory_space<hbm>>
      %dma_wait3A_211 = tpu.memref_squeeze %dma_wait3A_210 : memref<1x16xi32, #tpu.memory_space<hbm>> -> memref<16xi32, #tpu.memory_space<hbm>>
      %dma_wait3A_212 = arith.constant 48 : i32
      %dma_wait3A_213 = tpu.memref_slice %arg11[%dma_wait3A_212] : memref<128xi32, #tpu.memory_space<vmem>> -> memref<16xi32, #tpu.memory_space<vmem>>
      tpu.wait_dma2 semaphore(%run_scoped3A_199 : memref<!tpu.dma_semaphore, #tpu.memory_space<semaphore_mem>>) src(%dma_wait3A_213 : memref<16xi32, #tpu.memory_space<vmem>>) dst(%dma_wait3A_211 : memref<16xi32, #tpu.memory_space<hbm>>)
      tpu.yield
    }) : () -> ()
    %run_scoped3A_195 = arith.constant 4 : i32
    "tpu.region"() ({
      %run_scoped3A_199 = tpu.sem_alloc : memref<!tpu.dma_semaphore, #tpu.memory_space<semaphore_mem>>
      %dma_start3A = arith.constant 64 : i32
      %dma_start3A_200 = tpu.memref_slice %arg11[%dma_start3A] : memref<128xi32, #tpu.memory_space<vmem>> -> memref<16xi32, #tpu.memory_space<vmem>>
      %dma_start3A_201 = tpu.memref_slice %arg4[%run_scoped3A_195, %mul3A_2] : memref<8x512xi32, #tpu.memory_space<hbm>> -> memref<1x16xi32, #tpu.memory_space<hbm>>
      %dma_start3A_202 = tpu.memref_squeeze %dma_start3A_201 : memref<1x16xi32, #tpu.memory_space<hbm>> -> memref<16xi32, #tpu.memory_space<hbm>>
      %dma_start3A_203 = tpu.memref_slice %arg4[%run_scoped3A_195, %mul3A_2] : memref<8x512xi32, #tpu.memory_space<hbm>> -> memref<1x16xi32, #tpu.memory_space<hbm>>
      %dma_start3A_204 = tpu.memref_squeeze %dma_start3A_203 : memref<1x16xi32, #tpu.memory_space<hbm>> -> memref<16xi32, #tpu.memory_space<hbm>>
      %dma_start3A_205 = arith.constant 64 : i32
      %dma_start3A_206 = tpu.memref_slice %arg11[%dma_start3A_205] : memref<128xi32, #tpu.memory_space<vmem>> -> memref<16xi32, #tpu.memory_space<vmem>>
      tpu.enqueue_dma source(%dma_start3A_206 : memref<16xi32, #tpu.memory_space<vmem>>) target(%dma_start3A_204 : memref<16xi32, #tpu.memory_space<hbm>>) target_semaphore(%run_scoped3A_199 : memref<!tpu.dma_semaphore, #tpu.memory_space<semaphore_mem>>)
      %dma_wait3A = arith.constant 64 : i32
      %dma_wait3A_207 = tpu.memref_slice %arg11[%dma_wait3A] : memref<128xi32, #tpu.memory_space<vmem>> -> memref<16xi32, #tpu.memory_space<vmem>>
      %dma_wait3A_208 = tpu.memref_slice %arg4[%run_scoped3A_195, %mul3A_2] : memref<8x512xi32, #tpu.memory_space<hbm>> -> memref<1x16xi32, #tpu.memory_space<hbm>>
      %dma_wait3A_209 = tpu.memref_squeeze %dma_wait3A_208 : memref<1x16xi32, #tpu.memory_space<hbm>> -> memref<16xi32, #tpu.memory_space<hbm>>
      %dma_wait3A_210 = tpu.memref_slice %arg4[%run_scoped3A_195, %mul3A_2] : memref<8x512xi32, #tpu.memory_space<hbm>> -> memref<1x16xi32, #tpu.memory_space<hbm>>
      %dma_wait3A_211 = tpu.memref_squeeze %dma_wait3A_210 : memref<1x16xi32, #tpu.memory_space<hbm>> -> memref<16xi32, #tpu.memory_space<hbm>>
      %dma_wait3A_212 = arith.constant 64 : i32
      %dma_wait3A_213 = tpu.memref_slice %arg11[%dma_wait3A_212] : memref<128xi32, #tpu.memory_space<vmem>> -> memref<16xi32, #tpu.memory_space<vmem>>
      tpu.wait_dma2 semaphore(%run_scoped3A_199 : memref<!tpu.dma_semaphore, #tpu.memory_space<semaphore_mem>>) src(%dma_wait3A_213 : memref<16xi32, #tpu.memory_space<vmem>>) dst(%dma_wait3A_211 : memref<16xi32, #tpu.memory_space<hbm>>)
      tpu.yield
    }) : () -> ()
    %run_scoped3A_196 = arith.constant 5 : i32
    "tpu.region"() ({
      %run_scoped3A_199 = tpu.sem_alloc : memref<!tpu.dma_semaphore, #tpu.memory_space<semaphore_mem>>
      %dma_start3A = arith.constant 80 : i32
      %dma_start3A_200 = tpu.memref_slice %arg11[%dma_start3A] : memref<128xi32, #tpu.memory_space<vmem>> -> memref<16xi32, #tpu.memory_space<vmem>>
      %dma_start3A_201 = tpu.memref_slice %arg4[%run_scoped3A_196, %mul3A_2] : memref<8x512xi32, #tpu.memory_space<hbm>> -> memref<1x16xi32, #tpu.memory_space<hbm>>
      %dma_start3A_202 = tpu.memref_squeeze %dma_start3A_201 : memref<1x16xi32, #tpu.memory_space<hbm>> -> memref<16xi32, #tpu.memory_space<hbm>>
      %dma_start3A_203 = tpu.memref_slice %arg4[%run_scoped3A_196, %mul3A_2] : memref<8x512xi32, #tpu.memory_space<hbm>> -> memref<1x16xi32, #tpu.memory_space<hbm>>
      %dma_start3A_204 = tpu.memref_squeeze %dma_start3A_203 : memref<1x16xi32, #tpu.memory_space<hbm>> -> memref<16xi32, #tpu.memory_space<hbm>>
      %dma_start3A_205 = arith.constant 80 : i32
      %dma_start3A_206 = tpu.memref_slice %arg11[%dma_start3A_205] : memref<128xi32, #tpu.memory_space<vmem>> -> memref<16xi32, #tpu.memory_space<vmem>>
      tpu.enqueue_dma source(%dma_start3A_206 : memref<16xi32, #tpu.memory_space<vmem>>) target(%dma_start3A_204 : memref<16xi32, #tpu.memory_space<hbm>>) target_semaphore(%run_scoped3A_199 : memref<!tpu.dma_semaphore, #tpu.memory_space<semaphore_mem>>)
      %dma_wait3A = arith.constant 80 : i32
      %dma_wait3A_207 = tpu.memref_slice %arg11[%dma_wait3A] : memref<128xi32, #tpu.memory_space<vmem>> -> memref<16xi32, #tpu.memory_space<vmem>>
      %dma_wait3A_208 = tpu.memref_slice %arg4[%run_scoped3A_196, %mul3A_2] : memref<8x512xi32, #tpu.memory_space<hbm>> -> memref<1x16xi32, #tpu.memory_space<hbm>>
      %dma_wait3A_209 = tpu.memref_squeeze %dma_wait3A_208 : memref<1x16xi32, #tpu.memory_space<hbm>> -> memref<16xi32, #tpu.memory_space<hbm>>
      %dma_wait3A_210 = tpu.memref_slice %arg4[%run_scoped3A_196, %mul3A_2] : memref<8x512xi32, #tpu.memory_space<hbm>> -> memref<1x16xi32, #tpu.memory_space<hbm>>
      %dma_wait3A_211 = tpu.memref_squeeze %dma_wait3A_210 : memref<1x16xi32, #tpu.memory_space<hbm>> -> memref<16xi32, #tpu.memory_space<hbm>>
      %dma_wait3A_212 = arith.constant 80 : i32
      %dma_wait3A_213 = tpu.memref_slice %arg11[%dma_wait3A_212] : memref<128xi32, #tpu.memory_space<vmem>> -> memref<16xi32, #tpu.memory_space<vmem>>
      tpu.wait_dma2 semaphore(%run_scoped3A_199 : memref<!tpu.dma_semaphore, #tpu.memory_space<semaphore_mem>>) src(%dma_wait3A_213 : memref<16xi32, #tpu.memory_space<vmem>>) dst(%dma_wait3A_211 : memref<16xi32, #tpu.memory_space<hbm>>)
      tpu.yield
    }) : () -> ()
    %run_scoped3A_197 = arith.constant 6 : i32
    "tpu.region"() ({
      %run_scoped3A_199 = tpu.sem_alloc : memref<!tpu.dma_semaphore, #tpu.memory_space<semaphore_mem>>
      %dma_start3A = arith.constant 96 : i32
      %dma_start3A_200 = tpu.memref_slice %arg11[%dma_start3A] : memref<128xi32, #tpu.memory_space<vmem>> -> memref<16xi32, #tpu.memory_space<vmem>>
      %dma_start3A_201 = tpu.memref_slice %arg4[%run_scoped3A_197, %mul3A_2] : memref<8x512xi32, #tpu.memory_space<hbm>> -> memref<1x16xi32, #tpu.memory_space<hbm>>
      %dma_start3A_202 = tpu.memref_squeeze %dma_start3A_201 : memref<1x16xi32, #tpu.memory_space<hbm>> -> memref<16xi32, #tpu.memory_space<hbm>>
      %dma_start3A_203 = tpu.memref_slice %arg4[%run_scoped3A_197, %mul3A_2] : memref<8x512xi32, #tpu.memory_space<hbm>> -> memref<1x16xi32, #tpu.memory_space<hbm>>
      %dma_start3A_204 = tpu.memref_squeeze %dma_start3A_203 : memref<1x16xi32, #tpu.memory_space<hbm>> -> memref<16xi32, #tpu.memory_space<hbm>>
      %dma_start3A_205 = arith.constant 96 : i32
      %dma_start3A_206 = tpu.memref_slice %arg11[%dma_start3A_205] : memref<128xi32, #tpu.memory_space<vmem>> -> memref<16xi32, #tpu.memory_space<vmem>>
      tpu.enqueue_dma source(%dma_start3A_206 : memref<16xi32, #tpu.memory_space<vmem>>) target(%dma_start3A_204 : memref<16xi32, #tpu.memory_space<hbm>>) target_semaphore(%run_scoped3A_199 : memref<!tpu.dma_semaphore, #tpu.memory_space<semaphore_mem>>)
      %dma_wait3A = arith.constant 96 : i32
      %dma_wait3A_207 = tpu.memref_slice %arg11[%dma_wait3A] : memref<128xi32, #tpu.memory_space<vmem>> -> memref<16xi32, #tpu.memory_space<vmem>>
      %dma_wait3A_208 = tpu.memref_slice %arg4[%run_scoped3A_197, %mul3A_2] : memref<8x512xi32, #tpu.memory_space<hbm>> -> memref<1x16xi32, #tpu.memory_space<hbm>>
      %dma_wait3A_209 = tpu.memref_squeeze %dma_wait3A_208 : memref<1x16xi32, #tpu.memory_space<hbm>> -> memref<16xi32, #tpu.memory_space<hbm>>
      %dma_wait3A_210 = tpu.memref_slice %arg4[%run_scoped3A_197, %mul3A_2] : memref<8x512xi32, #tpu.memory_space<hbm>> -> memref<1x16xi32, #tpu.memory_space<hbm>>
      %dma_wait3A_211 = tpu.memref_squeeze %dma_wait3A_210 : memref<1x16xi32, #tpu.memory_space<hbm>> -> memref<16xi32, #tpu.memory_space<hbm>>
      %dma_wait3A_212 = arith.constant 96 : i32
      %dma_wait3A_213 = tpu.memref_slice %arg11[%dma_wait3A_212] : memref<128xi32, #tpu.memory_space<vmem>> -> memref<16xi32, #tpu.memory_space<vmem>>
      tpu.wait_dma2 semaphore(%run_scoped3A_199 : memref<!tpu.dma_semaphore, #tpu.memory_space<semaphore_mem>>) src(%dma_wait3A_213 : memref<16xi32, #tpu.memory_space<vmem>>) dst(%dma_wait3A_211 : memref<16xi32, #tpu.memory_space<hbm>>)
      tpu.yield
    }) : () -> ()
    %run_scoped3A_198 = arith.constant 7 : i32
    "tpu.region"() ({
      %run_scoped3A_199 = tpu.sem_alloc : memref<!tpu.dma_semaphore, #tpu.memory_space<semaphore_mem>>
      %dma_start3A = arith.constant 112 : i32
      %dma_start3A_200 = tpu.memref_slice %arg11[%dma_start3A] : memref<128xi32, #tpu.memory_space<vmem>> -> memref<16xi32, #tpu.memory_space<vmem>>
      %dma_start3A_201 = tpu.memref_slice %arg4[%run_scoped3A_198, %mul3A_2] : memref<8x512xi32, #tpu.memory_space<hbm>> -> memref<1x16xi32, #tpu.memory_space<hbm>>
      %dma_start3A_202 = tpu.memref_squeeze %dma_start3A_201 : memref<1x16xi32, #tpu.memory_space<hbm>> -> memref<16xi32, #tpu.memory_space<hbm>>
      %dma_start3A_203 = tpu.memref_slice %arg4[%run_scoped3A_198, %mul3A_2] : memref<8x512xi32, #tpu.memory_space<hbm>> -> memref<1x16xi32, #tpu.memory_space<hbm>>
      %dma_start3A_204 = tpu.memref_squeeze %dma_start3A_203 : memref<1x16xi32, #tpu.memory_space<hbm>> -> memref<16xi32, #tpu.memory_space<hbm>>
      %dma_start3A_205 = arith.constant 112 : i32
      %dma_start3A_206 = tpu.memref_slice %arg11[%dma_start3A_205] : memref<128xi32, #tpu.memory_space<vmem>> -> memref<16xi32, #tpu.memory_space<vmem>>
      tpu.enqueue_dma source(%dma_start3A_206 : memref<16xi32, #tpu.memory_space<vmem>>) target(%dma_start3A_204 : memref<16xi32, #tpu.memory_space<hbm>>) target_semaphore(%run_scoped3A_199 : memref<!tpu.dma_semaphore, #tpu.memory_space<semaphore_mem>>)
      %dma_wait3A = arith.constant 112 : i32
      %dma_wait3A_207 = tpu.memref_slice %arg11[%dma_wait3A] : memref<128xi32, #tpu.memory_space<vmem>> -> memref<16xi32, #tpu.memory_space<vmem>>
      %dma_wait3A_208 = tpu.memref_slice %arg4[%run_scoped3A_198, %mul3A_2] : memref<8x512xi32, #tpu.memory_space<hbm>> -> memref<1x16xi32, #tpu.memory_space<hbm>>
      %dma_wait3A_209 = tpu.memref_squeeze %dma_wait3A_208 : memref<1x16xi32, #tpu.memory_space<hbm>> -> memref<16xi32, #tpu.memory_space<hbm>>
      %dma_wait3A_210 = tpu.memref_slice %arg4[%run_scoped3A_198, %mul3A_2] : memref<8x512xi32, #tpu.memory_space<hbm>> -> memref<1x16xi32, #tpu.memory_space<hbm>>
      %dma_wait3A_211 = tpu.memref_squeeze %dma_wait3A_210 : memref<1x16xi32, #tpu.memory_space<hbm>> -> memref<16xi32, #tpu.memory_space<hbm>>
      %dma_wait3A_212 = arith.constant 112 : i32
      %dma_wait3A_213 = tpu.memref_slice %arg11[%dma_wait3A_212] : memref<128xi32, #tpu.memory_space<vmem>> -> memref<16xi32, #tpu.memory_space<vmem>>
      tpu.wait_dma2 semaphore(%run_scoped3A_199 : memref<!tpu.dma_semaphore, #tpu.memory_space<semaphore_mem>>) src(%dma_wait3A_213 : memref<16xi32, #tpu.memory_space<vmem>>) dst(%dma_wait3A_211 : memref<16xi32, #tpu.memory_space<hbm>>)
      tpu.yield
    }) : () -> ()
    return
  }
}

module attributes {stable_mosaic.version = 14 : i64} {
  func.func @_tc2_body(%arg0: memref<8x512xi32, #tpu.memory_space<vmem>>, %arg1: memref<512x128xf32, #tpu.memory_space<vmem>>, %arg2: memref<512x64xf32, #tpu.memory_space<vmem>>, %arg3: memref<512x64xf32, #tpu.memory_space<vmem>>, %arg4: memref<64x160xf32, #tpu.memory_space<vmem>>, %arg5: memref<64x128xf32, #tpu.memory_space<vmem>>, %arg6: memref<64xf32, #tpu.memory_space<vmem>>, %arg7: memref<1x64x500xf32, #tpu.memory_space<vmem>>) attributes {dimension_semantics = [], scalar_prefetch = 0 : i64, scratch_operands = 0 : i64, tpu.core_type = #tpu.core_type<tc>} {
    %iota3A = tpu.iota {dimensions = array<i32: 1>} : vector<1x512xi32>
    %iota3A_0 = tpu.iota {dimensions = array<i32: 0>} : vector<512x1xi32>
    %lt3A = arith.constant 500 : i32
    %lt3A_1 = vector.broadcast %lt3A : i32 to vector<1x512xi32>
    %lt3A_2 = arith.cmpi slt, %iota3A, %lt3A_1 : vector<1x512xi32>
    %convert_element_type3A = arith.extui %lt3A_2 : vector<1x512xi1> to vector<1x512xi32>
    %convert_element_type3A_3 = arith.sitofp %convert_element_type3A : vector<1x512xi32> to vector<1x512xf32>
    %get3A = arith.constant 0 : index
    %get3A_4 = arith.constant 0 : index
    %get3A_5 = vector.load %arg0[%get3A, %get3A_4] : memref<8x512xi32, #tpu.memory_space<vmem>>, vector<8x512xi32>
    %and3A = arith.constant 511 : i32
    %and3A_6 = vector.broadcast %and3A : i32 to vector<8x512xi32>
    %and3A_7 = arith.andi %get3A_5, %and3A_6 : vector<8x512xi32>
    %and3A_8 = arith.constant -512 : i32
    %and3A_9 = vector.broadcast %and3A_8 : i32 to vector<8x512xi32>
    %and3A_10 = arith.andi %get3A_5, %and3A_9 : vector<8x512xi32>
    %bitcast_convert_type3A = tpu.bitcast %and3A_10 : vector<8x512xi32> -> vector<8x512xf32>
    %max3A = arith.constant 0.000000e+00 : f32
    %max3A_11 = vector.broadcast %max3A : f32 to vector<8x512xf32>
    %max3A_12 = arith.maximumf %bitcast_convert_type3A, %max3A_11 : vector<8x512xf32>
    %sqrt3A = math.sqrt %max3A_12 : vector<8x512xf32>
    %neg3A = arith.constant 0.000000e+00 : f32
    %neg3A_13 = vector.broadcast %neg3A : f32 to vector<8x512xf32>
    %neg3A_14 = arith.subf %neg3A_13, %sqrt3A : vector<8x512xf32>
    %exp3A = math.exp %neg3A_14 : vector<8x512xf32>
    %mul3A = vector.broadcast %convert_element_type3A_3 : vector<1x512xf32> to vector<8x512xf32>
    %mul3A_15 = arith.mulf %exp3A, %mul3A : vector<8x512xf32>
    %reduce_sum3A = vector.shape_cast %mul3A_15 : vector<8x512xf32> to vector<1x8x512xf32>
    %reduce_sum3A_16 = arith.constant dense<0.000000e+00> : vector<1xf32>
    %reduce_sum3A_17 = vector.multi_reduction <add>, %reduce_sum3A, %reduce_sum3A_16 [1, 2] : vector<1x8x512xf32> to vector<1xf32>
    %reduce_sum3A_18 = vector.shape_cast %reduce_sum3A_17 : vector<1xf32> to vector<1x1x1xf32>
    %reduce_sum3A_19 = vector.extract %reduce_sum3A_18[0, 0, 0] : f32 from vector<1x1x1xf32>
    %mul3A_20 = arith.constant 8.000000e+00 : f32
    %mul3A_21 = arith.mulf %mul3A_20, %reduce_sum3A_19 : f32
    %div3A = arith.constant 1.000000e+00 : f32
    %div3A_22 = arith.divf %div3A, %mul3A_21 : f32
    %broadcast_in_dim3A = arith.constant 0.000000e+00 : f32
    %broadcast_in_dim3A_23 = vector.broadcast %broadcast_in_dim3A : f32 to vector<512x512xf32>
    %slice3A = vector.extract_strided_slice %mul3A_15 {offsets = [0, 0], sizes = [1, 512], strides = [1, 1]} : vector<8x512xf32> to vector<1x512xf32>
    %slice3A_24 = vector.extract_strided_slice %and3A_7 {offsets = [0, 0], sizes = [1, 512], strides = [1, 1]} : vector<8x512xi32> to vector<1x512xi32>
    %eq3A = vector.broadcast %iota3A_0 : vector<512x1xi32> to vector<512x512xi32>
    %eq3A_25 = vector.broadcast %slice3A_24 : vector<1x512xi32> to vector<512x512xi32>
    %eq3A_26 = arith.cmpi eq, %eq3A, %eq3A_25 : vector<512x512xi32>
    %convert_element_type3A_27 = arith.extui %eq3A_26 : vector<512x512xi1> to vector<512x512xi32>
    %convert_element_type3A_28 = arith.sitofp %convert_element_type3A_27 : vector<512x512xi32> to vector<512x512xf32>
    %mul3A_29 = vector.broadcast %slice3A : vector<1x512xf32> to vector<512x512xf32>
    %mul3A_30 = arith.mulf %mul3A_29, %convert_element_type3A_28 : vector<512x512xf32>
    %add3A = arith.addf %broadcast_in_dim3A_23, %mul3A_30 : vector<512x512xf32>
    %slice3A_31 = vector.extract_strided_slice %mul3A_15 {offsets = [1, 0], sizes = [1, 512], strides = [1, 1]} : vector<8x512xf32> to vector<1x512xf32>
    %slice3A_32 = vector.extract_strided_slice %and3A_7 {offsets = [1, 0], sizes = [1, 512], strides = [1, 1]} : vector<8x512xi32> to vector<1x512xi32>
    %eq3A_33 = vector.broadcast %iota3A_0 : vector<512x1xi32> to vector<512x512xi32>
    %eq3A_34 = vector.broadcast %slice3A_32 : vector<1x512xi32> to vector<512x512xi32>
    %eq3A_35 = arith.cmpi eq, %eq3A_33, %eq3A_34 : vector<512x512xi32>
    %convert_element_type3A_36 = arith.extui %eq3A_35 : vector<512x512xi1> to vector<512x512xi32>
    %convert_element_type3A_37 = arith.sitofp %convert_element_type3A_36 : vector<512x512xi32> to vector<512x512xf32>
    %mul3A_38 = vector.broadcast %slice3A_31 : vector<1x512xf32> to vector<512x512xf32>
    %mul3A_39 = arith.mulf %mul3A_38, %convert_element_type3A_37 : vector<512x512xf32>
    %add3A_40 = arith.addf %add3A, %mul3A_39 : vector<512x512xf32>
    %slice3A_41 = vector.extract_strided_slice %mul3A_15 {offsets = [2, 0], sizes = [1, 512], strides = [1, 1]} : vector<8x512xf32> to vector<1x512xf32>
    %slice3A_42 = vector.extract_strided_slice %and3A_7 {offsets = [2, 0], sizes = [1, 512], strides = [1, 1]} : vector<8x512xi32> to vector<1x512xi32>
    %eq3A_43 = vector.broadcast %iota3A_0 : vector<512x1xi32> to vector<512x512xi32>
    %eq3A_44 = vector.broadcast %slice3A_42 : vector<1x512xi32> to vector<512x512xi32>
    %eq3A_45 = arith.cmpi eq, %eq3A_43, %eq3A_44 : vector<512x512xi32>
    %convert_element_type3A_46 = arith.extui %eq3A_45 : vector<512x512xi1> to vector<512x512xi32>
    %convert_element_type3A_47 = arith.sitofp %convert_element_type3A_46 : vector<512x512xi32> to vector<512x512xf32>
    %mul3A_48 = vector.broadcast %slice3A_41 : vector<1x512xf32> to vector<512x512xf32>
    %mul3A_49 = arith.mulf %mul3A_48, %convert_element_type3A_47 : vector<512x512xf32>
    %add3A_50 = arith.addf %add3A_40, %mul3A_49 : vector<512x512xf32>
    %slice3A_51 = vector.extract_strided_slice %mul3A_15 {offsets = [3, 0], sizes = [1, 512], strides = [1, 1]} : vector<8x512xf32> to vector<1x512xf32>
    %slice3A_52 = vector.extract_strided_slice %and3A_7 {offsets = [3, 0], sizes = [1, 512], strides = [1, 1]} : vector<8x512xi32> to vector<1x512xi32>
    %eq3A_53 = vector.broadcast %iota3A_0 : vector<512x1xi32> to vector<512x512xi32>
    %eq3A_54 = vector.broadcast %slice3A_52 : vector<1x512xi32> to vector<512x512xi32>
    %eq3A_55 = arith.cmpi eq, %eq3A_53, %eq3A_54 : vector<512x512xi32>
    %convert_element_type3A_56 = arith.extui %eq3A_55 : vector<512x512xi1> to vector<512x512xi32>
    %convert_element_type3A_57 = arith.sitofp %convert_element_type3A_56 : vector<512x512xi32> to vector<512x512xf32>
    %mul3A_58 = vector.broadcast %slice3A_51 : vector<1x512xf32> to vector<512x512xf32>
    %mul3A_59 = arith.mulf %mul3A_58, %convert_element_type3A_57 : vector<512x512xf32>
    %add3A_60 = arith.addf %add3A_50, %mul3A_59 : vector<512x512xf32>
    %slice3A_61 = vector.extract_strided_slice %mul3A_15 {offsets = [4, 0], sizes = [1, 512], strides = [1, 1]} : vector<8x512xf32> to vector<1x512xf32>
    %slice3A_62 = vector.extract_strided_slice %and3A_7 {offsets = [4, 0], sizes = [1, 512], strides = [1, 1]} : vector<8x512xi32> to vector<1x512xi32>
    %eq3A_63 = vector.broadcast %iota3A_0 : vector<512x1xi32> to vector<512x512xi32>
    %eq3A_64 = vector.broadcast %slice3A_62 : vector<1x512xi32> to vector<512x512xi32>
    %eq3A_65 = arith.cmpi eq, %eq3A_63, %eq3A_64 : vector<512x512xi32>
    %convert_element_type3A_66 = arith.extui %eq3A_65 : vector<512x512xi1> to vector<512x512xi32>
    %convert_element_type3A_67 = arith.sitofp %convert_element_type3A_66 : vector<512x512xi32> to vector<512x512xf32>
    %mul3A_68 = vector.broadcast %slice3A_61 : vector<1x512xf32> to vector<512x512xf32>
    %mul3A_69 = arith.mulf %mul3A_68, %convert_element_type3A_67 : vector<512x512xf32>
    %add3A_70 = arith.addf %add3A_60, %mul3A_69 : vector<512x512xf32>
    %slice3A_71 = vector.extract_strided_slice %mul3A_15 {offsets = [5, 0], sizes = [1, 512], strides = [1, 1]} : vector<8x512xf32> to vector<1x512xf32>
    %slice3A_72 = vector.extract_strided_slice %and3A_7 {offsets = [5, 0], sizes = [1, 512], strides = [1, 1]} : vector<8x512xi32> to vector<1x512xi32>
    %eq3A_73 = vector.broadcast %iota3A_0 : vector<512x1xi32> to vector<512x512xi32>
    %eq3A_74 = vector.broadcast %slice3A_72 : vector<1x512xi32> to vector<512x512xi32>
    %eq3A_75 = arith.cmpi eq, %eq3A_73, %eq3A_74 : vector<512x512xi32>
    %convert_element_type3A_76 = arith.extui %eq3A_75 : vector<512x512xi1> to vector<512x512xi32>
    %convert_element_type3A_77 = arith.sitofp %convert_element_type3A_76 : vector<512x512xi32> to vector<512x512xf32>
    %mul3A_78 = vector.broadcast %slice3A_71 : vector<1x512xf32> to vector<512x512xf32>
    %mul3A_79 = arith.mulf %mul3A_78, %convert_element_type3A_77 : vector<512x512xf32>
    %add3A_80 = arith.addf %add3A_70, %mul3A_79 : vector<512x512xf32>
    %slice3A_81 = vector.extract_strided_slice %mul3A_15 {offsets = [6, 0], sizes = [1, 512], strides = [1, 1]} : vector<8x512xf32> to vector<1x512xf32>
    %slice3A_82 = vector.extract_strided_slice %and3A_7 {offsets = [6, 0], sizes = [1, 512], strides = [1, 1]} : vector<8x512xi32> to vector<1x512xi32>
    %eq3A_83 = vector.broadcast %iota3A_0 : vector<512x1xi32> to vector<512x512xi32>
    %eq3A_84 = vector.broadcast %slice3A_82 : vector<1x512xi32> to vector<512x512xi32>
    %eq3A_85 = arith.cmpi eq, %eq3A_83, %eq3A_84 : vector<512x512xi32>
    %convert_element_type3A_86 = arith.extui %eq3A_85 : vector<512x512xi1> to vector<512x512xi32>
    %convert_element_type3A_87 = arith.sitofp %convert_element_type3A_86 : vector<512x512xi32> to vector<512x512xf32>
    %mul3A_88 = vector.broadcast %slice3A_81 : vector<1x512xf32> to vector<512x512xf32>
    %mul3A_89 = arith.mulf %mul3A_88, %convert_element_type3A_87 : vector<512x512xf32>
    %add3A_90 = arith.addf %add3A_80, %mul3A_89 : vector<512x512xf32>
    %slice3A_91 = vector.extract_strided_slice %mul3A_15 {offsets = [7, 0], sizes = [1, 512], strides = [1, 1]} : vector<8x512xf32> to vector<1x512xf32>
    %slice3A_92 = vector.extract_strided_slice %and3A_7 {offsets = [7, 0], sizes = [1, 512], strides = [1, 1]} : vector<8x512xi32> to vector<1x512xi32>
    %eq3A_93 = vector.broadcast %iota3A_0 : vector<512x1xi32> to vector<512x512xi32>
    %eq3A_94 = vector.broadcast %slice3A_92 : vector<1x512xi32> to vector<512x512xi32>
    %eq3A_95 = arith.cmpi eq, %eq3A_93, %eq3A_94 : vector<512x512xi32>
    %convert_element_type3A_96 = arith.extui %eq3A_95 : vector<512x512xi1> to vector<512x512xi32>
    %convert_element_type3A_97 = arith.sitofp %convert_element_type3A_96 : vector<512x512xi32> to vector<512x512xf32>
    %mul3A_98 = vector.broadcast %slice3A_91 : vector<1x512xf32> to vector<512x512xf32>
    %mul3A_99 = arith.mulf %mul3A_98, %convert_element_type3A_97 : vector<512x512xf32>
    %add3A_100 = arith.addf %add3A_90, %mul3A_99 : vector<512x512xf32>
    %get3A_101 = arith.constant 0 : index
    %get3A_102 = arith.constant 0 : index
    %get3A_103 = vector.load %arg1[%get3A_101, %get3A_102] : memref<512x128xf32, #tpu.memory_space<vmem>>, vector<512x128xf32>
    %dot_general3A = arith.constant dense<0.000000e+00> : vector<512x128xf32>
    %dot_general3A_104 = tpu.matmul %add3A_100, %get3A_103, %dot_general3A {dimension_numbers = #tpu.dot_dimension_numbers<[0], [0], [1], [1], [0, 1, 1, 1], [], []>, transpose_lhs_hint = false} : vector<512x512xf32>, vector<512x128xf32>, vector<512x128xf32> -> vector<512x128xf32>
    %mul3A_105 = vector.broadcast %div3A_22 : f32 to vector<512x128xf32>
    %mul3A_106 = arith.mulf %dot_general3A_104, %mul3A_105 : vector<512x128xf32>
    %get3A_107 = arith.constant 0 : index
    %get3A_108 = arith.constant 0 : index
    %get3A_109 = vector.load %arg4[%get3A_107, %get3A_108] : memref<64x160xf32, #tpu.memory_space<vmem>>, vector<64x160xf32>
    %slice3A_110 = vector.extract_strided_slice %get3A_109 {offsets = [0, 0], sizes = [64, 128], strides = [1, 1]} : vector<64x160xf32> to vector<64x128xf32>
    %dot_general3A_111 = arith.constant dense<0.000000e+00> : vector<512x64xf32>
    %dot_general3A_112 = tpu.matmul %mul3A_106, %slice3A_110, %dot_general3A_111 {dimension_numbers = #tpu.dot_dimension_numbers<[1], [1], [0], [0], [0, 0, 1, 0], [], []>, transpose_lhs_hint = false} : vector<512x128xf32>, vector<64x128xf32>, vector<512x64xf32> -> vector<512x64xf32>
    %get3A_113 = arith.constant 0 : index
    %get3A_114 = arith.constant 0 : index
    %get3A_115 = vector.load %arg3[%get3A_113, %get3A_114] : memref<512x64xf32, #tpu.memory_space<vmem>>, vector<512x64xf32>
    %add3A_116 = arith.addf %dot_general3A_112, %get3A_115 : vector<512x64xf32>
    %get3A_117 = arith.constant 0 : index
    %get3A_118 = arith.constant 0 : index
    %get3A_119 = vector.load %arg5[%get3A_117, %get3A_118] : memref<64x128xf32, #tpu.memory_space<vmem>>, vector<64x128xf32>
    %slice3A_120 = vector.extract_strided_slice %get3A_119 {offsets = [0, 0], sizes = [64, 64], strides = [1, 1]} : vector<64x128xf32> to vector<64x64xf32>
    %ge3A = arith.constant 0.000000e+00 : f32
    %ge3A_121 = vector.broadcast %ge3A : f32 to vector<512x64xf32>
    %ge3A_122 = arith.cmpf oge, %add3A_116, %ge3A_121 : vector<512x64xf32>
    %mul3A_123 = arith.constant 0.00999999977 : f32
    %mul3A_124 = vector.broadcast %mul3A_123 : f32 to vector<512x64xf32>
    %mul3A_125 = arith.mulf %mul3A_124, %add3A_116 : vector<512x64xf32>
    %select_n3A = arith.select %ge3A_122, %add3A_116, %mul3A_125 : vector<512x64xi1>, vector<512x64xf32>
    %dot_general3A_126 = arith.constant dense<0.000000e+00> : vector<64x512xf32>
    %dot_general3A_127 = tpu.matmul %slice3A_120, %select_n3A, %dot_general3A_126 {dimension_numbers = #tpu.dot_dimension_numbers<[1], [1], [0], [0], [0, 0, 1, 0], [], []>, transpose_lhs_hint = false} : vector<64x64xf32>, vector<512x64xf32>, vector<64x512xf32> -> vector<64x512xf32>
    %slice3A_128 = vector.extract_strided_slice %get3A_119 {offsets = [0, 64], sizes = [64, 64], strides = [1, 1]} : vector<64x128xf32> to vector<64x64xf32>
    %get3A_129 = arith.constant 0 : index
    %get3A_130 = arith.constant 0 : index
    %get3A_131 = vector.load %arg2[%get3A_129, %get3A_130] : memref<512x64xf32, #tpu.memory_space<vmem>>, vector<512x64xf32>
    %ge3A_132 = arith.constant 0.000000e+00 : f32
    %ge3A_133 = vector.broadcast %ge3A_132 : f32 to vector<512x64xf32>
    %ge3A_134 = arith.cmpf oge, %get3A_131, %ge3A_133 : vector<512x64xf32>
    %mul3A_135 = arith.constant 0.00999999977 : f32
    %mul3A_136 = vector.broadcast %mul3A_135 : f32 to vector<512x64xf32>
    %mul3A_137 = arith.mulf %mul3A_136, %get3A_131 : vector<512x64xf32>
    %select_n3A_138 = arith.select %ge3A_134, %get3A_131, %mul3A_137 : vector<512x64xi1>, vector<512x64xf32>
    %dot_general3A_139 = arith.constant dense<0.000000e+00> : vector<64x512xf32>
    %dot_general3A_140 = tpu.matmul %slice3A_128, %select_n3A_138, %dot_general3A_139 {dimension_numbers = #tpu.dot_dimension_numbers<[1], [1], [0], [0], [0, 0, 1, 0], [], []>, transpose_lhs_hint = false} : vector<64x64xf32>, vector<512x64xf32>, vector<64x512xf32> -> vector<64x512xf32>
    %add3A_141 = arith.addf %dot_general3A_127, %dot_general3A_140 : vector<64x512xf32>
    %get3A_142 = arith.constant 0 : index
    %get3A_143 = vector.load %arg6[%get3A_142] : memref<64xf32, #tpu.memory_space<vmem>>, vector<64xf32>
    %broadcast_in_dim3A_144 = vector.shape_cast %get3A_143 : vector<64xf32> to vector<64x1xf32>
    %add3A_145 = vector.broadcast %broadcast_in_dim3A_144 : vector<64x1xf32> to vector<64x512xf32>
    %add3A_146 = arith.addf %add3A_141, %add3A_145 : vector<64x512xf32>
    %slice3A_147 = vector.extract_strided_slice %add3A_146 {offsets = [0, 0], sizes = [64, 500], strides = [1, 1]} : vector<64x512xf32> to vector<64x500xf32>
    %broadcast_in_dim3A_148 = vector.shape_cast %slice3A_147 : vector<64x500xf32> to vector<1x64x500xf32>
    %swap3A = arith.constant 0 : index
    %swap3A_149 = arith.constant 0 : index
    %swap3A_150 = arith.constant 0 : index
    %swap3A_151 = vector.load %arg7[%swap3A, %swap3A_149, %swap3A_150] : memref<1x64x500xf32, #tpu.memory_space<vmem>>, vector<1x64x500xf32>
    tpu.vector_store %arg7[%swap3A, %swap3A_149, %swap3A_150], %broadcast_in_dim3A_148 {strides = array<i32>} : memref<1x64x500xf32, #tpu.memory_space<vmem>>, vector<1x64x500xf32>,
    return
  }
}

module attributes {stable_mosaic.version = 14 : i64} {
  func.func @_tc1_body(%arg0: memref<1x500x3xf32, #tpu.memory_space<vmem>>, %arg1: memref<1x500x3xf32, #tpu.memory_space<vmem>>, %arg2: memref<3x500xf32, #tpu.memory_space<vmem>>, %arg3: memref<1x32x500xf32, #tpu.memory_space<vmem>>, %arg4: memref<64x3xf32, #tpu.memory_space<vmem>>, %arg5: memref<64xf32, #tpu.memory_space<vmem>>, %arg6: memref<128x64xf32, #tpu.memory_space<vmem>>, %arg7: memref<128xf32, #tpu.memory_space<vmem>>, %arg8: memref<64x32xf32, #tpu.memory_space<vmem>>, %arg9: memref<64xf32, #tpu.memory_space<vmem>>, %arg10: memref<128x64xf32, #tpu.memory_space<vmem>>, %arg11: memref<128xf32, #tpu.memory_space<vmem>>, %arg12: memref<256x128xf32, #tpu.memory_space<vmem>>, %arg13: memref<256xf32, #tpu.memory_space<vmem>>, %arg14: memref<128x256xf32, #tpu.memory_space<vmem>>, %arg15: memref<128xf32, #tpu.memory_space<vmem>>, %arg16: memref<64x256xf32, #tpu.memory_space<vmem>>, %arg17: memref<64xf32, #tpu.memory_space<vmem>>, %arg18: memref<64x160xf32, #tpu.memory_space<vmem>>, %arg19: memref<64xf32, #tpu.memory_space<vmem>>, %arg20: memref<512x64xf32, #tpu.memory_space<vmem>>, %arg21: memref<512x64xf32, #tpu.memory_space<vmem>>, %arg22: memref<512x128xf32, #tpu.memory_space<vmem>>) attributes {dimension_semantics = [], scalar_prefetch = 0 : i64, scratch_operands = 0 : i64, tpu.core_type = #tpu.core_type<tc>} {
    %iota3A = tpu.iota {dimensions = array<i32: 1>} : vector<1x512xi32>
    %iota3A_0 = tpu.iota {dimensions = array<i32: 0>} : vector<512x1xi32>
    %broadcast_in_dim3A = arith.constant 1.000000e+00 : f32
    %broadcast_in_dim3A_1 = vector.broadcast %broadcast_in_dim3A : f32 to vector<1x8xf32>
    %get3A = arith.constant 0 : index
    %get3A_2 = arith.constant 0 : index
    %get3A_3 = arith.constant 0 : index
    %get3A_4 = vector.load %arg0[%get3A, %get3A_2, %get3A_3] : memref<1x500x3xf32, #tpu.memory_space<vmem>>, vector<1x500x3xf32>
    %squeeze3A = vector.shape_cast %get3A_4 : vector<1x500x3xf32> to vector<500x3xf32>
    %jit3A = arith.constant 0 : i32
    %convert_element_type3A = arith.sitofp %jit3A : i32 to f32
    %pad3A = vector.broadcast %convert_element_type3A : f32 to vector<12x3xf32>
    %pad3A_5 = tpu.concatenate %squeeze3A, %pad3A in 0 : vector<500x3xf32>, vector<12x3xf32> -> vector<512x3xf32>
    %pad3A_6 = vector.broadcast %convert_element_type3A : f32 to vector<512x5xf32>
    %pad3A_7 = tpu.concatenate %pad3A_5, %pad3A_6 in 1 : vector<512x3xf32>, vector<512x5xf32> -> vector<512x8xf32>
    %get3A_8 = arith.constant 0 : index
    %get3A_9 = arith.constant 0 : index
    %get3A_10 = arith.constant 0 : index
    %get3A_11 = vector.load %arg1[%get3A_8, %get3A_9, %get3A_10] : memref<1x500x3xf32, #tpu.memory_space<vmem>>, vector<1x500x3xf32>
    %squeeze3A_12 = vector.shape_cast %get3A_11 : vector<1x500x3xf32> to vector<500x3xf32>
    %jit3A_13 = arith.constant 0 : i32
    %convert_element_type3A_14 = arith.sitofp %jit3A_13 : i32 to f32
    %pad3A_15 = vector.broadcast %convert_element_type3A_14 : f32 to vector<12x3xf32>
    %pad3A_16 = tpu.concatenate %squeeze3A_12, %pad3A_15 in 0 : vector<500x3xf32>, vector<12x3xf32> -> vector<512x3xf32>
    %pad3A_17 = vector.broadcast %convert_element_type3A_14 : f32 to vector<512x5xf32>
    %pad3A_18 = tpu.concatenate %pad3A_16, %pad3A_17 in 1 : vector<512x3xf32>, vector<512x5xf32> -> vector<512x8xf32>
    %get3A_19 = arith.constant 0 : index
    %get3A_20 = arith.constant 0 : index
    %get3A_21 = vector.load %arg2[%get3A_19, %get3A_20] : memref<3x500xf32, #tpu.memory_space<vmem>>, vector<3x500xf32>
    %jit3A_22 = arith.constant 0 : i32
    %convert_element_type3A_23 = arith.sitofp %jit3A_22 : i32 to f32
    %pad3A_24 = vector.broadcast %convert_element_type3A_23 : f32 to vector<5x500xf32>
    %pad3A_25 = tpu.concatenate %get3A_21, %pad3A_24 in 0 : vector<3x500xf32>, vector<5x500xf32> -> vector<8x500xf32>
    %pad3A_26 = vector.broadcast %convert_element_type3A_23 : f32 to vector<8x12xf32>
    %pad3A_27 = tpu.concatenate %pad3A_25, %pad3A_26 in 1 : vector<8x500xf32>, vector<8x12xf32> -> vector<8x512xf32>
    %get3A_28 = arith.constant 0 : index
    %get3A_29 = arith.constant 0 : index
    %get3A_30 = arith.constant 0 : index
    %get3A_31 = vector.load %arg3[%get3A_28, %get3A_29, %get3A_30] : memref<1x32x500xf32, #tpu.memory_space<vmem>>, vector<1x32x500xf32>
    %squeeze3A_32 = vector.shape_cast %get3A_31 : vector<1x32x500xf32> to vector<32x500xf32>
    %jit3A_33 = arith.constant 0 : i32
    %convert_element_type3A_34 = arith.sitofp %jit3A_33 : i32 to f32
    %pad3A_35 = vector.broadcast %convert_element_type3A_34 : f32 to vector<32x12xf32>
    %pad3A_36 = tpu.concatenate %squeeze3A_32, %pad3A_35 in 1 : vector<32x500xf32>, vector<32x12xf32> -> vector<32x512xf32>
    %mul3A = arith.mulf %pad3A_7, %pad3A_7 : vector<512x8xf32>
    %dot_general3A = arith.constant dense<0.000000e+00> : vector<512x1xf32>
    %dot_general3A_37 = tpu.matmul %mul3A, %broadcast_in_dim3A_1, %dot_general3A {dimension_numbers = #tpu.dot_dimension_numbers<[1], [1], [0], [0], [0, 0, 1, 0], [], []>, transpose_lhs_hint = false} : vector<512x8xf32>, vector<1x8xf32>, vector<512x1xf32> -> vector<512x1xf32>
    %mul3A_38 = arith.mulf %pad3A_18, %pad3A_18 : vector<512x8xf32>
    %dot_general3A_39 = arith.constant dense<0.000000e+00> : vector<1x512xf32>
    %dot_general3A_40 = tpu.matmul %broadcast_in_dim3A_1, %mul3A_38, %dot_general3A_39 {dimension_numbers = #tpu.dot_dimension_numbers<[1], [1], [0], [0], [0, 0, 1, 0], [], []>, transpose_lhs_hint = false} : vector<1x8xf32>, vector<512x8xf32>, vector<1x512xf32> -> vector<1x512xf32>
    %mul3A_41 = arith.mulf %pad3A_27, %pad3A_27 : vector<8x512xf32>
    %dot_general3A_42 = arith.constant dense<0.000000e+00> : vector<512x1xf32>
    %dot_general3A_43 = tpu.matmul %mul3A_41, %broadcast_in_dim3A_1, %dot_general3A_42 {dimension_numbers = #tpu.dot_dimension_numbers<[0], [1], [1], [0], [0, 1, 1, 0], [], []>, transpose_lhs_hint = false} : vector<8x512xf32>, vector<1x8xf32>, vector<512x1xf32> -> vector<512x1xf32>
    %add3A = vector.broadcast %dot_general3A_37 : vector<512x1xf32> to vector<512x512xf32>
    %add3A_44 = vector.broadcast %dot_general3A_40 : vector<1x512xf32> to vector<512x512xf32>
    %add3A_45 = arith.addf %add3A, %add3A_44 : vector<512x512xf32>
    %dot_general3A_46 = arith.constant dense<0.000000e+00> : vector<512x512xf32>
    %dot_general3A_47 = tpu.matmul %pad3A_7, %pad3A_18, %dot_general3A_46 {dimension_numbers = #tpu.dot_dimension_numbers<[1], [1], [0], [0], [0, 0, 1, 0], [], []>, transpose_lhs_hint = false} : vector<512x8xf32>, vector<512x8xf32>, vector<512x512xf32> -> vector<512x512xf32>
    %mul3A_48 = arith.constant 2.000000e+00 : f32
    %mul3A_49 = vector.broadcast %mul3A_48 : f32 to vector<512x512xf32>
    %mul3A_50 = arith.mulf %mul3A_49, %dot_general3A_47 : vector<512x512xf32>
    %sub3A = arith.subf %add3A_45, %mul3A_50 : vector<512x512xf32>
    %add3A_51 = vector.broadcast %dot_general3A_43 : vector<512x1xf32> to vector<512x512xf32>
    %add3A_52 = vector.broadcast %dot_general3A_40 : vector<1x512xf32> to vector<512x512xf32>
    %add3A_53 = arith.addf %add3A_51, %add3A_52 : vector<512x512xf32>
    %dot_general3A_54 = arith.constant dense<0.000000e+00> : vector<512x512xf32>
    %dot_general3A_55 = tpu.matmul %pad3A_27, %pad3A_18, %dot_general3A_54 {dimension_numbers = #tpu.dot_dimension_numbers<[0], [1], [1], [0], [0, 1, 1, 0], [], []>, transpose_lhs_hint = false} : vector<8x512xf32>, vector<512x8xf32>, vector<512x512xf32> -> vector<512x512xf32>
    %mul3A_56 = arith.constant 2.000000e+00 : f32
    %mul3A_57 = vector.broadcast %mul3A_56 : f32 to vector<512x512xf32>
    %mul3A_58 = arith.mulf %mul3A_57, %dot_general3A_55 : vector<512x512xf32>
    %sub3A_59 = arith.subf %add3A_53, %mul3A_58 : vector<512x512xf32>
    %ge3A = arith.constant 500 : i32
    %ge3A_60 = vector.broadcast %ge3A : i32 to vector<1x512xi32>
    %ge3A_61 = arith.cmpi sge, %iota3A, %ge3A_60 : vector<1x512xi32>
    %jit3A_62 = arith.constant 1.000000e+30 : f32
    %broadcast_in_dim3A_63 = vector.shape_cast %ge3A_61 : vector<1x512xi1> to vector<1x512xi1>
    %broadcast_in_dim3A_64 = vector.broadcast %broadcast_in_dim3A_63 : vector<1x512xi1> to vector<512x512xi1>
    %broadcast_in_dim3A_65 = vector.broadcast %jit3A_62 : f32 to vector<512x512xf32>
    %select_n3A = arith.select %broadcast_in_dim3A_64, %broadcast_in_dim3A_65, %sub3A : vector<512x512xi1>, vector<512x512xf32>
    %reduce_min3A = arith.constant dense<0x7F800000> : vector<512xf32>
    %reduce_min3A_66 = vector.multi_reduction <minimumf>, %select_n3A, %reduce_min3A [1] : vector<512x512xf32> to vector<512xf32>
    %broadcast_in_dim3A_67 = vector.shape_cast %reduce_min3A_66 : vector<512xf32> to vector<512x1xf32>
    %eq3A = vector.broadcast %broadcast_in_dim3A_67 : vector<512x1xf32> to vector<512x512xf32>
    %eq3A_68 = arith.cmpf oeq, %select_n3A, %eq3A : vector<512x512xf32>
    %jit3A_69 = arith.constant 512 : i32
    %broadcast_in_dim3A_70 = vector.shape_cast %iota3A : vector<1x512xi32> to vector<1x512xi32>
    %broadcast_in_dim3A_71 = vector.broadcast %broadcast_in_dim3A_70 : vector<1x512xi32> to vector<512x512xi32>
    %broadcast_in_dim3A_72 = vector.broadcast %jit3A_69 : i32 to vector<512x512xi32>
    %select_n3A_73 = arith.select %eq3A_68, %broadcast_in_dim3A_71, %broadcast_in_dim3A_72 : vector<512x512xi1>, vector<512x512xi32>
    %reduce_min3A_74 = arith.constant dense<2147483647> : vector<512xi32>
    %reduce_min3A_75 = vector.multi_reduction <minsi>, %select_n3A_73, %reduce_min3A_74 [1] : vector<512x512xi32> to vector<512xi32>
    %broadcast_in_dim3A_76 = vector.shape_cast %reduce_min3A_75 : vector<512xi32> to vector<512x1xi32>
    %eq3A_77 = vector.broadcast %iota3A : vector<1x512xi32> to vector<512x512xi32>
    %eq3A_78 = vector.broadcast %broadcast_in_dim3A_76 : vector<512x1xi32> to vector<512x512xi32>
    %eq3A_79 = arith.cmpi eq, %eq3A_77, %eq3A_78 : vector<512x512xi32>
    %jit3A_80 = arith.constant 0.000000e+00 : f32
    %broadcast_in_dim3A_81 = vector.broadcast %jit3A_80 : f32 to vector<512x512xf32>
    %select_n3A_82 = arith.select %eq3A_79, %sub3A_59, %broadcast_in_dim3A_81 : vector<512x512xi1>, vector<512x512xf32>
    %reduce_sum3A = arith.constant dense<0.000000e+00> : vector<512xf32>
    %reduce_sum3A_83 = vector.multi_reduction <add>, %select_n3A_82, %reduce_sum3A [1] : vector<512x512xf32> to vector<512xf32>
    %broadcast_in_dim3A_84 = vector.shape_cast %reduce_sum3A_83 : vector<512xf32> to vector<512x1xf32>
    %jit3A_85 = arith.constant 1.000000e+30 : f32
    %broadcast_in_dim3A_86 = vector.broadcast %jit3A_85 : f32 to vector<512x512xf32>
    %select_n3A_87 = arith.select %eq3A_79, %broadcast_in_dim3A_86, %select_n3A : vector<512x512xi1>, vector<512x512xf32>
    %reduce_min3A_88 = arith.constant dense<0x7F800000> : vector<512xf32>
    %reduce_min3A_89 = vector.multi_reduction <minimumf>, %select_n3A_87, %reduce_min3A_88 [1] : vector<512x512xf32> to vector<512xf32>
    %broadcast_in_dim3A_90 = vector.shape_cast %reduce_min3A_89 : vector<512xf32> to vector<512x1xf32>
    %eq3A_91 = vector.broadcast %broadcast_in_dim3A_90 : vector<512x1xf32> to vector<512x512xf32>
    %eq3A_92 = arith.cmpf oeq, %select_n3A_87, %eq3A_91 : vector<512x512xf32>
    %jit3A_93 = arith.constant 512 : i32
    %broadcast_in_dim3A_94 = vector.shape_cast %iota3A : vector<1x512xi32> to vector<1x512xi32>
    %broadcast_in_dim3A_95 = vector.broadcast %broadcast_in_dim3A_94 : vector<1x512xi32> to vector<512x512xi32>
    %broadcast_in_dim3A_96 = vector.broadcast %jit3A_93 : i32 to vector<512x512xi32>
    %select_n3A_97 = arith.select %eq3A_92, %broadcast_in_dim3A_95, %broadcast_in_dim3A_96 : vector<512x512xi1>, vector<512x512xi32>
    %reduce_min3A_98 = arith.constant dense<2147483647> : vector<512xi32>
    %reduce_min3A_99 = vector.multi_reduction <minsi>, %select_n3A_97, %reduce_min3A_98 [1] : vector<512x512xi32> to vector<512xi32>
    %broadcast_in_dim3A_100 = vector.shape_cast %reduce_min3A_99 : vector<512xi32> to vector<512x1xi32>
    %eq3A_101 = vector.broadcast %iota3A : vector<1x512xi32> to vector<512x512xi32>
    %eq3A_102 = vector.broadcast %broadcast_in_dim3A_100 : vector<512x1xi32> to vector<512x512xi32>
    %eq3A_103 = arith.cmpi eq, %eq3A_101, %eq3A_102 : vector<512x512xi32>
    %jit3A_104 = arith.constant 0.000000e+00 : f32
    %broadcast_in_dim3A_105 = vector.broadcast %jit3A_104 : f32 to vector<512x512xf32>
    %select_n3A_106 = arith.select %eq3A_103, %sub3A_59, %broadcast_in_dim3A_105 : vector<512x512xi1>, vector<512x512xf32>
    %reduce_sum3A_107 = arith.constant dense<0.000000e+00> : vector<512xf32>
    %reduce_sum3A_108 = vector.multi_reduction <add>, %select_n3A_106, %reduce_sum3A_107 [1] : vector<512x512xf32> to vector<512xf32>
    %broadcast_in_dim3A_109 = vector.shape_cast %reduce_sum3A_108 : vector<512xf32> to vector<512x1xf32>
    %jit3A_110 = arith.constant 1.000000e+30 : f32
    %broadcast_in_dim3A_111 = vector.broadcast %jit3A_110 : f32 to vector<512x512xf32>
    %select_n3A_112 = arith.select %eq3A_103, %broadcast_in_dim3A_111, %select_n3A_87 : vector<512x512xi1>, vector<512x512xf32>
    %reduce_min3A_113 = arith.constant dense<0x7F800000> : vector<512xf32>
    %reduce_min3A_114 = vector.multi_reduction <minimumf>, %select_n3A_112, %reduce_min3A_113 [1] : vector<512x512xf32> to vector<512xf32>
    %broadcast_in_dim3A_115 = vector.shape_cast %reduce_min3A_114 : vector<512xf32> to vector<512x1xf32>
    %eq3A_116 = vector.broadcast %broadcast_in_dim3A_115 : vector<512x1xf32> to vector<512x512xf32>
    %eq3A_117 = arith.cmpf oeq, %select_n3A_112, %eq3A_116 : vector<512x512xf32>
    %jit3A_118 = arith.constant 512 : i32
    %broadcast_in_dim3A_119 = vector.shape_cast %iota3A : vector<1x512xi32> to vector<1x512xi32>
    %broadcast_in_dim3A_120 = vector.broadcast %broadcast_in_dim3A_119 : vector<1x512xi32> to vector<512x512xi32>
    %broadcast_in_dim3A_121 = vector.broadcast %jit3A_118 : i32 to vector<512x512xi32>
    %select_n3A_122 = arith.select %eq3A_117, %broadcast_in_dim3A_120, %broadcast_in_dim3A_121 : vector<512x512xi1>, vector<512x512xi32>
    %reduce_min3A_123 = arith.constant dense<2147483647> : vector<512xi32>
    %reduce_min3A_124 = vector.multi_reduction <minsi>, %select_n3A_122, %reduce_min3A_123 [1] : vector<512x512xi32> to vector<512xi32>
    %broadcast_in_dim3A_125 = vector.shape_cast %reduce_min3A_124 : vector<512xi32> to vector<512x1xi32>
    %eq3A_126 = vector.broadcast %iota3A : vector<1x512xi32> to vector<512x512xi32>
    %eq3A_127 = vector.broadcast %broadcast_in_dim3A_125 : vector<512x1xi32> to vector<512x512xi32>
    %eq3A_128 = arith.cmpi eq, %eq3A_126, %eq3A_127 : vector<512x512xi32>
    %jit3A_129 = arith.constant 0.000000e+00 : f32
    %broadcast_in_dim3A_130 = vector.broadcast %jit3A_129 : f32 to vector<512x512xf32>
    %select_n3A_131 = arith.select %eq3A_128, %sub3A_59, %broadcast_in_dim3A_130 : vector<512x512xi1>, vector<512x512xf32>
    %reduce_sum3A_132 = arith.constant dense<0.000000e+00> : vector<512xf32>
    %reduce_sum3A_133 = vector.multi_reduction <add>, %select_n3A_131, %reduce_sum3A_132 [1] : vector<512x512xf32> to vector<512xf32>
    %broadcast_in_dim3A_134 = vector.shape_cast %reduce_sum3A_133 : vector<512xf32> to vector<512x1xf32>
    %jit3A_135 = arith.constant 1.000000e+30 : f32
    %broadcast_in_dim3A_136 = vector.broadcast %jit3A_135 : f32 to vector<512x512xf32>
    %select_n3A_137 = arith.select %eq3A_128, %broadcast_in_dim3A_136, %select_n3A_112 : vector<512x512xi1>, vector<512x512xf32>
    %reduce_min3A_138 = arith.constant dense<0x7F800000> : vector<512xf32>
    %reduce_min3A_139 = vector.multi_reduction <minimumf>, %select_n3A_137, %reduce_min3A_138 [1] : vector<512x512xf32> to vector<512xf32>
    %broadcast_in_dim3A_140 = vector.shape_cast %reduce_min3A_139 : vector<512xf32> to vector<512x1xf32>
    %eq3A_141 = vector.broadcast %broadcast_in_dim3A_140 : vector<512x1xf32> to vector<512x512xf32>
    %eq3A_142 = arith.cmpf oeq, %select_n3A_137, %eq3A_141 : vector<512x512xf32>
    %jit3A_143 = arith.constant 512 : i32
    %broadcast_in_dim3A_144 = vector.shape_cast %iota3A : vector<1x512xi32> to vector<1x512xi32>
    %broadcast_in_dim3A_145 = vector.broadcast %broadcast_in_dim3A_144 : vector<1x512xi32> to vector<512x512xi32>
    %broadcast_in_dim3A_146 = vector.broadcast %jit3A_143 : i32 to vector<512x512xi32>
    %select_n3A_147 = arith.select %eq3A_142, %broadcast_in_dim3A_145, %broadcast_in_dim3A_146 : vector<512x512xi1>, vector<512x512xi32>
    %reduce_min3A_148 = arith.constant dense<2147483647> : vector<512xi32>
    %reduce_min3A_149 = vector.multi_reduction <minsi>, %select_n3A_147, %reduce_min3A_148 [1] : vector<512x512xi32> to vector<512xi32>
    %broadcast_in_dim3A_150 = vector.shape_cast %reduce_min3A_149 : vector<512xi32> to vector<512x1xi32>
    %eq3A_151 = vector.broadcast %iota3A : vector<1x512xi32> to vector<512x512xi32>
    %eq3A_152 = vector.broadcast %broadcast_in_dim3A_150 : vector<512x1xi32> to vector<512x512xi32>
    %eq3A_153 = arith.cmpi eq, %eq3A_151, %eq3A_152 : vector<512x512xi32>
    %jit3A_154 = arith.constant 0.000000e+00 : f32
    %broadcast_in_dim3A_155 = vector.broadcast %jit3A_154 : f32 to vector<512x512xf32>
    %select_n3A_156 = arith.select %eq3A_153, %sub3A_59, %broadcast_in_dim3A_155 : vector<512x512xi1>, vector<512x512xf32>
    %reduce_sum3A_157 = arith.constant dense<0.000000e+00> : vector<512xf32>
    %reduce_sum3A_158 = vector.multi_reduction <add>, %select_n3A_156, %reduce_sum3A_157 [1] : vector<512x512xf32> to vector<512xf32>
    %broadcast_in_dim3A_159 = vector.shape_cast %reduce_sum3A_158 : vector<512xf32> to vector<512x1xf32>
    %jit3A_160 = arith.constant 1.000000e+30 : f32
    %broadcast_in_dim3A_161 = vector.broadcast %jit3A_160 : f32 to vector<512x512xf32>
    %select_n3A_162 = arith.select %eq3A_153, %broadcast_in_dim3A_161, %select_n3A_137 : vector<512x512xi1>, vector<512x512xf32>
    %reduce_min3A_163 = arith.constant dense<0x7F800000> : vector<512xf32>
    %reduce_min3A_164 = vector.multi_reduction <minimumf>, %select_n3A_162, %reduce_min3A_163 [1] : vector<512x512xf32> to vector<512xf32>
    %broadcast_in_dim3A_165 = vector.shape_cast %reduce_min3A_164 : vector<512xf32> to vector<512x1xf32>
    %eq3A_166 = vector.broadcast %broadcast_in_dim3A_165 : vector<512x1xf32> to vector<512x512xf32>
    %eq3A_167 = arith.cmpf oeq, %select_n3A_162, %eq3A_166 : vector<512x512xf32>
    %jit3A_168 = arith.constant 512 : i32
    %broadcast_in_dim3A_169 = vector.shape_cast %iota3A : vector<1x512xi32> to vector<1x512xi32>
    %broadcast_in_dim3A_170 = vector.broadcast %broadcast_in_dim3A_169 : vector<1x512xi32> to vector<512x512xi32>
    %broadcast_in_dim3A_171 = vector.broadcast %jit3A_168 : i32 to vector<512x512xi32>
    %select_n3A_172 = arith.select %eq3A_167, %broadcast_in_dim3A_170, %broadcast_in_dim3A_171 : vector<512x512xi1>, vector<512x512xi32>
    %reduce_min3A_173 = arith.constant dense<2147483647> : vector<512xi32>
    %reduce_min3A_174 = vector.multi_reduction <minsi>, %select_n3A_172, %reduce_min3A_173 [1] : vector<512x512xi32> to vector<512xi32>
    %broadcast_in_dim3A_175 = vector.shape_cast %reduce_min3A_174 : vector<512xi32> to vector<512x1xi32>
    %eq3A_176 = vector.broadcast %iota3A : vector<1x512xi32> to vector<512x512xi32>
    %eq3A_177 = vector.broadcast %broadcast_in_dim3A_175 : vector<512x1xi32> to vector<512x512xi32>
    %eq3A_178 = arith.cmpi eq, %eq3A_176, %eq3A_177 : vector<512x512xi32>
    %jit3A_179 = arith.constant 0.000000e+00 : f32
    %broadcast_in_dim3A_180 = vector.broadcast %jit3A_179 : f32 to vector<512x512xf32>
    %select_n3A_181 = arith.select %eq3A_178, %sub3A_59, %broadcast_in_dim3A_180 : vector<512x512xi1>, vector<512x512xf32>
    %reduce_sum3A_182 = arith.constant dense<0.000000e+00> : vector<512xf32>
    %reduce_sum3A_183 = vector.multi_reduction <add>, %select_n3A_181, %reduce_sum3A_182 [1] : vector<512x512xf32> to vector<512xf32>
    %broadcast_in_dim3A_184 = vector.shape_cast %reduce_sum3A_183 : vector<512xf32> to vector<512x1xf32>
    %jit3A_185 = arith.constant 1.000000e+30 : f32
    %broadcast_in_dim3A_186 = vector.broadcast %jit3A_185 : f32 to vector<512x512xf32>
    %select_n3A_187 = arith.select %eq3A_178, %broadcast_in_dim3A_186, %select_n3A_162 : vector<512x512xi1>, vector<512x512xf32>
    %reduce_min3A_188 = arith.constant dense<0x7F800000> : vector<512xf32>
    %reduce_min3A_189 = vector.multi_reduction <minimumf>, %select_n3A_187, %reduce_min3A_188 [1] : vector<512x512xf32> to vector<512xf32>
    %broadcast_in_dim3A_190 = vector.shape_cast %reduce_min3A_189 : vector<512xf32> to vector<512x1xf32>
    %eq3A_191 = vector.broadcast %broadcast_in_dim3A_190 : vector<512x1xf32> to vector<512x512xf32>
    %eq3A_192 = arith.cmpf oeq, %select_n3A_187, %eq3A_191 : vector<512x512xf32>
    %jit3A_193 = arith.constant 512 : i32
    %broadcast_in_dim3A_194 = vector.shape_cast %iota3A : vector<1x512xi32> to vector<1x512xi32>
    %broadcast_in_dim3A_195 = vector.broadcast %broadcast_in_dim3A_194 : vector<1x512xi32> to vector<512x512xi32>
    %broadcast_in_dim3A_196 = vector.broadcast %jit3A_193 : i32 to vector<512x512xi32>
    %select_n3A_197 = arith.select %eq3A_192, %broadcast_in_dim3A_195, %broadcast_in_dim3A_196 : vector<512x512xi1>, vector<512x512xi32>
    %reduce_min3A_198 = arith.constant dense<2147483647> : vector<512xi32>
    %reduce_min3A_199 = vector.multi_reduction <minsi>, %select_n3A_197, %reduce_min3A_198 [1] : vector<512x512xi32> to vector<512xi32>
    %broadcast_in_dim3A_200 = vector.shape_cast %reduce_min3A_199 : vector<512xi32> to vector<512x1xi32>
    %eq3A_201 = vector.broadcast %iota3A : vector<1x512xi32> to vector<512x512xi32>
    %eq3A_202 = vector.broadcast %broadcast_in_dim3A_200 : vector<512x1xi32> to vector<512x512xi32>
    %eq3A_203 = arith.cmpi eq, %eq3A_201, %eq3A_202 : vector<512x512xi32>
    %jit3A_204 = arith.constant 0.000000e+00 : f32
    %broadcast_in_dim3A_205 = vector.broadcast %jit3A_204 : f32 to vector<512x512xf32>
    %select_n3A_206 = arith.select %eq3A_203, %sub3A_59, %broadcast_in_dim3A_205 : vector<512x512xi1>, vector<512x512xf32>
    %reduce_sum3A_207 = arith.constant dense<0.000000e+00> : vector<512xf32>
    %reduce_sum3A_208 = vector.multi_reduction <add>, %select_n3A_206, %reduce_sum3A_207 [1] : vector<512x512xf32> to vector<512xf32>
    %broadcast_in_dim3A_209 = vector.shape_cast %reduce_sum3A_208 : vector<512xf32> to vector<512x1xf32>
    %jit3A_210 = arith.constant 1.000000e+30 : f32
    %broadcast_in_dim3A_211 = vector.broadcast %jit3A_210 : f32 to vector<512x512xf32>
    %select_n3A_212 = arith.select %eq3A_203, %broadcast_in_dim3A_211, %select_n3A_187 : vector<512x512xi1>, vector<512x512xf32>
    %reduce_min3A_213 = arith.constant dense<0x7F800000> : vector<512xf32>
    %reduce_min3A_214 = vector.multi_reduction <minimumf>, %select_n3A_212, %reduce_min3A_213 [1] : vector<512x512xf32> to vector<512xf32>
    %broadcast_in_dim3A_215 = vector.shape_cast %reduce_min3A_214 : vector<512xf32> to vector<512x1xf32>
    %eq3A_216 = vector.broadcast %broadcast_in_dim3A_215 : vector<512x1xf32> to vector<512x512xf32>
    %eq3A_217 = arith.cmpf oeq, %select_n3A_212, %eq3A_216 : vector<512x512xf32>
    %jit3A_218 = arith.constant 512 : i32
    %broadcast_in_dim3A_219 = vector.shape_cast %iota3A : vector<1x512xi32> to vector<1x512xi32>
    %broadcast_in_dim3A_220 = vector.broadcast %broadcast_in_dim3A_219 : vector<1x512xi32> to vector<512x512xi32>
    %broadcast_in_dim3A_221 = vector.broadcast %jit3A_218 : i32 to vector<512x512xi32>
    %select_n3A_222 = arith.select %eq3A_217, %broadcast_in_dim3A_220, %broadcast_in_dim3A_221 : vector<512x512xi1>, vector<512x512xi32>
    %reduce_min3A_223 = arith.constant dense<2147483647> : vector<512xi32>
    %reduce_min3A_224 = vector.multi_reduction <minsi>, %select_n3A_222, %reduce_min3A_223 [1] : vector<512x512xi32> to vector<512xi32>
    %broadcast_in_dim3A_225 = vector.shape_cast %reduce_min3A_224 : vector<512xi32> to vector<512x1xi32>
    %eq3A_226 = vector.broadcast %iota3A : vector<1x512xi32> to vector<512x512xi32>
    %eq3A_227 = vector.broadcast %broadcast_in_dim3A_225 : vector<512x1xi32> to vector<512x512xi32>
    %eq3A_228 = arith.cmpi eq, %eq3A_226, %eq3A_227 : vector<512x512xi32>
    %jit3A_229 = arith.constant 0.000000e+00 : f32
    %broadcast_in_dim3A_230 = vector.broadcast %jit3A_229 : f32 to vector<512x512xf32>
    %select_n3A_231 = arith.select %eq3A_228, %sub3A_59, %broadcast_in_dim3A_230 : vector<512x512xi1>, vector<512x512xf32>
    %reduce_sum3A_232 = arith.constant dense<0.000000e+00> : vector<512xf32>
    %reduce_sum3A_233 = vector.multi_reduction <add>, %select_n3A_231, %reduce_sum3A_232 [1] : vector<512x512xf32> to vector<512xf32>
    %broadcast_in_dim3A_234 = vector.shape_cast %reduce_sum3A_233 : vector<512xf32> to vector<512x1xf32>
    %jit3A_235 = arith.constant 1.000000e+30 : f32
    %broadcast_in_dim3A_236 = vector.broadcast %jit3A_235 : f32 to vector<512x512xf32>
    %select_n3A_237 = arith.select %eq3A_228, %broadcast_in_dim3A_236, %select_n3A_212 : vector<512x512xi1>, vector<512x512xf32>
    %reduce_min3A_238 = arith.constant dense<0x7F800000> : vector<512xf32>
    %reduce_min3A_239 = vector.multi_reduction <minimumf>, %select_n3A_237, %reduce_min3A_238 [1] : vector<512x512xf32> to vector<512xf32>
    %broadcast_in_dim3A_240 = vector.shape_cast %reduce_min3A_239 : vector<512xf32> to vector<512x1xf32>
    %eq3A_241 = vector.broadcast %broadcast_in_dim3A_240 : vector<512x1xf32> to vector<512x512xf32>
    %eq3A_242 = arith.cmpf oeq, %select_n3A_237, %eq3A_241 : vector<512x512xf32>
    %jit3A_243 = arith.constant 512 : i32
    %broadcast_in_dim3A_244 = vector.shape_cast %iota3A : vector<1x512xi32> to vector<1x512xi32>
    %broadcast_in_dim3A_245 = vector.broadcast %broadcast_in_dim3A_244 : vector<1x512xi32> to vector<512x512xi32>
    %broadcast_in_dim3A_246 = vector.broadcast %jit3A_243 : i32 to vector<512x512xi32>
    %select_n3A_247 = arith.select %eq3A_242, %broadcast_in_dim3A_245, %broadcast_in_dim3A_246 : vector<512x512xi1>, vector<512x512xi32>
    %reduce_min3A_248 = arith.constant dense<2147483647> : vector<512xi32>
    %reduce_min3A_249 = vector.multi_reduction <minsi>, %select_n3A_247, %reduce_min3A_248 [1] : vector<512x512xi32> to vector<512xi32>
    %broadcast_in_dim3A_250 = vector.shape_cast %reduce_min3A_249 : vector<512xi32> to vector<512x1xi32>
    %eq3A_251 = vector.broadcast %iota3A : vector<1x512xi32> to vector<512x512xi32>
    %eq3A_252 = vector.broadcast %broadcast_in_dim3A_250 : vector<512x1xi32> to vector<512x512xi32>
    %eq3A_253 = arith.cmpi eq, %eq3A_251, %eq3A_252 : vector<512x512xi32>
    %jit3A_254 = arith.constant 0.000000e+00 : f32
    %broadcast_in_dim3A_255 = vector.broadcast %jit3A_254 : f32 to vector<512x512xf32>
    %select_n3A_256 = arith.select %eq3A_253, %sub3A_59, %broadcast_in_dim3A_255 : vector<512x512xi1>, vector<512x512xf32>
    %reduce_sum3A_257 = arith.constant dense<0.000000e+00> : vector<512xf32>
    %reduce_sum3A_258 = vector.multi_reduction <add>, %select_n3A_256, %reduce_sum3A_257 [1] : vector<512x512xf32> to vector<512xf32>
    %broadcast_in_dim3A_259 = vector.shape_cast %reduce_sum3A_258 : vector<512xf32> to vector<512x1xf32>
    %max3A = arith.constant 0.000000e+00 : f32
    %max3A_260 = vector.broadcast %max3A : f32 to vector<512x1xf32>
    %max3A_261 = arith.maximumf %broadcast_in_dim3A_84, %max3A_260 : vector<512x1xf32>
    %sqrt3A = math.sqrt %max3A_261 : vector<512x1xf32>
    %neg3A = arith.constant 0.000000e+00 : f32
    %neg3A_262 = vector.broadcast %neg3A : f32 to vector<512x1xf32>
    %neg3A_263 = arith.subf %neg3A_262, %sqrt3A : vector<512x1xf32>
    %max3A_264 = arith.constant 0.000000e+00 : f32
    %max3A_265 = vector.broadcast %max3A_264 : f32 to vector<512x1xf32>
    %max3A_266 = arith.maximumf %broadcast_in_dim3A_109, %max3A_265 : vector<512x1xf32>
    %sqrt3A_267 = math.sqrt %max3A_266 : vector<512x1xf32>
    %neg3A_268 = arith.constant 0.000000e+00 : f32
    %neg3A_269 = vector.broadcast %neg3A_268 : f32 to vector<512x1xf32>
    %neg3A_270 = arith.subf %neg3A_269, %sqrt3A_267 : vector<512x1xf32>
    %max3A_271 = arith.constant 0.000000e+00 : f32
    %max3A_272 = vector.broadcast %max3A_271 : f32 to vector<512x1xf32>
    %max3A_273 = arith.maximumf %broadcast_in_dim3A_134, %max3A_272 : vector<512x1xf32>
    %sqrt3A_274 = math.sqrt %max3A_273 : vector<512x1xf32>
    %neg3A_275 = arith.constant 0.000000e+00 : f32
    %neg3A_276 = vector.broadcast %neg3A_275 : f32 to vector<512x1xf32>
    %neg3A_277 = arith.subf %neg3A_276, %sqrt3A_274 : vector<512x1xf32>
    %max3A_278 = arith.constant 0.000000e+00 : f32
    %max3A_279 = vector.broadcast %max3A_278 : f32 to vector<512x1xf32>
    %max3A_280 = arith.maximumf %broadcast_in_dim3A_159, %max3A_279 : vector<512x1xf32>
    %sqrt3A_281 = math.sqrt %max3A_280 : vector<512x1xf32>
    %neg3A_282 = arith.constant 0.000000e+00 : f32
    %neg3A_283 = vector.broadcast %neg3A_282 : f32 to vector<512x1xf32>
    %neg3A_284 = arith.subf %neg3A_283, %sqrt3A_281 : vector<512x1xf32>
    %max3A_285 = arith.constant 0.000000e+00 : f32
    %max3A_286 = vector.broadcast %max3A_285 : f32 to vector<512x1xf32>
    %max3A_287 = arith.maximumf %broadcast_in_dim3A_184, %max3A_286 : vector<512x1xf32>
    %sqrt3A_288 = math.sqrt %max3A_287 : vector<512x1xf32>
    %neg3A_289 = arith.constant 0.000000e+00 : f32
    %neg3A_290 = vector.broadcast %neg3A_289 : f32 to vector<512x1xf32>
    %neg3A_291 = arith.subf %neg3A_290, %sqrt3A_288 : vector<512x1xf32>
    %max3A_292 = arith.constant 0.000000e+00 : f32
    %max3A_293 = vector.broadcast %max3A_292 : f32 to vector<512x1xf32>
    %max3A_294 = arith.maximumf %broadcast_in_dim3A_209, %max3A_293 : vector<512x1xf32>
    %sqrt3A_295 = math.sqrt %max3A_294 : vector<512x1xf32>
    %neg3A_296 = arith.constant 0.000000e+00 : f32
    %neg3A_297 = vector.broadcast %neg3A_296 : f32 to vector<512x1xf32>
    %neg3A_298 = arith.subf %neg3A_297, %sqrt3A_295 : vector<512x1xf32>
    %max3A_299 = arith.constant 0.000000e+00 : f32
    %max3A_300 = vector.broadcast %max3A_299 : f32 to vector<512x1xf32>
    %max3A_301 = arith.maximumf %broadcast_in_dim3A_234, %max3A_300 : vector<512x1xf32>
    %sqrt3A_302 = math.sqrt %max3A_301 : vector<512x1xf32>
    %neg3A_303 = arith.constant 0.000000e+00 : f32
    %neg3A_304 = vector.broadcast %neg3A_303 : f32 to vector<512x1xf32>
    %neg3A_305 = arith.subf %neg3A_304, %sqrt3A_302 : vector<512x1xf32>
    %max3A_306 = arith.constant 0.000000e+00 : f32
    %max3A_307 = vector.broadcast %max3A_306 : f32 to vector<512x1xf32>
    %max3A_308 = arith.maximumf %broadcast_in_dim3A_259, %max3A_307 : vector<512x1xf32>
    %sqrt3A_309 = math.sqrt %max3A_308 : vector<512x1xf32>
    %neg3A_310 = arith.constant 0.000000e+00 : f32
    %neg3A_311 = vector.broadcast %neg3A_310 : f32 to vector<512x1xf32>
    %neg3A_312 = arith.subf %neg3A_311, %sqrt3A_309 : vector<512x1xf32>
    %concatenate3A = tpu.concatenate %neg3A_263, %neg3A_270, %neg3A_277, %neg3A_284, %neg3A_291, %neg3A_298, %neg3A_305, %neg3A_312 in 1 : vector<512x1xf32>, vector<512x1xf32>, vector<512x1xf32>, vector<512x1xf32>, vector<512x1xf32>, vector<512x1xf32>, vector<512x1xf32>, vector<512x1xf32> -> vector<512x8xf32>
    %lt3A = arith.constant 500 : i32
    %lt3A_313 = vector.broadcast %lt3A : i32 to vector<512x1xi32>
    %lt3A_314 = arith.cmpi slt, %iota3A_0, %lt3A_313 : vector<512x1xi32>
    %jit3A_315 = arith.constant -1.000000e+30 : f32
    %broadcast_in_dim3A_316 = vector.shape_cast %lt3A_314 : vector<512x1xi1> to vector<512x1xi1>
    %broadcast_in_dim3A_317 = vector.broadcast %broadcast_in_dim3A_316 : vector<512x1xi1> to vector<512x8xi1>
    %broadcast_in_dim3A_318 = vector.broadcast %jit3A_315 : f32 to vector<512x8xf32>
    %select_n3A_319 = arith.select %broadcast_in_dim3A_317, %concatenate3A, %broadcast_in_dim3A_318 : vector<512x8xi1>, vector<512x8xf32>
    %reduce_max3A = vector.shape_cast %select_n3A_319 : vector<512x8xf32> to vector<1x512x8xf32>
    %reduce_max3A_320 = arith.constant dense<0xFF800000> : vector<1xf32>
    %reduce_max3A_321 = vector.multi_reduction <maximumf>, %reduce_max3A, %reduce_max3A_320 [1, 2] : vector<1x512x8xf32> to vector<1xf32>
    %reduce_max3A_322 = vector.shape_cast %reduce_max3A_321 : vector<1xf32> to vector<1x1x1xf32>
    %reduce_max3A_323 = vector.extract %reduce_max3A_322[0, 0, 0] : f32 from vector<1x1x1xf32>
    %sub3A_324 = vector.broadcast %reduce_max3A_323 : f32 to vector<512x8xf32>
    %sub3A_325 = arith.subf %select_n3A_319, %sub3A_324 : vector<512x8xf32>
    %exp3A = math.exp %sub3A_325 : vector<512x8xf32>
    %reduce_sum3A_326 = vector.shape_cast %exp3A : vector<512x8xf32> to vector<1x512x8xf32>
    %reduce_sum3A_327 = arith.constant dense<0.000000e+00> : vector<1xf32>
    %reduce_sum3A_328 = vector.multi_reduction <add>, %reduce_sum3A_326, %reduce_sum3A_327 [1, 2] : vector<1x512x8xf32> to vector<1xf32>
    %reduce_sum3A_329 = vector.shape_cast %reduce_sum3A_328 : vector<1xf32> to vector<1x1x1xf32>
    %reduce_sum3A_330 = vector.extract %reduce_sum3A_329[0, 0, 0] : f32 from vector<1x1x1xf32>
    %mul3A_331 = arith.constant 8.000000e+00 : f32
    %mul3A_332 = arith.mulf %mul3A_331, %reduce_sum3A_330 : f32
    %div3A = arith.constant 1.000000e+00 : f32
    %div3A_333 = arith.divf %div3A, %mul3A_332 : f32
    %broadcast_in_dim3A_334 = arith.constant 0.000000e+00 : f32
    %broadcast_in_dim3A_335 = vector.broadcast %broadcast_in_dim3A_334 : f32 to vector<512x512xf32>
    %slice3A = vector.extract_strided_slice %exp3A {offsets = [0, 0], sizes = [512, 1], strides = [1, 1]} : vector<512x8xf32> to vector<512x1xf32>
    %eq3A_336 = vector.broadcast %iota3A : vector<1x512xi32> to vector<512x512xi32>
    %eq3A_337 = vector.broadcast %broadcast_in_dim3A_76 : vector<512x1xi32> to vector<512x512xi32>
    %eq3A_338 = arith.cmpi eq, %eq3A_336, %eq3A_337 : vector<512x512xi32>
    %convert_element_type3A_339 = arith.extui %eq3A_338 : vector<512x512xi1> to vector<512x512xi32>
    %convert_element_type3A_340 = arith.sitofp %convert_element_type3A_339 : vector<512x512xi32> to vector<512x512xf32>
    %mul3A_341 = vector.broadcast %slice3A : vector<512x1xf32> to vector<512x512xf32>
    %mul3A_342 = arith.mulf %mul3A_341, %convert_element_type3A_340 : vector<512x512xf32>
    %add3A_343 = arith.addf %broadcast_in_dim3A_335, %mul3A_342 : vector<512x512xf32>
    %slice3A_344 = vector.extract_strided_slice %exp3A {offsets = [0, 1], sizes = [512, 1], strides = [1, 1]} : vector<512x8xf32> to vector<512x1xf32>
    %eq3A_345 = vector.broadcast %iota3A : vector<1x512xi32> to vector<512x512xi32>
    %eq3A_346 = vector.broadcast %broadcast_in_dim3A_100 : vector<512x1xi32> to vector<512x512xi32>
    %eq3A_347 = arith.cmpi eq, %eq3A_345, %eq3A_346 : vector<512x512xi32>
    %convert_element_type3A_348 = arith.extui %eq3A_347 : vector<512x512xi1> to vector<512x512xi32>
    %convert_element_type3A_349 = arith.sitofp %convert_element_type3A_348 : vector<512x512xi32> to vector<512x512xf32>
    %mul3A_350 = vector.broadcast %slice3A_344 : vector<512x1xf32> to vector<512x512xf32>
    %mul3A_351 = arith.mulf %mul3A_350, %convert_element_type3A_349 : vector<512x512xf32>
    %add3A_352 = arith.addf %add3A_343, %mul3A_351 : vector<512x512xf32>
    %slice3A_353 = vector.extract_strided_slice %exp3A {offsets = [0, 2], sizes = [512, 1], strides = [1, 1]} : vector<512x8xf32> to vector<512x1xf32>
    %eq3A_354 = vector.broadcast %iota3A : vector<1x512xi32> to vector<512x512xi32>
    %eq3A_355 = vector.broadcast %broadcast_in_dim3A_125 : vector<512x1xi32> to vector<512x512xi32>
    %eq3A_356 = arith.cmpi eq, %eq3A_354, %eq3A_355 : vector<512x512xi32>
    %convert_element_type3A_357 = arith.extui %eq3A_356 : vector<512x512xi1> to vector<512x512xi32>
    %convert_element_type3A_358 = arith.sitofp %convert_element_type3A_357 : vector<512x512xi32> to vector<512x512xf32>
    %mul3A_359 = vector.broadcast %slice3A_353 : vector<512x1xf32> to vector<512x512xf32>
    %mul3A_360 = arith.mulf %mul3A_359, %convert_element_type3A_358 : vector<512x512xf32>
    %add3A_361 = arith.addf %add3A_352, %mul3A_360 : vector<512x512xf32>
    %slice3A_362 = vector.extract_strided_slice %exp3A {offsets = [0, 3], sizes = [512, 1], strides = [1, 1]} : vector<512x8xf32> to vector<512x1xf32>
    %eq3A_363 = vector.broadcast %iota3A : vector<1x512xi32> to vector<512x512xi32>
    %eq3A_364 = vector.broadcast %broadcast_in_dim3A_150 : vector<512x1xi32> to vector<512x512xi32>
    %eq3A_365 = arith.cmpi eq, %eq3A_363, %eq3A_364 : vector<512x512xi32>
    %convert_element_type3A_366 = arith.extui %eq3A_365 : vector<512x512xi1> to vector<512x512xi32>
    %convert_element_type3A_367 = arith.sitofp %convert_element_type3A_366 : vector<512x512xi32> to vector<512x512xf32>
    %mul3A_368 = vector.broadcast %slice3A_362 : vector<512x1xf32> to vector<512x512xf32>
    %mul3A_369 = arith.mulf %mul3A_368, %convert_element_type3A_367 : vector<512x512xf32>
    %add3A_370 = arith.addf %add3A_361, %mul3A_369 : vector<512x512xf32>
    %slice3A_371 = vector.extract_strided_slice %exp3A {offsets = [0, 4], sizes = [512, 1], strides = [1, 1]} : vector<512x8xf32> to vector<512x1xf32>
    %eq3A_372 = vector.broadcast %iota3A : vector<1x512xi32> to vector<512x512xi32>
    %eq3A_373 = vector.broadcast %broadcast_in_dim3A_175 : vector<512x1xi32> to vector<512x512xi32>
    %eq3A_374 = arith.cmpi eq, %eq3A_372, %eq3A_373 : vector<512x512xi32>
    %convert_element_type3A_375 = arith.extui %eq3A_374 : vector<512x512xi1> to vector<512x512xi32>
    %convert_element_type3A_376 = arith.sitofp %convert_element_type3A_375 : vector<512x512xi32> to vector<512x512xf32>
    %mul3A_377 = vector.broadcast %slice3A_371 : vector<512x1xf32> to vector<512x512xf32>
    %mul3A_378 = arith.mulf %mul3A_377, %convert_element_type3A_376 : vector<512x512xf32>
    %add3A_379 = arith.addf %add3A_370, %mul3A_378 : vector<512x512xf32>
    %slice3A_380 = vector.extract_strided_slice %exp3A {offsets = [0, 5], sizes = [512, 1], strides = [1, 1]} : vector<512x8xf32> to vector<512x1xf32>
    %eq3A_381 = vector.broadcast %iota3A : vector<1x512xi32> to vector<512x512xi32>
    %eq3A_382 = vector.broadcast %broadcast_in_dim3A_200 : vector<512x1xi32> to vector<512x512xi32>
    %eq3A_383 = arith.cmpi eq, %eq3A_381, %eq3A_382 : vector<512x512xi32>
    %convert_element_type3A_384 = arith.extui %eq3A_383 : vector<512x512xi1> to vector<512x512xi32>
    %convert_element_type3A_385 = arith.sitofp %convert_element_type3A_384 : vector<512x512xi32> to vector<512x512xf32>
    %mul3A_386 = vector.broadcast %slice3A_380 : vector<512x1xf32> to vector<512x512xf32>
    %mul3A_387 = arith.mulf %mul3A_386, %convert_element_type3A_385 : vector<512x512xf32>
    %add3A_388 = arith.addf %add3A_379, %mul3A_387 : vector<512x512xf32>
    %slice3A_389 = vector.extract_strided_slice %exp3A {offsets = [0, 6], sizes = [512, 1], strides = [1, 1]} : vector<512x8xf32> to vector<512x1xf32>
    %eq3A_390 = vector.broadcast %iota3A : vector<1x512xi32> to vector<512x512xi32>
    %eq3A_391 = vector.broadcast %broadcast_in_dim3A_225 : vector<512x1xi32> to vector<512x512xi32>
    %eq3A_392 = arith.cmpi eq, %eq3A_390, %eq3A_391 : vector<512x512xi32>
    %convert_element_type3A_393 = arith.extui %eq3A_392 : vector<512x512xi1> to vector<512x512xi32>
    %convert_element_type3A_394 = arith.sitofp %convert_element_type3A_393 : vector<512x512xi32> to vector<512x512xf32>
    %mul3A_395 = vector.broadcast %slice3A_389 : vector<512x1xf32> to vector<512x512xf32>
    %mul3A_396 = arith.mulf %mul3A_395, %convert_element_type3A_394 : vector<512x512xf32>
    %add3A_397 = arith.addf %add3A_388, %mul3A_396 : vector<512x512xf32>
    %slice3A_398 = vector.extract_strided_slice %exp3A {offsets = [0, 7], sizes = [512, 1], strides = [1, 1]} : vector<512x8xf32> to vector<512x1xf32>
    %eq3A_399 = vector.broadcast %iota3A : vector<1x512xi32> to vector<512x512xi32>
    %eq3A_400 = vector.broadcast %broadcast_in_dim3A_250 : vector<512x1xi32> to vector<512x512xi32>
    %eq3A_401 = arith.cmpi eq, %eq3A_399, %eq3A_400 : vector<512x512xi32>
    %convert_element_type3A_402 = arith.extui %eq3A_401 : vector<512x512xi1> to vector<512x512xi32>
    %convert_element_type3A_403 = arith.sitofp %convert_element_type3A_402 : vector<512x512xi32> to vector<512x512xf32>
    %mul3A_404 = vector.broadcast %slice3A_398 : vector<512x1xf32> to vector<512x512xf32>
    %mul3A_405 = arith.mulf %mul3A_404, %convert_element_type3A_403 : vector<512x512xf32>
    %add3A_406 = arith.addf %add3A_397, %mul3A_405 : vector<512x512xf32>
    %get3A_407 = arith.constant 0 : index
    %get3A_408 = arith.constant 0 : index
    %get3A_409 = vector.load %arg4[%get3A_407, %get3A_408] : memref<64x3xf32, #tpu.memory_space<vmem>>, vector<64x3xf32>
    %jit3A_410 = arith.constant 0 : i32
    %convert_element_type3A_411 = arith.sitofp %jit3A_410 : i32 to f32
    %pad3A_412 = vector.broadcast %convert_element_type3A_411 : f32 to vector<64x5xf32>
    %pad3A_413 = tpu.concatenate %get3A_409, %pad3A_412 in 1 : vector<64x3xf32>, vector<64x5xf32> -> vector<64x8xf32>
    %dot_general3A_414 = arith.constant dense<0.000000e+00> : vector<512x64xf32>
    %dot_general3A_415 = tpu.matmul %pad3A_7, %pad3A_413, %dot_general3A_414 {dimension_numbers = #tpu.dot_dimension_numbers<[1], [1], [0], [0], [0, 0, 1, 0], [], []>, transpose_lhs_hint = false} : vector<512x8xf32>, vector<64x8xf32>, vector<512x64xf32> -> vector<512x64xf32>
    %get3A_416 = arith.constant 0 : index
    %get3A_417 = vector.load %arg5[%get3A_416] : memref<64xf32, #tpu.memory_space<vmem>>, vector<64xf32>
    %broadcast_in_dim3A_418 = vector.shape_cast %get3A_417 : vector<64xf32> to vector<1x64xf32>
    %add3A_419 = vector.broadcast %broadcast_in_dim3A_418 : vector<1x64xf32> to vector<512x64xf32>
    %add3A_420 = arith.addf %dot_general3A_415, %add3A_419 : vector<512x64xf32>
    %ge3A_421 = arith.constant 0.000000e+00 : f32
    %ge3A_422 = vector.broadcast %ge3A_421 : f32 to vector<512x64xf32>
    %ge3A_423 = arith.cmpf oge, %add3A_420, %ge3A_422 : vector<512x64xf32>
    %mul3A_424 = arith.constant 0.00999999977 : f32
    %mul3A_425 = vector.broadcast %mul3A_424 : f32 to vector<512x64xf32>
    %mul3A_426 = arith.mulf %mul3A_425, %add3A_420 : vector<512x64xf32>
    %select_n3A_427 = arith.select %ge3A_423, %add3A_420, %mul3A_426 : vector<512x64xi1>, vector<512x64xf32>
    %get3A_428 = arith.constant 0 : index
    %get3A_429 = arith.constant 0 : index
    %get3A_430 = vector.load %arg6[%get3A_428, %get3A_429] : memref<128x64xf32, #tpu.memory_space<vmem>>, vector<128x64xf32>
    %dot_general3A_431 = arith.constant dense<0.000000e+00> : vector<512x128xf32>
    %dot_general3A_432 = tpu.matmul %select_n3A_427, %get3A_430, %dot_general3A_431 {dimension_numbers = #tpu.dot_dimension_numbers<[1], [1], [0], [0], [0, 0, 1, 0], [], []>, transpose_lhs_hint = false} : vector<512x64xf32>, vector<128x64xf32>, vector<512x128xf32> -> vector<512x128xf32>
    %get3A_433 = arith.constant 0 : index
    %get3A_434 = vector.load %arg7[%get3A_433] : memref<128xf32, #tpu.memory_space<vmem>>, vector<128xf32>
    %broadcast_in_dim3A_435 = vector.shape_cast %get3A_434 : vector<128xf32> to vector<1x128xf32>
    %add3A_436 = vector.broadcast %broadcast_in_dim3A_435 : vector<1x128xf32> to vector<512x128xf32>
    %add3A_437 = arith.addf %dot_general3A_432, %add3A_436 : vector<512x128xf32>
    %get3A_438 = arith.constant 0 : index
    %get3A_439 = arith.constant 0 : index
    %get3A_440 = vector.load %arg8[%get3A_438, %get3A_439] : memref<64x32xf32, #tpu.memory_space<vmem>>, vector<64x32xf32>
    %dot_general3A_441 = arith.constant dense<0.000000e+00> : vector<512x64xf32>
    %dot_general3A_442 = tpu.matmul %pad3A_36, %get3A_440, %dot_general3A_441 {dimension_numbers = #tpu.dot_dimension_numbers<[0], [1], [1], [0], [0, 1, 1, 0], [], []>, transpose_lhs_hint = false} : vector<32x512xf32>, vector<64x32xf32>, vector<512x64xf32> -> vector<512x64xf32>
    %get3A_443 = arith.constant 0 : index
    %get3A_444 = vector.load %arg9[%get3A_443] : memref<64xf32, #tpu.memory_space<vmem>>, vector<64xf32>
    %broadcast_in_dim3A_445 = vector.shape_cast %get3A_444 : vector<64xf32> to vector<1x64xf32>
    %add3A_446 = vector.broadcast %broadcast_in_dim3A_445 : vector<1x64xf32> to vector<512x64xf32>
    %add3A_447 = arith.addf %dot_general3A_442, %add3A_446 : vector<512x64xf32>
    %ge3A_448 = arith.constant 0.000000e+00 : f32
    %ge3A_449 = vector.broadcast %ge3A_448 : f32 to vector<512x64xf32>
    %ge3A_450 = arith.cmpf oge, %add3A_447, %ge3A_449 : vector<512x64xf32>
    %mul3A_451 = arith.constant 0.00999999977 : f32
    %mul3A_452 = vector.broadcast %mul3A_451 : f32 to vector<512x64xf32>
    %mul3A_453 = arith.mulf %mul3A_452, %add3A_447 : vector<512x64xf32>
    %select_n3A_454 = arith.select %ge3A_450, %add3A_447, %mul3A_453 : vector<512x64xi1>, vector<512x64xf32>
    %get3A_455 = arith.constant 0 : index
    %get3A_456 = arith.constant 0 : index
    %get3A_457 = vector.load %arg10[%get3A_455, %get3A_456] : memref<128x64xf32, #tpu.memory_space<vmem>>, vector<128x64xf32>
    %dot_general3A_458 = arith.constant dense<0.000000e+00> : vector<512x128xf32>
    %dot_general3A_459 = tpu.matmul %select_n3A_454, %get3A_457, %dot_general3A_458 {dimension_numbers = #tpu.dot_dimension_numbers<[1], [1], [0], [0], [0, 0, 1, 0], [], []>, transpose_lhs_hint = false} : vector<512x64xf32>, vector<128x64xf32>, vector<512x128xf32> -> vector<512x128xf32>
    %get3A_460 = arith.constant 0 : index
    %get3A_461 = vector.load %arg11[%get3A_460] : memref<128xf32, #tpu.memory_space<vmem>>, vector<128xf32>
    %broadcast_in_dim3A_462 = vector.shape_cast %get3A_461 : vector<128xf32> to vector<1x128xf32>
    %add3A_463 = vector.broadcast %broadcast_in_dim3A_462 : vector<1x128xf32> to vector<512x128xf32>
    %add3A_464 = arith.addf %dot_general3A_459, %add3A_463 : vector<512x128xf32>
    %get3A_465 = arith.constant 0 : index
    %get3A_466 = arith.constant 0 : index
    %get3A_467 = vector.load %arg12[%get3A_465, %get3A_466] : memref<256x128xf32, #tpu.memory_space<vmem>>, vector<256x128xf32>
    %dot_general3A_468 = arith.constant dense<0.000000e+00> : vector<512x256xf32>
    %dot_general3A_469 = tpu.matmul %add3A_437, %get3A_467, %dot_general3A_468 {dimension_numbers = #tpu.dot_dimension_numbers<[1], [1], [0], [0], [0, 0, 1, 0], [], []>, transpose_lhs_hint = false} : vector<512x128xf32>, vector<256x128xf32>, vector<512x256xf32> -> vector<512x256xf32>
    %get3A_470 = arith.constant 0 : index
    %get3A_471 = vector.load %arg13[%get3A_470] : memref<256xf32, #tpu.memory_space<vmem>>, vector<256xf32>
    %broadcast_in_dim3A_472 = vector.shape_cast %get3A_471 : vector<256xf32> to vector<1x256xf32>
    %add3A_473 = vector.broadcast %broadcast_in_dim3A_472 : vector<1x256xf32> to vector<512x256xf32>
    %add3A_474 = arith.addf %dot_general3A_469, %add3A_473 : vector<512x256xf32>
    %ge3A_475 = arith.constant 0.000000e+00 : f32
    %ge3A_476 = vector.broadcast %ge3A_475 : f32 to vector<512x256xf32>
    %ge3A_477 = arith.cmpf oge, %add3A_474, %ge3A_476 : vector<512x256xf32>
    %mul3A_478 = arith.constant 0.00999999977 : f32
    %mul3A_479 = vector.broadcast %mul3A_478 : f32 to vector<512x256xf32>
    %mul3A_480 = arith.mulf %mul3A_479, %add3A_474 : vector<512x256xf32>
    %select_n3A_481 = arith.select %ge3A_477, %add3A_474, %mul3A_480 : vector<512x256xi1>, vector<512x256xf32>
    %get3A_482 = arith.constant 0 : index
    %get3A_483 = arith.constant 0 : index
    %get3A_484 = vector.load %arg14[%get3A_482, %get3A_483] : memref<128x256xf32, #tpu.memory_space<vmem>>, vector<128x256xf32>
    %dot_general3A_485 = arith.constant dense<0.000000e+00> : vector<512x128xf32>
    %dot_general3A_486 = tpu.matmul %select_n3A_481, %get3A_484, %dot_general3A_485 {dimension_numbers = #tpu.dot_dimension_numbers<[1], [1], [0], [0], [0, 0, 1, 0], [], []>, transpose_lhs_hint = false} : vector<512x256xf32>, vector<128x256xf32>, vector<512x128xf32> -> vector<512x128xf32>
    %get3A_487 = arith.constant 0 : index
    %get3A_488 = vector.load %arg15[%get3A_487] : memref<128xf32, #tpu.memory_space<vmem>>, vector<128xf32>
    %broadcast_in_dim3A_489 = vector.shape_cast %get3A_488 : vector<128xf32> to vector<1x128xf32>
    %add3A_490 = vector.broadcast %broadcast_in_dim3A_489 : vector<1x128xf32> to vector<512x128xf32>
    %add3A_491 = arith.addf %dot_general3A_486, %add3A_490 : vector<512x128xf32>
    %swap3A = arith.constant 0 : index
    %swap3A_492 = arith.constant 0 : index
    %swap3A_493 = vector.load %arg22[%swap3A, %swap3A_492] : memref<512x128xf32, #tpu.memory_space<vmem>>, vector<512x128xf32>
    tpu.vector_store %arg22[%swap3A, %swap3A_492], %add3A_491 {strides = array<i32>} : memref<512x128xf32, #tpu.memory_space<vmem>>, vector<512x128xf32>,
    %dot_general3A_494 = arith.constant dense<0.000000e+00> : vector<512x128xf32>
    %dot_general3A_495 = tpu.matmul %add3A_406, %add3A_464, %dot_general3A_494 {dimension_numbers = #tpu.dot_dimension_numbers<[1], [0], [0], [1], [0, 0, 1, 1], [], []>, transpose_lhs_hint = false} : vector<512x512xf32>, vector<512x128xf32>, vector<512x128xf32> -> vector<512x128xf32>
    %mul3A_496 = vector.broadcast %div3A_333 : f32 to vector<512x128xf32>
    %mul3A_497 = arith.mulf %dot_general3A_495, %mul3A_496 : vector<512x128xf32>
    %get3A_498 = arith.constant 0 : index
    %get3A_499 = arith.constant 0 : index
    %get3A_500 = vector.load %arg16[%get3A_498, %get3A_499] : memref<64x256xf32, #tpu.memory_space<vmem>>, vector<64x256xf32>
    %slice3A_501 = vector.extract_strided_slice %get3A_500 {offsets = [0, 0], sizes = [64, 128], strides = [1, 1]} : vector<64x256xf32> to vector<64x128xf32>
    %dot_general3A_502 = arith.constant dense<0.000000e+00> : vector<512x64xf32>
    %dot_general3A_503 = tpu.matmul %mul3A_497, %slice3A_501, %dot_general3A_502 {dimension_numbers = #tpu.dot_dimension_numbers<[1], [1], [0], [0], [0, 0, 1, 0], [], []>, transpose_lhs_hint = false} : vector<512x128xf32>, vector<64x128xf32>, vector<512x64xf32> -> vector<512x64xf32>
    %slice3A_504 = vector.extract_strided_slice %get3A_500 {offsets = [0, 128], sizes = [64, 128], strides = [1, 1]} : vector<64x256xf32> to vector<64x128xf32>
    %dot_general3A_505 = arith.constant dense<0.000000e+00> : vector<512x64xf32>
    %dot_general3A_506 = tpu.matmul %add3A_437, %slice3A_504, %dot_general3A_505 {dimension_numbers = #tpu.dot_dimension_numbers<[1], [1], [0], [0], [0, 0, 1, 0], [], []>, transpose_lhs_hint = false} : vector<512x128xf32>, vector<64x128xf32>, vector<512x64xf32> -> vector<512x64xf32>
    %add3A_507 = arith.addf %dot_general3A_503, %dot_general3A_506 : vector<512x64xf32>
    %get3A_508 = arith.constant 0 : index
    %get3A_509 = vector.load %arg17[%get3A_508] : memref<64xf32, #tpu.memory_space<vmem>>, vector<64xf32>
    %broadcast_in_dim3A_510 = vector.shape_cast %get3A_509 : vector<64xf32> to vector<1x64xf32>
    %add3A_511 = vector.broadcast %broadcast_in_dim3A_510 : vector<1x64xf32> to vector<512x64xf32>
    %add3A_512 = arith.addf %add3A_507, %add3A_511 : vector<512x64xf32>
    %swap3A_513 = arith.constant 0 : index
    %swap3A_514 = arith.constant 0 : index
    %swap3A_515 = vector.load %arg20[%swap3A_513, %swap3A_514] : memref<512x64xf32, #tpu.memory_space<vmem>>, vector<512x64xf32>
    tpu.vector_store %arg20[%swap3A_513, %swap3A_514], %add3A_512 {strides = array<i32>} : memref<512x64xf32, #tpu.memory_space<vmem>>, vector<512x64xf32>,
    %get3A_516 = arith.constant 0 : index
    %get3A_517 = arith.constant 0 : index
    %get3A_518 = vector.load %arg18[%get3A_516, %get3A_517] : memref<64x160xf32, #tpu.memory_space<vmem>>, vector<64x160xf32>
    %slice3A_519 = vector.extract_strided_slice %get3A_518 {offsets = [0, 128], sizes = [64, 32], strides = [1, 1]} : vector<64x160xf32> to vector<64x32xf32>
    %dot_general3A_520 = arith.constant dense<0.000000e+00> : vector<512x64xf32>
    %dot_general3A_521 = tpu.matmul %pad3A_36, %slice3A_519, %dot_general3A_520 {dimension_numbers = #tpu.dot_dimension_numbers<[0], [1], [1], [0], [0, 1, 1, 0], [], []>, transpose_lhs_hint = false} : vector<32x512xf32>, vector<64x32xf32>, vector<512x64xf32> -> vector<512x64xf32>
    %get3A_522 = arith.constant 0 : index
    %get3A_523 = vector.load %arg19[%get3A_522] : memref<64xf32, #tpu.memory_space<vmem>>, vector<64xf32>
    %broadcast_in_dim3A_524 = vector.shape_cast %get3A_523 : vector<64xf32> to vector<1x64xf32>
    %add3A_525 = vector.broadcast %broadcast_in_dim3A_524 : vector<1x64xf32> to vector<512x64xf32>
    %add3A_526 = arith.addf %dot_general3A_521, %add3A_525 : vector<512x64xf32>
    %swap3A_527 = arith.constant 0 : index
    %swap3A_528 = arith.constant 0 : index
    %swap3A_529 = vector.load %arg21[%swap3A_527, %swap3A_528] : memref<512x64xf32, #tpu.memory_space<vmem>>, vector<512x64xf32>
    tpu.vector_store %arg21[%swap3A_527, %swap3A_528], %add3A_526 {strides = array<i32>} : memref<512x64xf32, #tpu.memory_space<vmem>>, vector<512x64xf32>,
    return
  }
}

</mosaic_0001>

<sc_bundles>
// kernel: kernel.5.cloned.1.call-start
scs
__scs_entry_jumppad:
0x0: {  	(pc) =	sbr.rel $0x88, $3  }
0x1: {  	(tag) =	ssettag $0x0;
	lr =	simm.s32 $0x1  }
0x2: {  	[smem:$0x3F8C] =	sst lr;
	_ =	strace $0xD0000000  }
0x3: {  	_ = 	snop  }
0x4: {  	_ = 	snop  }
0x5: {  	_ = 	snop  }
0x6: {  	_ = 	snop  }
0x7: {  	_ = 	snop  }
__scs_overlays_trampoline_lowered:
0x8: {  	[smem:$0x3F9B] =	sst s0  }
0x9: {  	[smem:$0x3F9C] =	sst s1  }
0xa: {  	[smem:$0x3F9D] =	sst s2  }
0xb: {  	[smem:$0x3F9E] =	sst s3  }
0xc: {  	[smem:$0x3F9F] =	sst s4  }
0xd: {  	[smem:$0x3FA0] =	sst s5  }
0xe: {  	[smem:$0x3FA1] =	sst s6  }
0xf: {  	[smem:$0x3FA2] =	sst s7  }
0x10: {  	[smem:$0x3FA3] =	sst s8  }
0x11: {  	[smem:$0x3FA4] =	sst s9;
	s0 =	simm.s32 @!p0 $0x0  }
0x12: {  	s1 =	sld [smem:$0x3F8A];
	s0 =	simm.s32 @p0 $0x1  }
0x13: {  	[smem:$0x3FA5] =	sst s0;
	s0 =	simm.s32 @!p1 $0x0  }
0x14: {  	s2 =	sld [smem:$0x3F89];
	s0 =	simm.s32 @p1 $0x1  }
0x15: {  	[smem:$0x3FA6] =	sst s0;
	s0 =	simm.s32 @!p2 $0x0  }
0x16: {  	s3 =	sld [smem:$0x3FDB];
	s0 =	simm.s32 @p2 $0x1  }
0x17: {  	s4 =	simm.s32 $0x1BF5;
	[smem:$0x3FA8] =	sst s0  }
0x18: {  	s0 =	sld [smem:$0x3F8B];
	_ =	swait.ge [sflag:s4], $0x0  }
0x19: {  	s7 =	sld [smem:$0x3F8C]  }
0x1a: {  	s8 =	sadd.s32 $0xFFFFE003, lr  }
0x1b: {  	s9 =	sadd.s32 $0xFFFFFEF7, lr;
	s5 =	simm.s32 $0xFFFFFFFF;
	p2 =	slt.u32 s8, $0xFFFFF086  }
0x1c: {  	p1 =	slt.u32 s9, $0xF7A;
	s5 =	simm.s32 @!p2 $0x0  }
0x1d: {  	s5 =	simm.s32 @p1 $0x1;
	p0 =	seq.s32 s7, s2  }
0x1e: {  	s7 =	smul.u32 @!p0 $0xF7A, s2;
	p2 =	seq.s32 @!p0 s5, $0x0  }
0x1f: {  	s9 =	smul.u32 $0xF7A, s1;
	s8 =	simm.s32 @!p0 $0x1BF5;
	p2 =	por !p2, p0  }
0x20: {  	[sflag:s8] =	ssyncset.s32 @!p0 $0xFFFFF086;
	s6 =	sadd.s32 @!p0 s3, s7;
	s7 =	simm.s32 @!p0 $0x108  }
0x21: {  	s3 =	sadd.s32 s3, s9;
	s6 =	sadd.s32 @!p0 $0x88, s6;
	s7 =	simm.s32 @p2 $0x1082  }
0x22: {  	[simem:s7], [sflag:s8] =	dma.local @!p0 [hbm:s6], $0xF7A  }
0x23: {  	s9 =	sor.u32 $0xD0000000, s2;
	s6 =	simm.s32 $0x108;
	_ =	swait.ge @!p0 [sflag:s8], $0x0  }
0x24: {  	s3 =	sadd.s32 $0x88, s3;
	s6 =	simm.s32 @!p1 $0x1082;
	[sflag:s4] =	ssyncset.s32 $0xFFFFF086  }
0x25: {  	[simem:s6], [sflag:s4] =	dma.local [hbm:s3], $0xF7A  }
0x26: {  	[smem:$0x3F8C] =	sst s1;
	(tag) =	ssettag s2;
	_ =	strace s9  }
0x27: {  	s1 =	sld [smem:$0x3F9C]  }
0x28: {  	s2 =	sld [smem:$0x3F9D]  }
0x29: {  	s4 =	sld [smem:$0x3F9F]  }
0x2a: {  	p0 =	seq.s32 s5, $0x0;
	s5 =	sld [smem:$0x3FA0]  }
0x2b: {  	s6 =	sld [smem:$0x3FA1]  }
0x2c: {  	s7 =	sld [smem:$0x3FA2]  }
0x2d: {  	s3 =	simm.s32 $0x108;
	s8 =	sld [smem:$0x3FA3]  }
0x2e: {  	s3 =	simm.s32 @!p0 $0x1082;
	s9 =	sld [smem:$0x3FA4]  }
0x2f: {  	lr =	sadd.s32 s0, s3;
	s0 =	sld [smem:$0x3F9B]  }
0x30: {  	s3 =	sld [smem:$0x3F9E]  }
0x31: {  	[smem:$0x3FA7] =	sst s10  }
0x32: {  	s10 =	sld [smem:$0x3FA5];
	_ =	sdelay $0x3  }
0x33: {  	p0 =	seq.s32 s10, $0x1;
	s10 =	sld [smem:$0x3FA7];
	_ =	sdelay $0x3  }
0x34: {  	[smem:$0x3FA7] =	sst s10  }
0x35: {  	s10 =	sld [smem:$0x3FA6];
	_ =	sdelay $0x3  }
0x36: {  	p1 =	seq.s32 s10, $0x1;
	s10 =	sld [smem:$0x3FA7];
	_ =	sdelay $0x3  }
0x37: {  	[smem:$0x3FA7] =	sst s10  }
0x38: {  	s10 =	sld [smem:$0x3FA8]  }
0x39: {  	_ = 	snop;
	(pc) =	sbr.ind lr, $3  }
0x3a: {  	_ = 	snop  }
0x3b: {  	_ = 	snop  }
0x3c: {  	p2 =	seq.s32 s10, $0x1;
	s10 =	sld [smem:$0x3FA7]  }
0x3d: {  	_ =	shalt  }
0x3e: {  	_ =	shalt  }
0x3f: {  	_ =	shalt  }
0x40: {  	_ =	shalt  }
0x41: {  	_ =	shalt  }
0x42: {  	_ =	shalt  }
0x43: {  	_ =	shalt  }
0x44: {  	_ =	shalt  }
0x45: {  	_ =	shalt  }
0x46: {  	_ =	shalt  }
0x47: {  	_ =	shalt  }
0x48: {  	_ =	shalt  }
0x49: {  	_ =	shalt  }
0x4a: {  	_ =	shalt  }
0x4b: {  	_ =	shalt  }
0x4c: {  	_ =	shalt  }
0x4d: {  	_ =	shalt  }
0x4e: {  	_ =	shalt  }
0x4f: {  	_ =	shalt  }
0x50: {  	_ =	shalt  }
0x51: {  	_ =	shalt  }
0x52: {  	_ =	shalt  }
0x53: {  	_ =	shalt  }
0x54: {  	_ =	shalt  }
0x55: {  	_ =	shalt  }
0x56: {  	_ =	shalt  }
0x57: {  	_ =	shalt  }
0x58: {  	_ =	shalt  }
0x59: {  	_ =	shalt  }
0x5a: {  	_ =	shalt  }
0x5b: {  	_ =	shalt  }
0x5c: {  	_ =	shalt  }
0x5d: {  	_ =	shalt  }
0x5e: {  	_ =	shalt  }
0x5f: {  	_ =	shalt  }
0x60: {  	_ =	shalt  }
0x61: {  	_ =	shalt  }
0x62: {  	_ =	shalt  }
0x63: {  	_ =	shalt  }
0x64: {  	_ =	shalt  }
0x65: {  	_ =	shalt  }
0x66: {  	_ =	shalt  }
0x67: {  	_ =	shalt  }
0x68: {  	_ =	shalt  }
0x69: {  	_ =	shalt  }
0x6a: {  	_ =	shalt  }
0x6b: {  	_ =	shalt  }
0x6c: {  	_ =	shalt  }
0x6d: {  	_ =	shalt  }
0x6e: {  	_ =	shalt  }
0x6f: {  	_ =	shalt  }
0x70: {  	_ =	shalt  }
0x71: {  	_ =	shalt  }
0x72: {  	_ =	shalt  }
0x73: {  	_ =	shalt  }
0x74: {  	_ =	shalt  }
0x75: {  	_ =	shalt  }
0x76: {  	_ =	shalt  }
0x77: {  	_ =	shalt  }
0x78: {  	_ =	shalt  }
0x79: {  	_ =	shalt  }
0x7a: {  	_ =	shalt  }
0x7b: {  	_ =	shalt  }
0x7c: {  	_ =	shalt  }
0x7d: {  	_ =	shalt  }
0x7e: {  	_ =	shalt  }
0x7f: {  	_ =	shalt  }
0x80: {  	_ =	shalt  }
0x81: {  	_ =	shalt  }
0x82: {  	_ =	shalt  }
0x83: {  	_ =	shalt  }
0x84: {  	_ =	shalt  }
0x85: {  	_ =	shalt  }
0x86: {  	_ =	shalt  }
0x87: {  	_ =	shalt  }
.Lfunc_end0:
.L_simem_size_0:
called_computation_lowered:
.L_overlay_start_0:
0x88: {  	s2 =	sld [smem:$0x3FD9]  }
0x89: {  	s3 =	sld [smem:$0x3FFE];
	_ =	sdelay $0x1  }
0x8a: {  	s1 =	srdreg.scid  }
0x8b: {  	s0 =	sand.u32 $0x1, s1  }
0x8c: {  	s17 =	sshll.u32 s0, $0xA;
	s2 =	sadd.s32 s3, s2  }
0x8d: {  	s2 =	sadd.s32 s2, s17  }
0x8e: {  	[smem:$0x3FB3] =	sst s2  }
0x8f: {  	_ = 	snop  }
0x90: {  	s2 =	sld [smem:$0x3FD0];
	(tm) =	ssettm $0x1  }
0x91: {  	s18 =	sld [smem:$0x3FFB];
	_ =	sdelay $0x3  }
0x92: {  	_ =	strace s18  }
0x93: {  	s3 =	sld [smem:$0x3FFC];
	_ =	sdelay $0x3  }
0x94: {  	_ =	strace s3  }
0x95: {  	s3 =	sld [smem:$0x3FFD];
	_ =	sdelay $0x3  }
0x96: {  	_ =	strace s3  }
0x97: {  	_ =	strace $0x8FFFFFFF  }
0x98: {  	s19 =	sld [smem:$0x3FDB];
	_ =	sdelay $0x1  }
0x99: {  	s4 =	simm.s32 $_scs_section_size  }
0x9a: {  	s5 =	simm.s32 $_size__tile_overlayer_lowered;
	s6 =	simm.s32 $_tile_overlayer_lowered  }
0x9b: {  	s22 =	simm.s32 $0x1BFF;
	s21 =	sshll.u32 s6, $0x1;
	s3 =	sadd.s32 s4, s19  }
0x9c: {  	s7 =	simm.s32 $0x0;
	s20 =	sshll.u32 s5, $0x1;
	s5 =	sadd.s32 s21, s3  }
0x9d: {  	[timem:s7], [sflag:s22] =	dma.local [hbm:s5], s20  }
0x9e: {  	_ =	swait.ge [sflag:s22], s20  }
0x9f: {  	s4 =	ssub.s32 $0x0, s20;
	[sflag:s22] =	ssyncset.done $0x0  }
0xa0: {  	[sflag:s22] =	ssyncadd.s32 s4;
	_ =	sdelay $0x1  }
0xa1: {  	s23 =	simm.s32 $0x1B8B  }
0xa2: {  	_ =	swait.ge [sflag:s23], $0x1  }
0xa3: {  	[sflag:s23] =	ssyncset.done $0x0  }
0xa4: {  	s25 =	simm.s32 $0x1B8E;
	s24 =	sld [smem:$0x3FFE];
	[sflag:s23] =	ssyncadd.s32 $0xFFFFFFFF  }
0xa5: {  	s26 =	simm.s32 $execute0_lowered;
	[smem:$0x3FD2] =	sst s25  }
0xa6: {  	s5 =	sshll.u32 s26, $0x1;
	_ =	strace $0x80000046;
	[dreg:$0x1] =	wrdreg $0xFFFFFFFF  }
0xa7: {  	s28 =	simm.s32 $_size_execute0_lowered;
	s3 =	sadd.s32 s3, s5;
	[dreg:$0x0] =	wrdreg $0x0  }
0xa8: {  	s5 =	sshll.u32 s28, $0x1;
	[dreg:$0x2] =	wrdreg s3  }
0xa9: {  	[dreg:$0x3] =	wrdreg s5  }
0xaa: {  	[dreg:$0x4] =	wrdreg $0xC0  }
0xab: {  	_ =	task [dreg:s7], $0x5FFFF  }
0xac: {  	[dreg:$0x1] =	wrdreg $0xFFFFFFFF  }
0xad: {  	[dreg:$0x0] =	wrdreg $0x60  }
0xae: {  	[dreg:$0x2] =	wrdreg s24  }
0xaf: {  	[dreg:$0x3] =	wrdreg s2  }
0xb0: {  	[dreg:$0x4] =	wrdreg $0x9  }
0xb1: {  	_ =	task.clear_ibuf [dreg:s7], $0x5FFFF;
	_ =	strace $0x90000046  }
0xb2: {  	s29 =	simm.s32 $0x9;
	_ =	strace $0x80000048  }
0xb3: {  	_ =	swait.ge [sflag:s29], $0x1  }
0xb4: {  	[sflag:s29] =	ssyncadd.s32 $0xFFFFFFFF  }
0xb5: {  	_ =	strace $0x90000048  }
0xb6: {  	_ =	sfence  }
0xb7: {  	s30 =	sld [smem:$0x0];
	_ =	sdelay $0x2  }
0xb8: {  	s31 =	sshll.u32 s1, $0xD;
	s1 =	sshrl.u32 s1, $0x2  }
0xb9: {  	s3 =	sand.u32 $0x4000, s31;
	s1 =	sadd.s32 s1, s30  }
0xba: {  	s0 =	sor.u32 s3, s0;
	s1 =	sshll.u32 s1, $0x11  }
0xbb: {  	s0 =	sor.u32 s1, s0  }
0xbc: {  	s0 =	sadd.s32 $0x8F2B, s0  }
0xbd: {  	[sflag:s0] =	ssyncadd.remote.s32 $0x1  }
0xbe: {  	_ =	sfence.sel $0xFFFF  }
0xbf: {  	[dreg:$0x0] =	wrdreg $0xFFFFFFFF;
	(pc) =	sbr.abs _section_cstart, $3  }
0xc0: {  	[dreg:$0x1] =	wrdreg $0xFFFFFFFF  }
0xc1: {  	_ =	task.clear_ibuf [dreg:s7], $0x2FFFF;
	_ =	strace $0x9FFFFFFF  }
0xc2: {  	(tm) =	ssettm $0x7FFFFFFF  }
0xc3: {  	_ =	shalt  }
tec
execute0_lowered:
.L_overlay_start_1:
0x0: {  	(tag) =	ssettag $0x1  }
0x1: {  	s0 =	rddreg [dreg:$0x0]  }
0x2: {  	s1 =	rddreg [dreg:$0x1];
	s3 =	srdreg.scid;
	s2 =	simm.s32 $0x0  }
0x3: {  	s6 =	stileid.u32;
	s18 =	simm.s32 $0x1;
	s28 =	simm.s32 $0x930  }
0x4: {  	s29 =	simm.s32 $0x940;
	s30 =	simm.s32 $0x950;
	s31 =	simm.s32 $0x960  }
0x5: {  	s4 =	sand.u32 $0x1, s3;
	[smem:$0x7FF] =	sst s2;
	s14 =	sshll.u32 s6, $0x5  }
0x6: {  	s3 =	sadd.s32 $0x3200, s0;
	s6 =	sshll.u32 s6, $0x8;
	s5 =	sshll.u32 s4, $0x4  }
0x7: {  	_ =	strace $0x80000047;
	s4 =	ssub.s32 $0x2, s4;
	s10 =	sor.u32 s5, s14  }
0x8: {  	s15 =	sor.u32 $0x70, s14;
	s24 =	sshrl.u32 s4, $0x1;
	s5 =	sshrl.u32 s10, $0x3  }
0x9: {  	s6 =	sor.u32 s6, s10;
	s17 =	ssub.s32 s4, s24;
	s4 =	sadd.s32 $0x3240, s0  }
0xa: {  	s26 =	sand.u32 $0x70, s10;
	s24 =	simm.s32 $0x900;
	s8 =	sadd.s32 s5, s0  }
0xb: {  	s7 =	sand.u32 $0xC70, s6;
	s5 =	sadd.s32 $0x3280, s0;
	s0 =	sshrl.u32 s26, $0x3  }
0xc: {  	s17 =	smax.u32 s17, $0x1;
	s26 =	simm.s32 $0x920;
	s6 =	sadd.s32 $0x3400, s8  }
0xd: {  	s25 =	sshrl.u32 s7, $0x3;
	s7 =	sadd.s32 $0x3440, s8;
	s8 =	sadd.s32 $0x3480, s8  }
0xe: {  	s9 =	sadd.s32 s1, s25;
	s1 =	sadd.s32 s1, s15;
	s25 =	simm.s32 $0x910  }
0xf: {  	s10 =	sadd.s32 $0x10, s9;
	s11 =	sadd.s32 $0x20, s9;
	s12 =	sadd.s32 $0x30, s9  }
0x10: {  	s13 =	sadd.s32 $0x40, s9;
	s14 =	sadd.s32 $0x50, s9;
	s15 =	sadd.s32 $0x60, s9  }
0x11: {  	s16 =	sadd.s32 s0, s1;
	s0 =	simm.s32 $0x970;
	s1 =	simm.s32 $0x0  }
.LBB2_1:
0x12: {  	[tilespmem:s2], [sflag:$0x1] =	stream.linear.gather [hbm4b:s3+s2], $0x200, $0x38;
	[tilespmem:$0x980] =	vst v63  }
0x13: {  	_ =	swait.ge [sflag:s18], $0x200  }
0x14: {  	[sflag:s18] =	ssyncset.done $0x0  }
0x15: {  	s19 =	simm.s32 $0x280;
	[sflag:s18] =	ssyncadd.s32 $0xFFFFFE00  }
0x16: {  	[tilespmem:s19], [sflag:$0x1] =	stream.linear.gather [hbm4b:s4+s2], $0x200, $0x38;
	[tilespmem:$0x980] =	vst v63  }
0x17: {  	_ =	swait.ge [sflag:s18], $0x200  }
0x18: {  	[sflag:s18] =	ssyncset.done $0x0  }
0x19: {  	s20 =	simm.s32 $0x500;
	[sflag:s18] =	ssyncadd.s32 $0xFFFFFE00  }
0x1a: {  	[tilespmem:s20], [sflag:$0x1] =	stream.linear.gather [hbm4b:s5+s2], $0x200, $0x38;
	[tilespmem:$0x980] =	vst v63  }
0x1b: {  	_ =	swait.ge [sflag:s18], $0x200  }
0x1c: {  	[sflag:s18] =	ssyncset.done $0x0  }
0x1d: {  	s21 =	simm.s32 $0x780;
	[sflag:s18] =	ssyncadd.s32 $0xFFFFFE00  }
0x1e: {  	[tilespmem:s21], [sflag:$0x1] =	stream.linear.gather [hbm4b:s6+s2], $0x10, $0x38;
	[tilespmem:$0x980] =	vst v63  }
0x1f: {  	_ =	swait.ge [sflag:s18], $0x10  }
0x20: {  	[sflag:s18] =	ssyncset.done $0x0  }
0x21: {  	s22 =	simm.s32 $0x800;
	[sflag:s18] =	ssyncadd.s32 $0xFFFFFFF0  }
0x22: {  	[tilespmem:s22], [sflag:$0x1] =	stream.linear.gather [hbm4b:s7+s2], $0x10, $0x38;
	[tilespmem:$0x980] =	vst v63  }
0x23: {  	_ =	swait.ge [sflag:s18], $0x10  }
0x24: {  	[sflag:s18] =	ssyncset.done $0x0  }
0x25: {  	s23 =	simm.s32 $0x880;
	[sflag:s18] =	ssyncadd.s32 $0xFFFFFFF0  }
0x26: {  	[tilespmem:s23], [sflag:$0x1] =	stream.linear.gather [hbm4b:s8+s2], $0x10, $0x38;
	[tilespmem:$0x980] =	vst v63  }
0x27: {  	v9 =	vimm.s32 $0x7F7FFFFF;
	_ =	swait.ge [sflag:s18], $0x10  }
0x28: {  	v10 =	vimm.s32 $0x7F7FFFFF;
	v11 =	vimm.s32 $0x7F7FFFFF;
	v12 =	vimm.s32 $0x7F7FFFFF;
	[sflag:s18] =	ssyncset.done $0x0  }
0x29: {  	v13 =	vimm.s32 $0x7F7FFFFF;
	v14 =	vimm.s32 $0x7F7FFFFF;
	v15 =	vimm.s32 $0x7F7FFFFF;
	[sflag:s18] =	ssyncadd.s32 $0xFFFFFFF0  }
0x2a: {  	v19 =	vimm.s32 $0x7F7FFFFF;
	v16 =	vimm.s32 $0x7F7FFFFF;
	v17 =	vimm.s32 $0x7F7FFFFF;
	v0 =	vld [tilespmem:$0x780]  }
0x2b: {  	v18 =	vimm.s32 $0x7F7FFFFF;
	v20 =	vimm.s32 $0x7F7FFFFF;
	v21 =	vimm.s32 $0x7F7FFFFF;
	s19 =	simm.s32 $0x107;
	v1 =	vld [tilespmem:$0x800]  }
0x2c: {  	v22 =	vimm.s32 $0x7F7FFFFF;
	v23 =	vimm.s32 $0x7F7FFFFF;
	v24 =	vimm.s32 $0x7F7FFFFF;
	s20 =	simm.s32 $0x380;
	s21 =	simm.s32 $0x600;
	s22 =	simm.s32 $0x100;
	v2 =	vld [tilespmem:$0x880]  }
.LBB2_2:
0x2d: {  	v4 =	vld [tilespmem:s22+$0xFFFFFF00]  }
0x2e: {  	v5 =	vld [tilespmem:s20+$0xFFFFFF00];
	_ =	sdelay $0x1  }
0x2f: {  	v3 =	vld [tilespmem:s21+$0xFFFFFF00];
	_ =	sdelay $0x2  }
0x30: {  	v6 =	vbroadcast v4, $0x0;
	v7 =	vbroadcast v5, $0x0;
	_ =	sdelay $0x1  }
0x31: {  	v8 =	vbroadcast v3, $0x0;
	v6 =	vsub.f32 v0, v6;
	v7 =	vsub.f32 v1, v7;
	_ =	sdelay $0x1  }
0x32: {  	v8 =	vsub.f32 v2, v8;
	v6 =	vmul.f32 v6, v6;
	v25 =	vmul.f32 v7, v7  }
0x33: {  	v7 =	vld [tilespmem:s22+$0x0]  }
0x34: {  	v6 =	vadd.f32 v25, v6;
	v25 =	vmul.f32 v8, v8  }
0x35: {  	v35 =	vbroadcast v4, $0x1;
	v31 =	vbroadcast v3, $0x1;
	v8 =	vld [tilespmem:s20+$0x0]  }
0x36: {  	v36 =	vbroadcast v5, $0x1;
	v45 =	vbroadcast v5, $0x2;
	v25 =	vadd.f32 v25, v6;
	v6 =	vld [tilespmem:s21+$0x0]  }
0x37: {  	v46 =	vbroadcast v3, $0x2;
	v55 =	vbroadcast v3, $0x3;
	v31 =	vsub.f32 v2, v31  }
0x38: {  	s23 =	sadd.s32 $0xFFFFFEF9, s19;
	v63 =	vbroadcast v3, $0x4;
	v26 =	vbroadcast v7, $0x0;
	v25 =	vand.u32 $0xFFFFFE00, v25  }
0x39: {  	v38 =	vmul.f32 v31, v31;
	v40 =	vbroadcast v7, $0x1;
	v25 =	vor.u32 s23, v25  }
0x3a: {  	v27 =	vbroadcast v8, $0x0;
	v26 =	vsub.f32 v0, v26;
	vm0 =	vgt.s32 v24, v25  }
0x3b: {  	v41 =	vbroadcast v8, $0x1;
	v28 =	vsel vm0, v24, v25;
	v29 =	vbroadcast v6, $0x0  }
0x3c: {  	v27 =	vsub.f32 v1, v27;
	v26 =	vmul.f32 v26, v26;
	v42 =	vbroadcast v6, $0x1  }
0x3d: {  	v24 =	vsel vm0, v25, v24;
	v51 =	vbroadcast v6, $0x2;
	v59 =	vbroadcast v6, $0x3  }
0x3e: {  	vm1 =	vgt.s32 v23, v28;
	v29 =	vsub.f32 v2, v29;
	v27 =	vmul.f32 v27, v27  }
0x3f: {  	v30 =	vsel vm1, v23, v28;
	v23 =	vsel vm1, v28, v23;
	v28 =	vsub.f32 v0, v35  }
0x40: {  	v31 =	vsub.f32 v2, v51;
	v51 =	vbroadcast v8, $0x6;
	vm2 =	vgt.s32 v22, v30  }
0x41: {  	v26 =	vadd.f32 v27, v26;
	v27 =	vmul.f32 v29, v29;
	v34 =	vsel vm2, v22, v30  }
0x42: {  	v22 =	vsel vm2, v30, v22;
	v30 =	vsub.f32 v1, v36;
	v28 =	vmul.f32 v28, v28  }
0x43: {  	v29 =	vsub.f32 v1, v41;
	v36 =	vbroadcast v6, $0x4;
	vm3 =	vgt.s32 v21, v34  }
0x44: {  	v26 =	vadd.f32 v27, v26;
	v25 =	vsel vm3, v21, v34;
	v30 =	vmul.f32 v30, v30  }
0x45: {  	v21 =	vsel vm3, v34, v21;
	v29 =	vmul.f32 v29, v29;
	vm10 =	vgt.s32 v20, v25  }
0x46: {  	s23 =	sadd.s32 $0xFFFFFFF9, s19;
	v26 =	vand.u32 $0xFFFFFE00, v26;
	v27 =	vsel vm10, v20, v25;
	v28 =	vadd.f32 v30, v28  }
0x47: {  	v30 =	vsub.f32 v2, v42;
	v26 =	vor.u32 s23, v26;
	vm12 =	vgt.s32 v18, v27  }
0x48: {  	v20 =	vsel vm10, v25, v20;
	vm11 =	vgt.s32 v19, v26;
	v25 =	vsel vm12, v18, v27  }
0x49: {  	v18 =	vsel vm12, v27, v18;
	v28 =	vadd.f32 v38, v28;
	v43 =	vmul.f32 v30, v30  }
0x4a: {  	v30 =	vsub.f32 v2, v55;
	v37 =	vsel vm11, v19, v26;
	vm14 =	vgt.s32 v17, v25  }
0x4b: {  	vm13 =	vgt.s32 v15, v37;
	v39 =	vsel vm14, v25, v17;
	v17 =	vsel vm14, v17, v25  }
0x4c: {  	v27 =	vsel vm13, v15, v37;
	vm2 =	vlt.s32 v16, v17;
	v15 =	vsel vm13, v37, v15  }
0x4d: {  	vm15 =	vgt.s32 v14, v27;
	v16 =	vsel vm2, v16, v17;
	v17 =	vsel vm11, v26, v19  }
0x4e: {  	s23 =	sadd.s32 $0xFFFFFEFA, s19;
	v26 =	vand.u32 $0xFFFFFE00, v28;
	v28 =	vsub.f32 v0, v40;
	v40 =	vbroadcast v3, $0x5  }
0x4f: {  	v25 =	vsel vm15, v14, v27;
	v14 =	vsel vm15, v27, v14;
	v26 =	vor.u32 s23, v26  }
0x50: {  	vm4 =	vgt.s32 v13, v25;
	vm8 =	vgt.s32 v24, v26;
	v28 =	vmul.f32 v28, v28  }
0x51: {  	v19 =	vsel vm4, v13, v25;
	v13 =	vsel vm4, v25, v13;
	v25 =	vsel vm8, v24, v26  }
0x52: {  	vm7 =	vgt.s32 v12, v19;
	v28 =	vadd.f32 v29, v28;
	v29 =	vsub.f32 v2, v46  }
0x53: {  	vm10 =	vgt.s32 v23, v25;
	v27 =	vsel vm7, v12, v19;
	v12 =	vsel vm7, v19, v12  }
0x54: {  	vm9 =	vgt.s32 v11, v27;
	v28 =	vadd.f32 v43, v28;
	v47 =	vmul.f32 v29, v29  }
0x55: {  	v29 =	vsub.f32 v2, v59;
	v19 =	vsel vm9, v11, v27;
	v11 =	vsel vm9, v27, v11  }
0x56: {  	v27 =	vsel vm10, v23, v25;
	v23 =	vsel vm10, v25, v23;
	vm11 =	vgt.s32 v10, v19  }
0x57: {  	vm12 =	vgt.s32 v22, v27;
	v25 =	vand.u32 $0xFFFFFE00, v28;
	v28 =	vsub.f32 v1, v45  }
0x58: {  	s23 =	sadd.s32 $0xFFFFFFFA, s19;
	v44 =	vsel vm11, v19, v10;
	v10 =	vsel vm11, v10, v19;
	v19 =	vsel vm12, v22, v27  }
0x59: {  	v22 =	vsel vm12, v27, v22;
	v25 =	vor.u32 s23, v25;
	v27 =	vbroadcast v4, $0x2  }
0x5a: {  	vm2 =	vlt.s32 v9, v10;
	vm13 =	vgt.s32 v21, v19;
	vm15 =	vgt.s32 v17, v25  }
0x5b: {  	v9 =	vsel vm2, v9, v10;
	v10 =	vsel vm8, v26, v24;
	v24 =	vsel vm13, v21, v19  }
0x5c: {  	v28 =	vmul.f32 v28, v28;
	v27 =	vsub.f32 v0, v27;
	vm14 =	vgt.s32 v20, v24  }
0x5d: {  	v19 =	vsel vm13, v19, v21;
	v21 =	vsel vm15, v17, v25;
	v26 =	vsel vm14, v20, v24  }
0x5e: {  	v17 =	vsel vm15, v25, v17;
	v27 =	vmul.f32 v27, v27;
	vm7 =	vgt.s32 v18, v26  }
0x5f: {  	vm8 =	vgt.s32 v15, v21;
	v20 =	vsel vm14, v24, v20;
	v24 =	vsel vm7, v18, v26  }
0x60: {  	v18 =	vsel vm7, v26, v18;
	v26 =	vsel vm8, v15, v21;
	v27 =	vadd.f32 v28, v27  }
0x61: {  	v15 =	vsel vm8, v21, v15;
	v28 =	vsub.f32 v1, v51;
	vm9 =	vgt.s32 v39, v24  }
0x62: {  	vm10 =	vgt.s32 v14, v26;
	v48 =	vsel vm9, v24, v39;
	v24 =	vsel vm9, v39, v24  }
0x63: {  	v49 =	vsel vm10, v14, v26;
	v27 =	vadd.f32 v47, v27;
	v14 =	vsel vm10, v26, v14  }
0x64: {  	v26 =	vbroadcast v7, $0x2;
	vm2 =	vlt.s32 v16, v24;
	vm11 =	vgt.s32 v13, v49  }
0x65: {  	v28 =	vmul.f32 v28, v28;
	v16 =	vsel vm2, v16, v24;
	v24 =	vsel vm11, v13, v49  }
0x66: {  	s23 =	sadd.s32 $0xFFFFFEFB, s19;
	v21 =	vand.u32 $0xFFFFFE00, v27;
	v27 =	vbroadcast v8, $0x2;
	v13 =	vsel vm11, v49, v13  }
0x67: {  	v26 =	vsub.f32 v0, v26;
	vm12 =	vgt.s32 v12, v24;
	v21 =	vor.u32 s23, v21  }
0x68: {  	v25 =	vsel vm12, v12, v24;
	vm13 =	vgt.s32 v10, v21;
	v27 =	vsub.f32 v1, v27  }
0x69: {  	v12 =	vsel vm12, v24, v12;
	v26 =	vmul.f32 v26, v26;
	vm14 =	vgt.s32 v11, v25  }
0x6a: {  	v50 =	vsel vm13, v10, v21;
	v10 =	vsel vm13, v21, v10;
	v24 =	vsel vm14, v11, v25  }
0x6b: {  	vm15 =	vgt.s32 v23, v50;
	v27 =	vmul.f32 v27, v27;
	v11 =	vsel vm14, v25, v11  }
0x6c: {  	vm7 =	vgt.s32 v44, v24;
	v25 =	vsel vm15, v23, v50;
	v23 =	vsel vm15, v50, v23  }
0x6d: {  	vm8 =	vgt.s32 v22, v25;
	v26 =	vadd.f32 v27, v26;
	v27 =	vmul.f32 v31, v31  }
0x6e: {  	v52 =	vsel vm7, v24, v44;
	v24 =	vsel vm7, v44, v24;
	v31 =	vsub.f32 v2, v63  }
0x6f: {  	v44 =	vbroadcast v6, $0x5;
	v53 =	vsel vm8, v22, v25;
	vm2 =	vlt.s32 v9, v24  }
0x70: {  	v22 =	vsel vm8, v25, v22;
	vm9 =	vgt.s32 v19, v53;
	v26 =	vadd.f32 v27, v26  }
0x71: {  	v9 =	vsel vm2, v9, v24;
	v27 =	vbroadcast v5, $0x3;
	v21 =	vsel vm9, v19, v53  }
0x72: {  	s23 =	sadd.s32 $0xFFFFFFFB, s19;
	v19 =	vsel vm9, v53, v19;
	vm10 =	vgt.s32 v20, v21;
	v24 =	vand.u32 $0xFFFFFE00, v26  }
0x73: {  	v26 =	vbroadcast v4, $0x3;
	v27 =	vsub.f32 v1, v27;
	v24 =	vor.u32 s23, v24  }
0x74: {  	v25 =	vsel vm10, v20, v21;
	v20 =	vsel vm10, v21, v20;
	vm11 =	vgt.s32 v17, v24  }
0x75: {  	vm12 =	vgt.s32 v18, v25;
	v26 =	vsub.f32 v0, v26;
	v27 =	vmul.f32 v27, v27  }
0x76: {  	v54 =	vsel vm11, v17, v24;
	v21 =	vsel vm12, v18, v25;
	v18 =	vsel vm12, v25, v18  }
0x77: {  	v17 =	vsel vm11, v24, v17;
	vm13 =	vgt.s32 v15, v54;
	vm14 =	vgt.s32 v48, v21  }
0x78: {  	v26 =	vmul.f32 v26, v26;
	v25 =	vsel vm13, v15, v54;
	v56 =	vsel vm14, v21, v48  }
0x79: {  	v21 =	vsel vm14, v48, v21;
	v15 =	vsel vm13, v54, v15;
	v48 =	vbroadcast v3, $0x6  }
0x7a: {  	v3 =	vbroadcast v3, $0x7;
	vm15 =	vgt.s32 v14, v25;
	v26 =	vadd.f32 v27, v26  }
0x7b: {  	v27 =	vmul.f32 v30, v30;
	vm2 =	vlt.s32 v16, v21;
	v30 =	vsub.f32 v2, v36  }
0x7c: {  	v57 =	vsel vm15, v14, v25;
	v16 =	vsel vm2, v16, v21;
	v14 =	vsel vm15, v25, v14  }
0x7d: {  	v3 =	vsub.f32 v2, v3;
	vm8 =	vgt.s32 v13, v57;
	v26 =	vadd.f32 v27, v26  }
0x7e: {  	v27 =	vbroadcast v8, $0x3;
	v21 =	vsel vm8, v13, v57;
	v13 =	vsel vm8, v57, v13  }
0x7f: {  	s23 =	sadd.s32 $0xFFFFFEFC, s19;
	v3 =	vmul.f32 v3, v3;
	vm9 =	vgt.s32 v12, v21;
	v24 =	vand.u32 $0xFFFFFE00, v26  }
0x80: {  	v26 =	vbroadcast v7, $0x3;
	v27 =	vsub.f32 v1, v27;
	v24 =	vor.u32 s23, v24  }
0x81: {  	v25 =	vsel vm9, v12, v21;
	v12 =	vsel vm9, v21, v12;
	vm10 =	vgt.s32 v10, v24  }
0x82: {  	vm11 =	vgt.s32 v11, v25;
	v26 =	vsub.f32 v0, v26;
	v27 =	vmul.f32 v27, v27  }
0x83: {  	v58 =	vsel vm10, v10, v24;
	v21 =	vsel vm11, v11, v25;
	v11 =	vsel vm11, v25, v11  }
0x84: {  	v10 =	vsel vm10, v24, v10;
	vm12 =	vgt.s32 v23, v58;
	vm13 =	vgt.s32 v52, v21  }
0x85: {  	v26 =	vmul.f32 v26, v26;
	v25 =	vsel vm12, v23, v58;
	v60 =	vsel vm13, v21, v52  }
0x86: {  	v21 =	vsel vm13, v52, v21;
	v23 =	vsel vm12, v58, v23;
	vm14 =	vgt.s32 v22, v25  }
0x87: {  	v26 =	vadd.f32 v27, v26;
	v27 =	vmul.f32 v29, v29;
	vm2 =	vlt.s32 v9, v21  }
0x88: {  	v29 =	vsub.f32 v2, v40;
	v61 =	vsel vm14, v22, v25;
	v9 =	vsel vm2, v9, v21  }
0x89: {  	v22 =	vsel vm14, v25, v22;
	vm15 =	vgt.s32 v19, v61;
	v26 =	vadd.f32 v27, v26  }
0x8a: {  	v27 =	vbroadcast v5, $0x4;
	v21 =	vsel vm15, v19, v61;
	v19 =	vsel vm15, v61, v19  }
0x8b: {  	s23 =	sadd.s32 $0xFFFFFFFC, s19;
	vm7 =	vgt.s32 v20, v21;
	v24 =	vand.u32 $0xFFFFFE00, v26;
	v26 =	vbroadcast v4, $0x4  }
0x8c: {  	v27 =	vsub.f32 v1, v27;
	v25 =	vsel vm7, v20, v21;
	v24 =	vor.u32 s23, v24  }
0x8d: {  	v20 =	vsel vm7, v21, v20;
	vm8 =	vgt.s32 v17, v24;
	vm9 =	vgt.s32 v18, v25  }
0x8e: {  	v26 =	vsub.f32 v0, v26;
	v27 =	vmul.f32 v27, v27;
	v62 =	vsel vm8, v17, v24  }
0x8f: {  	v21 =	vsel vm9, v18, v25;
	v18 =	vsel vm9, v25, v18;
	v17 =	vsel vm8, v24, v17  }
0x90: {  	vm10 =	vgt.s32 v15, v62;
	v26 =	vmul.f32 v26, v26;
	vm11 =	vgt.s32 v56, v21  }
0x91: {  	v25 =	vsel vm10, v15, v62;
	v33 =	vsel vm11, v21, v56;
	v21 =	vsel vm11, v56, v21  }
0x92: {  	v15 =	vsel vm10, v62, v15;
	vm12 =	vgt.s32 v14, v25;
	v26 =	vadd.f32 v27, v26  }
0x93: {  	v27 =	vmul.f32 v31, v31;
	vm2 =	vlt.s32 v16, v21;
	v34 =	vsel vm12, v14, v25  }
0x94: {  	v31 =	vsub.f32 v2, v44;
	v16 =	vsel vm2, v16, v21;
	vm13 =	vgt.s32 v13, v34  }
0x95: {  	v26 =	vadd.f32 v27, v26;
	v27 =	vbroadcast v8, $0x4;
	v21 =	vsel vm13, v13, v34  }
0x96: {  	v14 =	vsel vm12, v25, v14;
	v13 =	vsel vm13, v34, v13;
	vm14 =	vgt.s32 v12, v21  }
0x97: {  	s23 =	sadd.s32 $0xFFFFFEFD, s19;
	v24 =	vand.u32 $0xFFFFFE00, v26;
	v26 =	vbroadcast v7, $0x4;
	v27 =	vsub.f32 v1, v27  }
0x98: {  	v25 =	vsel vm14, v12, v21;
	v24 =	vor.u32 s23, v24;
	v12 =	vsel vm14, v21, v12  }
0x99: {  	vm15 =	vgt.s32 v10, v24;
	vm7 =	vgt.s32 v11, v25;
	v26 =	vsub.f32 v0, v26  }
0x9a: {  	v27 =	vmul.f32 v27, v27;
	v35 =	vsel vm15, v10, v24;
	v21 =	vsel vm7, v11, v25  }
0x9b: {  	v11 =	vsel vm7, v25, v11;
	v10 =	vsel vm15, v24, v10;
	vm8 =	vgt.s32 v23, v35  }
0x9c: {  	v26 =	vmul.f32 v26, v26;
	vm9 =	vgt.s32 v60, v21;
	v25 =	vsel vm8, v23, v35  }
0x9d: {  	v37 =	vsel vm9, v21, v60;
	v21 =	vsel vm9, v60, v21;
	v23 =	vsel vm8, v35, v23  }
0x9e: {  	vm10 =	vgt.s32 v22, v25;
	v26 =	vadd.f32 v27, v26;
	v27 =	vmul.f32 v30, v30  }
0x9f: {  	vm2 =	vlt.s32 v9, v21;
	v30 =	vsub.f32 v2, v48;
	v38 =	vsel vm10, v22, v25  }
0xa0: {  	v9 =	vsel vm2, v9, v21;
	vm11 =	vgt.s32 v19, v38;
	v26 =	vadd.f32 v27, v26  }
0xa1: {  	v22 =	vsel vm10, v25, v22;
	v27 =	vbroadcast v5, $0x5;
	v21 =	vsel vm11, v19, v38  }
0xa2: {  	s23 =	sadd.s32 $0xFFFFFFFD, s19;
	v19 =	vsel vm11, v38, v19;
	vm12 =	vgt.s32 v20, v21;
	v24 =	vand.u32 $0xFFFFFE00, v26  }
0xa3: {  	v26 =	vbroadcast v4, $0x5;
	v27 =	vsub.f32 v1, v27;
	v24 =	vor.u32 s23, v24  }
0xa4: {  	v25 =	vsel vm12, v20, v21;
	v20 =	vsel vm12, v21, v20;
	vm13 =	vgt.s32 v17, v24  }
0xa5: {  	vm14 =	vgt.s32 v18, v25;
	v26 =	vsub.f32 v0, v26;
	v27 =	vmul.f32 v27, v27  }
0xa6: {  	v39 =	vsel vm13, v17, v24;
	v21 =	vsel vm14, v18, v25;
	v18 =	vsel vm14, v25, v18  }
0xa7: {  	v17 =	vsel vm13, v24, v17;
	vm15 =	vgt.s32 v15, v39;
	vm7 =	vgt.s32 v33, v21  }
0xa8: {  	v26 =	vmul.f32 v26, v26;
	v25 =	vsel vm15, v15, v39;
	v41 =	vsel vm7, v21, v33  }
0xa9: {  	v21 =	vsel vm7, v33, v21;
	v15 =	vsel vm15, v39, v15;
	vm8 =	vgt.s32 v14, v25  }
0xaa: {  	v26 =	vadd.f32 v27, v26;
	v27 =	vmul.f32 v29, v29;
	vm2 =	vlt.s32 v16, v21  }
0xab: {  	v42 =	vsel vm8, v14, v25;
	v16 =	vsel vm2, v16, v21;
	v14 =	vsel vm8, v25, v14  }
0xac: {  	vm9 =	vgt.s32 v13, v42;
	v26 =	vadd.f32 v27, v26;
	v27 =	vbroadcast v8, $0x5  }
0xad: {  	v8 =	vbroadcast v8, $0x7;
	v21 =	vsel vm9, v13, v42;
	v13 =	vsel vm9, v42, v13  }
0xae: {  	s23 =	sadd.s32 $0xFFFFFEFE, s19;
	vm10 =	vgt.s32 v12, v21;
	v24 =	vand.u32 $0xFFFFFE00, v26;
	v26 =	vbroadcast v7, $0x5  }
0xaf: {  	v27 =	vsub.f32 v1, v27;
	v8 =	vsub.f32 v1, v8;
	v24 =	vor.u32 s23, v24  }
0xb0: {  	v25 =	vsel vm10, v12, v21;
	v12 =	vsel vm10, v21, v12;
	vm11 =	vgt.s32 v10, v24  }
0xb1: {  	vm12 =	vgt.s32 v11, v25;
	v26 =	vsub.f32 v0, v26;
	v27 =	vmul.f32 v27, v27  }
0xb2: {  	v58 =	vmul.f32 v8, v8;
	v43 =	vsel vm11, v10, v24;
	v21 =	vsel vm12, v11, v25  }
0xb3: {  	v11 =	vsel vm12, v25, v11;
	v10 =	vsel vm11, v24, v10;
	vm13 =	vgt.s32 v23, v43  }
0xb4: {  	v26 =	vmul.f32 v26, v26;
	vm14 =	vgt.s32 v37, v21;
	v25 =	vsel vm13, v23, v43  }
0xb5: {  	v45 =	vsel vm14, v21, v37;
	v21 =	vsel vm14, v37, v21;
	vm15 =	vgt.s32 v22, v25  }
0xb6: {  	v26 =	vadd.f32 v27, v26;
	v27 =	vmul.f32 v31, v31;
	vm2 =	vlt.s32 v9, v21  }
0xb7: {  	v23 =	vsel vm13, v43, v23;
	v46 =	vsel vm15, v22, v25;
	v9 =	vsel vm2, v9, v21  }
0xb8: {  	v22 =	vsel vm15, v25, v22;
	vm8 =	vgt.s32 v19, v46;
	v26 =	vadd.f32 v27, v26  }
0xb9: {  	v27 =	vbroadcast v5, $0x6;
	v5 =	vbroadcast v5, $0x7;
	v21 =	vsel vm8, v19, v46  }
0xba: {  	v19 =	vsel vm8, v46, v19;
	vm9 =	vgt.s32 v20, v21;
	v24 =	vand.u32 $0xFFFFFE00, v26  }
0xbb: {  	s23 =	sadd.s32 $0xFFFFFFFE, s19;
	v26 =	vbroadcast v4, $0x6;
	v27 =	vsub.f32 v1, v27;
	v4 =	vbroadcast v4, $0x7  }
0xbc: {  	v5 =	vsub.f32 v1, v5;
	v25 =	vsel vm9, v20, v21;
	v24 =	vor.u32 s23, v24  }
0xbd: {  	v20 =	vsel vm9, v21, v20;
	vm10 =	vgt.s32 v17, v24;
	vm11 =	vgt.s32 v18, v25  }
0xbe: {  	v26 =	vsub.f32 v0, v26;
	v27 =	vmul.f32 v27, v27;
	v4 =	vsub.f32 v0, v4  }
0xbf: {  	v5 =	vmul.f32 v5, v5;
	v47 =	vsel vm10, v17, v24;
	v21 =	vsel vm11, v18, v25  }
0xc0: {  	v18 =	vsel vm11, v25, v18;
	v17 =	vsel vm10, v24, v17;
	vm12 =	vgt.s32 v15, v47  }
0xc1: {  	v26 =	vmul.f32 v26, v26;
	vm13 =	vgt.s32 v41, v21;
	v4 =	vmul.f32 v4, v4  }
0xc2: {  	v25 =	vsel vm12, v15, v47;
	v49 =	vsel vm13, v21, v41;
	v21 =	vsel vm13, v41, v21  }
0xc3: {  	v15 =	vsel vm12, v47, v15;
	v26 =	vadd.f32 v27, v26;
	v27 =	vmul.f32 v30, v30  }
0xc4: {  	vm14 =	vgt.s32 v14, v25;
	vm2 =	vlt.s32 v16, v21;
	v4 =	vadd.f32 v5, v4  }
0xc5: {  	v50 =	vsel vm14, v14, v25;
	v16 =	vsel vm2, v16, v21;
	v26 =	vadd.f32 v27, v26  }
0xc6: {  	v14 =	vsel vm14, v25, v14;
	vm15 =	vgt.s32 v13, v50;
	v27 =	vbroadcast v7, $0x6  }
0xc7: {  	s23 =	sadd.s32 $0xFFFFFEFF, s19;
	v7 =	vbroadcast v7, $0x7;
	v3 =	vadd.f32 v3, v4;
	v24 =	vand.u32 $0xFFFFFE00, v26  }
0xc8: {  	v21 =	vsel vm15, v13, v50;
	v13 =	vsel vm15, v50, v13;
	v24 =	vor.u32 s23, v24  }
0xc9: {  	vm7 =	vgt.s32 v12, v21;
	v27 =	vsub.f32 v0, v27;
	vm9 =	vgt.s32 v10, v24  }
0xca: {  	v7 =	vsub.f32 v0, v7;
	v25 =	vsel vm7, v12, v21;
	v26 =	vsel vm9, v10, v24  }
0xcb: {  	v3 =	vand.u32 $0xFFFFFE00, v3;
	vm8 =	vgt.s32 v11, v25;
	vm10 =	vgt.s32 v23, v26  }
0xcc: {  	v12 =	vsel vm7, v21, v12;
	v21 =	vsel vm8, v25, v11;
	v52 =	vsel vm10, v23, v26  }
0xcd: {  	v11 =	vsel vm8, v11, v25;
	v25 =	vbroadcast v6, $0x6;
	vm11 =	vgt.s32 v22, v52  }
0xce: {  	v27 =	vmul.f32 v27, v27;
	v57 =	vmul.f32 v7, v7;
	v32 =	vsel vm11, v22, v52  }
0xcf: {  	v10 =	vsel vm9, v24, v10;
	v25 =	vsub.f32 v2, v25;
	vm13 =	vgt.s32 v19, v32  }
0xd0: {  	v6 =	vbroadcast v6, $0x7;
	vm12 =	vgt.s32 v45, v11;
	v53 =	vsel vm13, v19, v32  }
0xd1: {  	v27 =	vadd.f32 v28, v27;
	v25 =	vmul.f32 v25, v25;
	vm6 =	vgt.s32 v20, v53  }
0xd2: {  	v33 =	vsel vm12, v45, v11;
	v11 =	vsel vm12, v11, v45;
	v54 =	vsel vm6, v20, v53  }
0xd3: {  	v23 =	vsel vm10, v26, v23;
	v24 =	vadd.f32 v25, v27;
	vm14 =	vgt.s32 v18, v54  }
0xd4: {  	v56 =	vsub.f32 v2, v6;
	v6 =	vadd.f32 v58, v57;
	v25 =	vsel vm14, v18, v54  }
0xd5: {  	s23 =	sadd.s32 $0xFFFFFFFF, s19;
	vm5 =	vlt.s32 v9, v33;
	v24 =	vand.u32 $0xFFFFFE00, v24;
	vm15 =	vgt.s32 v49, v25  }
0xd6: {  	v5 =	vmul.f32 v56, v56;
	v24 =	vor.u32 s23, v24;
	v26 =	vsel vm15, v49, v25  }
0xd7: {  	v9 =	vsel vm5, v9, v33;
	vm5 =	vgt.s32 v17, v24;
	vm4 =	vlt.s32 v16, v26  }
0xd8: {  	v5 =	vadd.f32 v5, v6;
	v16 =	vsel vm4, v16, v26;
	v26 =	vsel vm5, v17, v24  }
0xd9: {  	v22 =	vsel vm11, v52, v22;
	v20 =	vsel vm6, v53, v20;
	vm6 =	vgt.s32 v15, v26  }
0xda: {  	v5 =	vand.u32 $0xFFFFFE00, v5;
	v55 =	vsel vm6, v26, v15;
	v15 =	vsel vm6, v15, v26  }
0xdb: {  	v19 =	vsel vm13, v32, v19;
	s23 =	sadd.s32 $0xFFFFFF00, s19;
	v5 =	vor.u32 s19, v5;
	vm0 =	vgt.s32 v14, v15  }
0xdc: {  	v3 =	vor.u32 s23, v3;
	v27 =	vsel vm5, v24, v17;
	v17 =	vsel vm0, v14, v15  }
0xdd: {  	v18 =	vsel vm14, v54, v18;
	vm10 =	vgt.s32 v10, v3;
	vm7 =	vgt.s32 v13, v17  }
0xde: {  	v25 =	vsel vm15, v25, v49;
	v24 =	vsel vm10, v3, v10;
	v59 =	vsel vm7, v13, v17  }
0xdf: {  	v8 =	vsel vm0, v15, v14;
	v60 =	vsel vm7, v17, v13;
	vm8 =	vgt.s32 v12, v59  }
0xe0: {  	v13 =	vsel vm8, v12, v59;
	v4 =	vsel vm8, v59, v12;
	v12 =	vsel vm10, v10, v3  }
0xe1: {  	vm0 =	vgt.s32 v27, v5;
	vm9 =	vgt.s32 v21, v13;
	vm11 =	vgt.s32 v23, v12  }
0xe2: {  	v61 =	vsel vm9, v13, v21;
	v13 =	vsel vm9, v21, v13;
	v14 =	vsel vm11, v23, v12  }
0xe3: {  	v15 =	vsel vm0, v27, v5;
	vm3 =	vgt.s32 v11, v13;
	vm12 =	vgt.s32 v22, v14  }
0xe4: {  	v26 =	vsel vm3, v13, v11;
	v11 =	vsel vm3, v11, v13;
	vm3 =	vgt.s32 v55, v15  }
0xe5: {  	v13 =	vsel vm12, v22, v14;
	vm5 =	vlt.s32 v9, v11;
	v62 =	vsel vm3, v55, v15  }
0xe6: {  	vm13 =	vgt.s32 v19, v13;
	v9 =	vsel vm5, v9, v11;
	vm5 =	vgt.s32 v8, v62  }
0xe7: {  	v23 =	vsel vm11, v12, v23;
	v11 =	vsel vm13, v19, v13;
	v3 =	vsel vm5, v8, v62  }
0xe8: {  	v22 =	vsel vm12, v14, v22;
	vm14 =	vgt.s32 v20, v11;
	vm15 =	vgt.s32 v60, v3  }
0xe9: {  	v15 =	vsel vm3, v15, v55;
	v10 =	vsel vm14, v20, v11;
	v12 =	vsel vm15, v60, v3  }
0xea: {  	v21 =	vsel vm13, v13, v19;
	vm9 =	vgt.s32 v18, v10;
	vm10 =	vgt.s32 v4, v12  }
0xeb: {  	v20 =	vsel vm14, v11, v20;
	v13 =	vsel vm9, v18, v10;
	v11 =	vsel vm10, v4, v12  }
0xec: {  	p0 =	sne.s32 s19, $0x1FF;
	v18 =	vsel vm9, v10, v18;
	vm11 =	vgt.s32 v25, v13;
	vm12 =	vgt.s32 v61, v11  }
.Ltmp0:
0xed: {  	v10 =	vsel vm11, v25, v13;
	v17 =	vsel vm11, v13, v25;
	v25 =	vsel vm12, v61, v11;
	(pc) =	sbr.rel @p0 .LBB2_2-.Ltmp0, $4  }
0xee: {  	v19 =	vsel vm0, v5, v27;
	v14 =	vsel vm5, v62, v8;
	vm14 =	vgt.s32 v26, v25  }
0xef: {  	v12 =	vsel vm10, v12, v4;
	v13 =	vsel vm15, v3, v60;
	v63 =	vsel vm14, v26, v25  }
0xf0: {  	s22 =	sadd.s32 $0x8, s22;
	vm13 =	vlt.s32 v16, v10;
	v11 =	vsel vm12, v11, v61;
	vm15 =	vlt.s32 v9, v63  }
0xf1: {  	s20 =	sadd.s32 $0x8, s20;
	s21 =	sadd.s32 $0x8, s21;
	s19 =	sadd.s32 $0x8, s19;
	v16 =	vsel vm13, v16, v10;
	v10 =	vsel vm14, v25, v26;
	v9 =	vsel vm15, v9, v63  }
0xf2: {  	vm0 =	vgt.s32 v24, v19  }
0xf3: {  	v0 =	vsel vm0, v24, v19  }
0xf4: {  	v3 =	vsel vm0, v19, v24;
	vm1 =	vgt.s32 v23, v0  }
0xf5: {  	vm3 =	vgt.s32 v3, v15;
	v1 =	vsel vm1, v23, v0;
	v0 =	vsel vm1, v0, v23  }
0xf6: {  	v5 =	vsel vm3, v3, v15;
	v3 =	vsel vm3, v15, v3;
	vm2 =	vgt.s32 v22, v1  }
0xf7: {  	vm9 =	vgt.s32 v0, v5;
	vm4 =	vgt.s32 v3, v14;
	v2 =	vsel vm2, v22, v1  }
0xf8: {  	v1 =	vsel vm2, v1, v22;
	v7 =	vsel vm9, v0, v5;
	v0 =	vsel vm9, v5, v0  }
0xf9: {  	v62 =	vsel vm4, v3, v14;
	v3 =	vsel vm4, v14, v3;
	vm7 =	vgt.s32 v21, v2  }
0xfa: {  	vm11 =	vgt.s32 v1, v7;
	vm2 =	vgt.s32 v0, v62;
	v4 =	vsel vm7, v21, v2  }
0xfb: {  	v2 =	vsel vm7, v2, v21;
	v58 =	vsel vm11, v1, v7;
	vm8 =	vgt.s32 v20, v4  }
0xfc: {  	v1 =	vsel vm11, v7, v1;
	vm13 =	vgt.s32 v2, v58;
	v6 =	vsel vm8, v20, v4  }
0xfd: {  	v4 =	vsel vm8, v4, v20;
	v60 =	vsel vm13, v2, v58;
	v2 =	vsel vm13, v58, v2  }
0xfe: {  	v20 =	vsel vm2, v0, v62;
	v0 =	vsel vm2, v62, v0;
	vm13 =	vgt.s32 v3, v13  }
0xff: {  	vm10 =	vgt.s32 v18, v6;
	vm15 =	vgt.s32 v4, v60;
	vm9 =	vgt.s32 v1, v20  }
0x100: {  	v25 =	vsel vm13, v3, v13;
	v3 =	vsel vm13, v13, v3;
	v8 =	vsel vm10, v18, v6  }
0x101: {  	v6 =	vsel vm10, v6, v18;
	v61 =	vsel vm15, v4, v60;
	v4 =	vsel vm15, v60, v4  }
0x102: {  	v22 =	vsel vm9, v1, v20;
	v1 =	vsel vm9, v20, v1;
	vm15 =	vgt.s32 v0, v25  }
0x103: {  	vm9 =	vgt.s32 v3, v12;
	vm12 =	vgt.s32 v17, v8;
	vm7 =	vgt.s32 v6, v61  }
0x104: {  	vm11 =	vgt.s32 v2, v22;
	v27 =	vsel vm15, v0, v25;
	v0 =	vsel vm15, v25, v0  }
0x105: {  	v13 =	vsel vm9, v3, v12;
	v3 =	vsel vm9, v12, v3;
	v59 =	vsel vm12, v8, v17  }
0x106: {  	v8 =	vsel vm12, v17, v8;
	v63 =	vsel vm7, v6, v61;
	v5 =	vsel vm7, v61, v6  }
0x107: {  	v23 =	vsel vm11, v2, v22;
	v2 =	vsel vm11, v22, v2;
	vm7 =	vgt.s32 v1, v27  }
0x108: {  	vm11 =	vgt.s32 v0, v13;
	vm9 =	vgt.s32 v3, v11;
	vm14 =	vlt.s32 v16, v8  }
0x109: {  	vm8 =	vgt.s32 v59, v63;
	vm12 =	vgt.s32 v4, v23;
	v29 =	vsel vm7, v1, v27  }
0x10a: {  	v1 =	vsel vm7, v27, v1;
	v32 =	vsel vm11, v0, v13;
	v0 =	vsel vm11, v13, v0  }
0x10b: {  	v38 =	vsel vm9, v3, v11;
	v3 =	vsel vm9, v11, v3;
	v8 =	vsel vm14, v16, v8  }
0x10c: {  	v21 =	vsel vm8, v59, v63;
	v7 =	vsel vm8, v63, v59;
	v24 =	vsel vm12, v4, v23  }
0x10d: {  	v4 =	vsel vm12, v23, v4;
	vm8 =	vgt.s32 v2, v29;
	vm13 =	vgt.s32 v1, v32  }
0x10e: {  	vm11 =	vgt.s32 v0, v38;
	vm10 =	vlt.s32 v8, v21;
	vm14 =	vgt.s32 v5, v24  }
0x10f: {  	v30 =	vsel vm8, v2, v29;
	v2 =	vsel vm8, v29, v2;
	v34 =	vsel vm13, v1, v32  }
0x110: {  	v1 =	vsel vm13, v32, v1;
	v40 =	vsel vm11, v0, v38;
	v0 =	vsel vm11, v38, v0  }
0x111: {  	v6 =	vsel vm10, v8, v21;
	v26 =	vsel vm14, v5, v24;
	v5 =	vsel vm14, v24, v5  }
0x112: {  	vm10 =	vgt.s32 v4, v30;
	vm15 =	vgt.s32 v2, v34;
	vm13 =	vgt.s32 v1, v40  }
0x113: {  	vm6 =	vgt.s32 v7, v26;
	v31 =	vsel vm10, v4, v30;
	v4 =	vsel vm10, v30, v4  }
0x114: {  	v36 =	vsel vm15, v2, v34;
	v2 =	vsel vm15, v34, v2;
	v42 =	vsel vm13, v1, v40  }
0x115: {  	v1 =	vsel vm13, v40, v1;
	v28 =	vsel vm6, v26, v7;
	v7 =	vsel vm6, v7, v26  }
0x116: {  	vm12 =	vgt.s32 v5, v31;
	vm8 =	vgt.s32 v4, v36;
	vm15 =	vgt.s32 v2, v42  }
0x117: {  	vm6 =	vgt.s32 v3, v10;
	vm0 =	vlt.s32 v6, v7;
	v33 =	vsel vm12, v5, v31  }
0x118: {  	v5 =	vsel vm12, v31, v5;
	v37 =	vsel vm8, v4, v36;
	v4 =	vsel vm8, v36, v4  }
0x119: {  	v43 =	vsel vm15, v2, v42;
	v2 =	vsel vm15, v42, v2;
	v45 =	vsel vm6, v3, v10  }
0x11a: {  	v3 =	vsel vm6, v10, v3;
	v6 =	vsel vm0, v6, v7;
	vm14 =	vgt.s32 v28, v33  }
0x11b: {  	vm10 =	vgt.s32 v5, v37;
	vm5 =	vgt.s32 v4, v43;
	vm8 =	vgt.s32 v0, v45  }
0x11c: {  	vm11 =	vgt.s32 v3, v9;
	v35 =	vsel vm14, v33, v28;
	v7 =	vsel vm14, v28, v33  }
0x11d: {  	v39 =	vsel vm10, v5, v37;
	v5 =	vsel vm10, v37, v5;
	v44 =	vsel vm5, v4, v43  }
0x11e: {  	v4 =	vsel vm5, v43, v4;
	v47 =	vsel vm8, v0, v45;
	v0 =	vsel vm8, v45, v0  }
0x11f: {  	v49 =	vsel vm11, v3, v9;
	v3 =	vsel vm11, v9, v3;
	vm7 =	vlt.s32 v6, v7  }
0x120: {  	vm12 =	vgt.s32 v35, v39;
	vm10 =	vgt.s32 v1, v47;
	vm13 =	vgt.s32 v0, v49  }
0x121: {  	v6 =	vsel vm7, v6, v7;
	v41 =	vsel vm12, v35, v39;
	v8 =	vsel vm12, v39, v35  }
0x122: {  	vm7 =	vgt.s32 v5, v44;
	v48 =	vsel vm10, v1, v47;
	v1 =	vsel vm10, v47, v1  }
0x123: {  	v51 =	vsel vm13, v0, v49;
	v0 =	vsel vm13, v49, v0;
	vm14 =	vlt.s32 v6, v41  }
0x124: {  	v46 =	vsel vm7, v44, v5;
	v5 =	vsel vm7, v5, v44;
	vm12 =	vgt.s32 v2, v48  }
0x125: {  	vm5 =	vgt.s32 v1, v51;
	v6 =	vsel vm14, v6, v41;
	vm9 =	vgt.s32 v8, v5  }
0x126: {  	v50 =	vsel vm12, v2, v48;
	v2 =	vsel vm12, v48, v2;
	v53 =	vsel vm5, v1, v51  }
0x127: {  	v1 =	vsel vm5, v51, v1;
	v11 =	vsel vm9, v5, v8;
	v5 =	vsel vm9, v8, v5  }
0x128: {  	vm15 =	vgt.s32 v4, v50;
	vm9 =	vgt.s32 v2, v53;
	vm14 =	vlt.s32 v6, v5  }
0x129: {  	v52 =	vsel vm15, v4, v50;
	v4 =	vsel vm15, v50, v4;
	v55 =	vsel vm9, v2, v53  }
0x12a: {  	v2 =	vsel vm9, v53, v2;
	vm8 =	vgt.s32 v46, v52;
	vm10 =	vgt.s32 v4, v55  }
0x12b: {  	[tilespmem:$0x900] =	vst v3;
	v54 =	vsel vm8, v52, v46;
	v7 =	vsel vm8, v46, v52;
	v56 =	vsel vm10, v4, v55  }
0x12c: {  	[tilespmem:$0x910] =	vst v0;
	v5 =	vsel vm14, v6, v5;
	vm11 =	vgt.s32 v11, v7;
	vm12 =	vgt.s32 v54, v56  }
0x12d: {  	[tilespmem:$0x920] =	vst v1;
	v57 =	vsel vm11, v7, v11;
	v58 =	vsel vm11, v11, v7;
	v59 =	vsel vm12, v54, v56  }
0x12e: {  	[tilespmem:$0x930] =	vst v2;
	v60 =	vsel vm10, v55, v4;
	vm13 =	vlt.s32 v5, v58;
	vm14 =	vgt.s32 v57, v59  }
0x12f: {  	[tilespmem:$0x940] =	vst v60;
	v61 =	vsel vm12, v56, v54;
	v0 =	vsel vm13, v5, v58;
	v62 =	vsel vm14, v57, v59  }
0x130: {  	[tilespmem:$0x950] =	vst v61;
	v63 =	vsel vm14, v59, v57;
	vm15 =	vlt.s32 v0, v62  }
0x131: {  	[tilespmem:$0x960] =	vst v63;
	v0 =	vsel vm15, v0, v62  }
0x132: {  	[tilespmem:$0x970] =	vst v0  }
0x133: {  	[hbm4b:s9+s2] =	stream.linear.scatter [tilespmem:s24], [sflag:$0x1], $0x10, $0x38;
	[tilespmem:$0x980] =	vst v63  }
0x134: {  	_ =	swait.ge [sflag:s18], $0x10  }
0x135: {  	[sflag:s18] =	ssyncset.done $0x0  }
0x136: {  	[sflag:s18] =	ssyncadd.s32 $0xFFFFFFF0  }
0x137: {  	[hbm4b:s10+s2] =	stream.linear.scatter [tilespmem:s25], [sflag:$0x1], $0x10, $0x38;
	[tilespmem:$0x980] =	vst v63  }
0x138: {  	_ =	swait.ge [sflag:s18], $0x10  }
0x139: {  	[sflag:s18] =	ssyncset.done $0x0  }
0x13a: {  	[sflag:s18] =	ssyncadd.s32 $0xFFFFFFF0  }
0x13b: {  	[hbm4b:s11+s2] =	stream.linear.scatter [tilespmem:s26], [sflag:$0x1], $0x10, $0x38;
	[tilespmem:$0x980] =	vst v63  }
0x13c: {  	_ =	swait.ge [sflag:s18], $0x10  }
0x13d: {  	[sflag:s18] =	ssyncset.done $0x0  }
0x13e: {  	[sflag:s18] =	ssyncadd.s32 $0xFFFFFFF0  }
0x13f: {  	[hbm4b:s12+s2] =	stream.linear.scatter [tilespmem:s28], [sflag:$0x1], $0x10, $0x38;
	[tilespmem:$0x980] =	vst v63  }
0x140: {  	_ =	swait.ge [sflag:s18], $0x10  }
0x141: {  	[sflag:s18] =	ssyncset.done $0x0  }
0x142: {  	[sflag:s18] =	ssyncadd.s32 $0xFFFFFFF0  }
0x143: {  	[hbm4b:s13+s2] =	stream.linear.scatter [tilespmem:s29], [sflag:$0x1], $0x10, $0x38;
	[tilespmem:$0x980] =	vst v63  }
0x144: {  	_ =	swait.ge [sflag:s18], $0x10  }
0x145: {  	[sflag:s18] =	ssyncset.done $0x0  }
0x146: {  	[sflag:s18] =	ssyncadd.s32 $0xFFFFFFF0  }
0x147: {  	[hbm4b:s14+s2] =	stream.linear.scatter [tilespmem:s30], [sflag:$0x1], $0x10, $0x38;
	[tilespmem:$0x980] =	vst v63  }
0x148: {  	_ =	swait.ge [sflag:s18], $0x10  }
0x149: {  	[sflag:s18] =	ssyncset.done $0x0  }
0x14a: {  	[sflag:s18] =	ssyncadd.s32 $0xFFFFFFF0  }
0x14b: {  	[hbm4b:s15+s2] =	stream.linear.scatter [tilespmem:s31], [sflag:$0x1], $0x10, $0x38;
	[tilespmem:$0x980] =	vst v63  }
0x14c: {  	s1 =	sadd.s32 $0x1, s1;
	_ =	swait.ge [sflag:s18], $0x10  }
0x14d: {  	p0 =	sne.s32 s1, s17;
	[sflag:s18] =	ssyncset.done $0x0  }
.Ltmp1:
0x14e: {  	[sflag:s18] =	ssyncadd.s32 $0xFFFFFFF0;
	(pc) =	sbr.rel @p0 .LBB2_1-.Ltmp1, $4  }
0x14f: {  	[hbm4b:s16+s2] =	stream.linear.scatter [tilespmem:s0], [sflag:$0x1], $0x10, $0x38;
	[tilespmem:$0x980] =	vst v63  }
0x150: {  	_ =	swait.ge [sflag:s18], $0x10  }
0x151: {  	[sflag:s18] =	ssyncset.done $0x0  }
0x152: {  	[sflag:s18] =	ssyncadd.s32 $0xFFFFFFF0  }
0x153: {  	_ =	sfence.sel $0x180000  }
0x154: {  	[bflag:$0x0] =	sbarrier.arrive $0xFFFF  }
0x155: {  	_ =	strace $0x90000047  }
0x156: {  	s0 =	stileid.u32;
	[bflag:$0x2] =	sbarrier.arrive $0xFFFF  }
0x157: {  	p0 =	sne.s32 s0, $0x0;
	s0 =	rddreg [dreg:$0x2]  }
0x158: {  	s0 =	sadd.s32 @!p0 $0x100000, s0  }
0x159: {  	[sflag:s0] =	ssyncadd.tile.s32 @!p0 $0x1;
	_ =	shalt  }
.Lfunc_end2:
_tile_overlayer_lowered:
.L_overlay_start_2:
0x15a: {  	(tag) =	ssettag $0x2  }
0x15b: {  	s0 =	rddreg [dreg:$0x0];
	s2 =	stileid.u32  }
0x15c: {  	s1 =	rddreg [dreg:$0x1];
	p0 =	sne.s32 s2, $0x0  }
0x15d: {  	s3 =	rddreg [dreg:$0x2];
	[bflag:$0x3] =	sbarrier.arrive $0xFFFF;
	s2 =	simm.s32 @!p0 $0x1C01  }
0x15e: {  	[timem:s3], [sflag:s2] =	dma.local @!p0 [hbm:s0], s1  }
0x15f: {  	s0 =	simm.s32 @!p0 $0x1  }
0x160: {  	_ =	swait.ge @!p0 [sflag:s0], s1  }
0x161: {  	s1 =	ssub.s32 @!p0 $0x0, s1;
	[sflag:s0] =	ssyncset.done @!p0 $0x0  }
0x162: {  	[sflag:s0] =	ssyncadd.s32 @!p0 s1  }
0x163: {  	[bflag:$0x3] =	sbarrier.arrive $0xFFFF  }
0x164: {  	_ =	shalt  }

</sc_bundles>
